<compile_context>
chip_gen: v7x
topology: tpu7x:2x2x1
jax: 0.10.2.dev20260603
libtpu: 0.0.44.dev20260713+nightly
codegen_flags: <defaults>
</compile_context>

<pallas_src>
import jax
import jax.numpy as jnp
import numpy as np
from jax import lax
from jax.experimental import pallas as pl
from jax.experimental.pallas import tpu as pltpu
from jax.experimental.pallas import tpu_sc as plsc

N = 10000
E = 320000
D = 128
MASK_RATIO = 0.5

NC = 2
NS = 16
NW = NC * NS
EPW = E // NW
G = 80
CHUNKS = EPW // G
NPAD = 10240
RPT = NPAD // NS
NBUF = 3
ZROWS = 128

with jax.default_device(jax.devices("cpu")[0]):
    _MASK_F32 = np.asarray(
        jax.random.uniform(jax.random.key(42), (N, D)) < MASK_RATIO,
        dtype=np.float32,
    )


def _mesh():
    return plsc.VectorSubcoreMesh(
        core_axis_name="c", subcore_axis_name="s", num_cores=NC, num_subcores=NS
    )


def _fill_rows(ref, nrows, ncols, value):
    vec = jnp.full((16,), value, jnp.float32)

    @pl.loop(0, nrows)
    def _(r):
        @pl.loop(0, ncols // 16)
        def _(q):
            ref[r, pl.ds(q * 16, 16)] = vec


def _agg_body(x_hbm, src_hbm, dst_hbm, out_hbm, srcv, dstv, rowsv, zbuf,
              acc_sh, sem_g, sem_i, sem_s):
    cid = lax.axis_index("c")
    sid = lax.axis_index("s")
    w = cid * NS + sid

    _fill_rows(zbuf, ZROWS, D, 0.0)

    @pl.loop(0, RPT // ZROWS)
    def _(j):
        pltpu.sync_copy(zbuf, acc_sh.at[pl.ds(sid * RPT + j * ZROWS, ZROWS)])

    plsc.subcore_barrier()

    def idx_descs(c, b):
        base = w * EPW + c * G
        return (
            pltpu.make_async_copy(src_hbm.at[pl.ds(base, G)], srcv.at[b],
                                  sem_i.at[b]),
            pltpu.make_async_copy(dst_hbm.at[pl.ds(base, G)], dstv.at[b],
                                  sem_i.at[b]),
        )

    def issue_idx(c):
        b = lax.rem(c, NBUF)
        d1, d2 = idx_descs(c, b)
        d1.start()
        d2.start()

    def gather_desc(b):
        return pltpu.make_async_copy(x_hbm.at[srcv.at[b]],
                                     rowsv.at[pl.ds(b * G, G)], sem_g.at[b])

    def scatter_desc(b):
        return pltpu.make_async_copy(rowsv.at[pl.ds(b * G, G)],
                                     acc_sh.at[dstv.at[b]], sem_s.at[b])

    @pl.loop(0, NBUF)
    def _(c):
        issue_idx(c)

    @pl.loop(0, NBUF - 1)
    def _(c):
        d1, d2 = idx_descs(c, c)
        d1.wait()
        d2.wait()
        gather_desc(c).start()

    @pl.loop(0, CHUNKS)
    def _(c):
        b = lax.rem(c, NBUF)
        gather_desc(b).wait()
        scatter_desc(b).start(add=True)

        @pl.when(c + NBUF < CHUNKS)
        def _():
            issue_idx(c + NBUF)

        @pl.when(c + NBUF - 1 < CHUNKS)
        def _():
            b3 = lax.rem(c + NBUF - 1, NBUF)
            d1, d2 = idx_descs(c + NBUF - 1, b3)
            d1.wait()
            d2.wait()

            @pl.when(c >= 1)
            def _():
                scatter_desc(b3).wait()

            gather_desc(b3).start()

    @pl.loop(CHUNKS - NBUF, CHUNKS)
    def _(c):
        scatter_desc(lax.rem(c, NBUF)).wait()

    plsc.subcore_barrier()

    r0 = sid * RPT
    pltpu.sync_copy(acc_sh.at[pl.ds(r0, RPT)], out_hbm.at[cid].at[pl.ds(r0, RPT)])


def _sc_aggregate(x, src, dst):
    k = pl.kernel(
        _agg_body,
        out_type=jax.ShapeDtypeStruct((NC, NPAD, D), jnp.float32),
        mesh=_mesh(),
        scratch_types=[
            pltpu.VMEM((NBUF, G), jnp.int32),
            pltpu.VMEM((NBUF, G), jnp.int32),
            pltpu.VMEM((NBUF * G, D), jnp.float32),
            pltpu.VMEM((ZROWS, D), jnp.float32),
            pltpu.VMEM_SHARED((NPAD, D), jnp.float32),
            pltpu.SemaphoreType.DMA((NBUF,)),
            pltpu.SemaphoreType.DMA((NBUF,)),
            pltpu.SemaphoreType.DMA((NBUF,)),
        ],
    )
    return k(x, src, dst)


def _deg_body(dst_hbm, deg_hbm, dstv, onesv, zdeg, deg_sh, sem_i, sem_s):
    cid = lax.axis_index("c")
    sid = lax.axis_index("s")
    w = cid * NS + sid

    _fill_rows(zdeg, ZROWS, D, 0.0)
    _fill_rows(onesv, G, D, 1.0)

    @pl.loop(0, RPT // ZROWS)
    def _(j):
        pltpu.sync_copy(zdeg, deg_sh.at[pl.ds(sid * RPT + j * ZROWS, ZROWS)])

    plsc.subcore_barrier()

    def idx_desc(c, b):
        return pltpu.make_async_copy(dst_hbm.at[pl.ds(w * EPW + c * G, G)],
                                     dstv.at[b], sem_i.at[b])

    def scatter_desc(b):
        return pltpu.make_async_copy(onesv, deg_sh.at[dstv.at[b]], sem_s.at[b])

    @pl.loop(0, NBUF)
    def _(c):
        idx_desc(c, c).start()

    @pl.loop(0, CHUNKS)
    def _(c):
        b = lax.rem(c, NBUF)
        idx_desc(c, b).wait()
        scatter_desc(b).start(add=True)

        @pl.when((c >= 1) & (c + NBUF - 1 < CHUNKS))
        def _():
            b3 = lax.rem(c - 1, NBUF)
            scatter_desc(b3).wait()
            idx_desc(c + NBUF - 1, b3).start()

    @pl.loop(CHUNKS - NBUF, CHUNKS)
    def _(c):
        scatter_desc(lax.rem(c, NBUF)).wait()

    plsc.subcore_barrier()

    r0 = sid * RPT
    pltpu.sync_copy(deg_sh.at[pl.ds(r0, RPT)], deg_hbm.at[cid].at[pl.ds(r0, RPT)])


def _sc_degrees(dst):
    k = pl.kernel(
        _deg_body,
        out_type=jax.ShapeDtypeStruct((NC, NPAD, D), jnp.float32),
        mesh=_mesh(),
        scratch_types=[
            pltpu.VMEM((NBUF, G), jnp.int32),
            pltpu.VMEM((G, D), jnp.float32),
            pltpu.VMEM((ZROWS, D), jnp.float32),
            pltpu.VMEM_SHARED((NPAD, D), jnp.float32),
            pltpu.SemaphoreType.DMA((NBUF,)),
            pltpu.SemaphoreType.DMA((NBUF,)),
        ],
    )
    return k(dst)


def _mask_features(mask_f, feat):
    def body(m_ref, x_ref, o_ref):
        o_ref[...] = jnp.where(m_ref[...] > 0.0, 0.0, x_ref[...])

    return pl.pallas_call(
        body, out_shape=jax.ShapeDtypeStruct((N, D), jnp.float32)
    )(mask_f, feat)


_BR = 1000


def _neigh_mean(agg_ref, deg_ref):
    agg = agg_ref[0] + agg_ref[1]
    deg = deg_ref[0, :, 0:1] + deg_ref[1, :, 0:1]
    return agg / jnp.maximum(deg, 1.0)


def _sage_layer(x_self, agg_p, deg_p, w_self, w_neigh, b, g_w, g_b, relu):

    def body(xs_ref, agg_ref, deg_ref, ws_ref, wn_ref, b_ref, gw_ref, gb_ref, o_ref):
        h = _neigh_mean(agg_ref, deg_ref)
        z = (
            jnp.dot(xs_ref[...], ws_ref[...], preferred_element_type=jnp.float32)
            + jnp.dot(h, wn_ref[...], preferred_element_type=jnp.float32)
            + b_ref[...]
        )
        gate = jax.nn.sigmoid(
            jnp.dot(z, gw_ref[...], preferred_element_type=jnp.float32) + gb_ref[...]
        )
        z = z * gate
        if relu:
            z = jnp.maximum(z, 0.0)
        o_ref[...] = z

    wspec = pl.BlockSpec((D, D), lambda i: (0, 0))
    bspec = pl.BlockSpec((1, D), lambda i: (0, 0))
    return pl.pallas_call(
        body,
        grid=(N // _BR,),
        in_specs=[
            pl.BlockSpec((_BR, D), lambda i: (i, 0)),
            pl.BlockSpec((NC, _BR, D), lambda i: (0, i, 0)),
            pl.BlockSpec((NC, _BR, D), lambda i: (0, i, 0)),
            wspec, wspec, bspec, wspec, bspec,
        ],
        out_specs=pl.BlockSpec((_BR, D), lambda i: (i, 0)),
        out_shape=jax.ShapeDtypeStruct((N, D), jnp.float32),
    )(x_self, agg_p, deg_p, w_self, w_neigh, b, g_w, g_b)


def _final_layer(z1, agg_p, deg_p, w_self, w_neigh, b, g_w, g_b, dec_w, dec_b,
                 feat, mask_f):
    nblk = N // _BR

    def body(z1_ref, agg_ref, deg_ref, ws_ref, wn_ref, b_ref, gw_ref, gb_ref,
             dw_ref, db_ref, feat_ref, m_ref, o_ref, loss_ref, acc):
        i = pl.program_id(0)

        @pl.when(i == 0)
        def _():
            acc[0] = 0.0
            acc[1] = 0.0

        h = _neigh_mean(agg_ref, deg_ref)
        z = (
            jnp.dot(z1_ref[...], ws_ref[...], preferred_element_type=jnp.float32)
            + jnp.dot(h, wn_ref[...], preferred_element_type=jnp.float32)
            + b_ref[...]
        )
        gate = jax.nn.sigmoid(
            jnp.dot(z, gw_ref[...], preferred_element_type=jnp.float32) + gb_ref[...]
        )
        z = z * gate
        o_ref[...] = z

        rec = jnp.dot(z, dw_ref[...], preferred_element_type=jnp.float32) + db_ref[...]
        rec_n = rec / jnp.maximum(
            jnp.sqrt(jnp.sum(rec * rec, axis=1, keepdims=True)), 1e-12
        )
        feat_b = feat_ref[...]
        orig_n = feat_b / jnp.maximum(
            jnp.sqrt(jnp.sum(feat_b * feat_b, axis=1, keepdims=True)), 1e-12
        )
        cos = jnp.sum(rec_n * orig_n, axis=1, keepdims=True)
        scaling = jnp.maximum(
            jnp.sqrt(jnp.sum(rec_n * rec_n, axis=1, keepdims=True)), 1e-6
        )
        err = 1.0 - cos / scaling
        m = jnp.max(m_ref[...], axis=1, keepdims=True)
        acc[0] += jnp.sum(err * m)
        acc[1] += jnp.sum(m)

        @pl.when(i == nblk - 1)
        def _():
            loss_ref[0, 0] = acc[0] / jnp.maximum(acc[1], 1.0)

    wspec = pl.BlockSpec((D, D), lambda i: (0, 0))
    bspec = pl.BlockSpec((1, D), lambda i: (0, 0))
    return pl.pallas_call(
        body,
        grid=(nblk,),
        in_specs=[
            pl.BlockSpec((_BR, D), lambda i: (i, 0)),
            pl.BlockSpec((NC, _BR, D), lambda i: (0, i, 0)),
            pl.BlockSpec((NC, _BR, D), lambda i: (0, i, 0)),
            wspec, wspec, bspec, wspec, bspec, wspec, bspec,
            pl.BlockSpec((_BR, D), lambda i: (i, 0)),
            pl.BlockSpec((_BR, D), lambda i: (i, 0)),
        ],
        out_specs=[
            pl.BlockSpec((_BR, D), lambda i: (i, 0)),
            pl.BlockSpec(memory_space=pltpu.SMEM),
        ],
        out_shape=[
            jax.ShapeDtypeStruct((N, D), jnp.float32),
            jax.ShapeDtypeStruct((1, 1), jnp.float32),
        ],
        scratch_shapes=[pltpu.SMEM((2,), jnp.float32)],
    )(z1, agg_p, deg_p, w_self, w_neigh, b, g_w, g_b, dec_w, dec_b, feat, mask_f)


def kernel(in_feat, edge_index, W1_self, W1_neigh, b1, W2_self, W2_neigh, b2,
           G1_W, G1_b, G2_W, G2_b, Dec_W, Dec_b):
    mask_f = jnp.asarray(_MASK_F32)
    src = edge_index[0].astype(jnp.int32)
    dst = edge_index[1].astype(jnp.int32)

    masked = _mask_features(mask_f, in_feat)
    deg_p = _sc_degrees(dst)
    agg1_p = _sc_aggregate(masked, src, dst)
    z1 = _sage_layer(
        masked, agg1_p, deg_p,
        W1_self, W1_neigh, b1.reshape(1, D), G1_W, G1_b.reshape(1, D), relu=True,
    )
    agg2_p = _sc_aggregate(z1, src, dst)
    z, loss = _final_layer(
        z1, agg2_p, deg_p,
        W2_self, W2_neigh, b2.reshape(1, D), G2_W, G2_b.reshape(1, D),
        Dec_W, Dec_b.reshape(1, D), in_feat, mask_f,
    )
    return z, loss[0, 0]

# --- scband reference (transcript-rebuilt; emitter-appended) ---
"""Pipeline reference for scband-graph-mae-54116587929729 (READ-ONLY COPY).

The authoritative reference and input builder live on the scoring server;
editing this copy changes nothing except your own understanding.
"""

import jax, jax.numpy as jnp
import numpy as np

N = 10000
E = 320000
D = 128
MASK_RATIO = 0.5


def _sage_mean(x_src, src, dst, W_self, W_neigh, b):
    msgs = jnp.take(x_src, src, axis=0)
    agg = jax.ops.segment_sum(msgs, dst, num_segments=N)
    deg = jax.ops.segment_sum(jnp.ones((src.shape[0],), x_src.dtype), dst, num_segments=N)
    h_neigh = agg / jnp.clip(deg, 1.0, None)[:, None]
    return x_src @ W_self + h_neigh @ W_neigh + b


def setup_inputs(seed: int = 0) -> dict:
    key = jax.random.key(seed)
    ks = jax.random.split(key, 16)
    s = 1.0 / np.sqrt(D)
    inp = {}
    inp["in_feat"] = jax.random.normal(ks[0], (N, D), dtype=jnp.float32)
    inp["edge_index"] = jax.random.randint(ks[1], (2, E), 0, N, dtype=jnp.int32).astype(jnp.int64)
    inp["W1_self"] = jax.random.uniform(ks[2], (D, D), jnp.float32, -s, s)
    inp["W1_neigh"] = jax.random.uniform(ks[3], (D, D), jnp.float32, -s, s)
    inp["b1"] = jnp.zeros((D,), jnp.float32)
    inp["W2_self"] = jax.random.uniform(ks[4], (D, D), jnp.float32, -s, s)
    inp["W2_neigh"] = jax.random.uniform(ks[5], (D, D), jnp.float32, -s, s)
    inp["b2"] = jnp.zeros((D,), jnp.float32)
    inp["G1_W"] = jax.random.uniform(ks[6], (D, D), jnp.float32, -s, s)
    inp["G1_b"] = jnp.zeros((D,), jnp.float32)
    inp["G2_W"] = jax.random.uniform(ks[7], (D, D), jnp.float32, -s, s)
    inp["G2_b"] = jnp.zeros((D,), jnp.float32)
    inp["Dec_W"] = jax.random.uniform(ks[8], (D, D), jnp.float32, -s, s)
    inp["Dec_b"] = jnp.zeros((D,), jnp.float32)
    return inp


def reference(in_feat, edge_index, W1_self, W1_neigh, b1, W2_self, W2_neigh, b2, G1_W, G1_b, G2_W, G2_b, Dec_W, Dec_b):
    src = edge_index[0]
    dst = edge_index[1]
    # mask_features (deterministic random mask, mirrors th.rand < mask_ratio)
    mask = jax.random.uniform(jax.random.key(42), in_feat.shape) < MASK_RATIO
    masked_feat = jnp.where(mask, 0.0, in_feat)
    # conv1 (SAGE, mean aggregator)
    z = _sage_mean(masked_feat, src, dst, W1_self, W1_neigh, b1)
    gate1 = jax.nn.sigmoid(z @ G1_W + G1_b)
    z = z * gate1
    z = jax.nn.relu(z)
    # conv2
    z = _sage_mean(z, src, dst, W2_self, W2_neigh, b2)
    gate2 = jax.nn.sigmoid(z @ G2_W + G2_b)
    z = z * gate2
    reconstructed = z @ Dec_W + Dec_b
    # scaled cosine error on masked nodes
    rec_n = reconstructed / jnp.maximum(jnp.linalg.norm(reconstructed, axis=1, keepdims=True), 1e-12)
    orig_n = in_feat / jnp.maximum(jnp.linalg.norm(in_feat, axis=1, keepdims=True), 1e-12)
    cos = jnp.sum(rec_n * orig_n, axis=1)
    node_mask = jnp.max(mask, axis=1)  # any feature masked
    scaling = jnp.clip(jnp.linalg.norm(rec_n, axis=1), 1e-06, None)
    err = 1.0 - cos / scaling
    m = node_mask.astype(jnp.float32)
    loss = jnp.sum(err * m) / jnp.maximum(jnp.sum(m), 1.0)
    return (z, loss)

if __name__ == "__main__":
    import jax
    _d = setup_inputs()
    print(jax.jit(kernel)(*tuple(_d.values())))

</pallas_src>

<mosaic_0001>
#map = affine_map<(d0, d1) -> (0, 0)>
#map1 = affine_map<(d0, d1) -> (0)>
#map2 = affine_map<(d0, d1) -> (0, 0, 0)>
module attributes {stable_mosaic.version = 14 : i64} {
  func.func @_agg_body(%arg0: i32, %arg1: i32, %arg2: memref<10000x128xf32, #tpu.memory_space<hbm>>, %arg3: memref<320000xi32, #tpu.memory_space<hbm>>, %arg4: memref<320000xi32, #tpu.memory_space<hbm>>, %arg5: memref<2x10240x128xf32, #tpu.memory_space<hbm>>, %arg6: memref<3x80xi32, #tpu.memory_space<vmem>>, %arg7: memref<3x80xi32, #tpu.memory_space<vmem>>, %arg8: memref<240x128xf32, #tpu.memory_space<vmem>>, %arg9: memref<128x128xf32, #tpu.memory_space<vmem>>, %arg10: memref<10240x128xf32, #tpu.memory_space<vmem_shared>>, %arg11: memref<3x!tpu.dma_semaphore, #tpu.memory_space<semaphore_mem>>, %arg12: memref<3x!tpu.dma_semaphore, #tpu.memory_space<semaphore_mem>>, %arg13: memref<3x!tpu.dma_semaphore, #tpu.memory_space<semaphore_mem>>) attributes {dimension_semantics = [#tpu.dimension_semantics<core_parallel>, #tpu.dimension_semantics<subcore_parallel>], iteration_bounds = array<i64: 2, 16>, scalar_prefetch = 0 : i64, scratch_operands = 8 : i64, tpu.core_type = #tpu.core_type<sc_vector_subcore>, window_params = [{transform_indices = #map}, {transform_indices = #map1}, {transform_indices = #map1}, {transform_indices = #map2}]} {
    %mul3A = arith.constant 16 : i32
    %mul3A_0 = arith.muli %arg0, %mul3A : i32
    %add3A = arith.addi %mul3A_0, %arg1 : i32
    %broadcast_in_dim3A = arith.constant 0.000000e+00 : f32
    %broadcast_in_dim3A_1 = vector.broadcast %broadcast_in_dim3A : f32 to vector<16xf32>
    %scan3A = arith.constant 0 : i32
    %scan3A_2 = arith.constant 128 : i32
    %scan3A_3 = arith.addi %scan3A, %scan3A_2 : i32
    %scan3A_4 = arith.constant 1 : i32
    scf.for %scan3A_34 = %scan3A to %scan3A_3 step %scan3A_4  : i32 {
      %mul3A_35 = arith.constant 1 : i32
      %mul3A_36 = arith.muli %scan3A_34, %mul3A_35 : i32
      %add3A_37 = arith.constant 0 : i32
      %add3A_38 = arith.addi %add3A_37, %mul3A_36 : i32
      %scan3A_39 = arith.constant 0 : i32
      %scan3A_40 = arith.constant 8 : i32
      %scan3A_41 = arith.addi %scan3A_39, %scan3A_40 : i32
      %scan3A_42 = arith.constant 1 : i32
      scf.for %scan3A_44 = %scan3A_39 to %scan3A_41 step %scan3A_42  : i32 {
        %mul3A_45 = arith.constant 1 : i32
        %mul3A_46 = arith.muli %scan3A_44, %mul3A_45 : i32
        %add3A_47 = arith.constant 0 : i32
        %add3A_48 = arith.addi %add3A_47, %mul3A_46 : i32
        %mul3A_49 = arith.constant 16 : i32
        %mul3A_50 = arith.muli %add3A_48, %mul3A_49 : i32
        %swap3A = arith.index_cast %add3A_38 : i32 to index
        %swap3A_51 = arith.index_cast %mul3A_50 : i32 to index
        %swap3A_52 = tpu.vector_load %arg9[%swap3A, %swap3A_51] {strides = array<i32>} : memref<128x128xf32, #tpu.memory_space<vmem>>, vector<1x16xf32>,
        %swap3A_53 = vector.shape_cast %swap3A_52 : vector<1x16xf32> to vector<16xf32>
        %swap3A_54 = vector.shape_cast %broadcast_in_dim3A_1 : vector<16xf32> to vector<1x16xf32>
        tpu.vector_store %arg9[%swap3A, %swap3A_51], %swap3A_54 {strides = array<i32>} : memref<128x128xf32, #tpu.memory_space<vmem>>, vector<1x16xf32>,
      }
      %scan3A_43 = arith.constant 8 : i32
    }
    %scan3A_5 = arith.constant 128 : i32
    %scan3A_6 = arith.constant 0 : i32
    %scan3A_7 = arith.constant 5 : i32
    %scan3A_8 = arith.addi %scan3A_6, %scan3A_7 : i32
    %scan3A_9 = arith.constant 1 : i32
    scf.for %scan3A_34 = %scan3A_6 to %scan3A_8 step %scan3A_9  : i32 {
      %mul3A_35 = arith.constant 1 : i32
      %mul3A_36 = arith.muli %scan3A_34, %mul3A_35 : i32
      %add3A_37 = arith.constant 0 : i32
      %add3A_38 = arith.addi %add3A_37, %mul3A_36 : i32
      %mul3A_39 = arith.constant 640 : i32
      %mul3A_40 = arith.muli %arg1, %mul3A_39 : i32
      %mul3A_41 = arith.constant 128 : i32
      %mul3A_42 = arith.muli %add3A_38, %mul3A_41 : i32
      %add3A_43 = arith.addi %mul3A_40, %mul3A_42 : i32
      "tpu.region"() ({
        %run_scoped3A = tpu.sem_alloc : memref<!tpu.dma_semaphore, #tpu.memory_space<semaphore_mem>>
        %dma_start3A = arith.constant 0 : i32
        %dma_start3A_44 = tpu.memref_slice %arg10[%add3A_43, %dma_start3A] : memref<10240x128xf32, #tpu.memory_space<vmem_shared>> -> memref<128x128xf32, #tpu.memory_space<vmem_shared>>
        %dma_start3A_45 = arith.constant 0 : i32
        %dma_start3A_46 = tpu.memref_slice %arg10[%add3A_43, %dma_start3A_45] : memref<10240x128xf32, #tpu.memory_space<vmem_shared>> -> memref<128x128xf32, #tpu.memory_space<vmem_shared>>
        tpu.enqueue_dma source(%arg9 : memref<128x128xf32, #tpu.memory_space<vmem>>) target(%dma_start3A_46 : memref<128x128xf32, #tpu.memory_space<vmem_shared>>) target_semaphore(%run_scoped3A : memref<!tpu.dma_semaphore, #tpu.memory_space<semaphore_mem>>)
        %dma_wait3A = arith.constant 0 : i32
        %dma_wait3A_47 = tpu.memref_slice %arg10[%add3A_43, %dma_wait3A] : memref<10240x128xf32, #tpu.memory_space<vmem_shared>> -> memref<128x128xf32, #tpu.memory_space<vmem_shared>>
        %dma_wait3A_48 = arith.constant 0 : i32
        %dma_wait3A_49 = tpu.memref_slice %arg10[%add3A_43, %dma_wait3A_48] : memref<10240x128xf32, #tpu.memory_space<vmem_shared>> -> memref<128x128xf32, #tpu.memory_space<vmem_shared>>
        tpu.wait_dma2 semaphore(%run_scoped3A : memref<!tpu.dma_semaphore, #tpu.memory_space<semaphore_mem>>) src(%arg9 : memref<128x128xf32, #tpu.memory_space<vmem>>) dst(%dma_wait3A_49 : memref<128x128xf32, #tpu.memory_space<vmem_shared>>)
        tpu.yield
      }) : () -> ()
    }
    %scan3A_10 = arith.constant 5 : i32
    %barrier3A = arith.constant 0 : index
    tpu.barrier barrier_id(%barrier3A)
    %scan3A_11 = arith.constant 0 : i32
    %scan3A_12 = arith.constant 3 : i32
    %scan3A_13 = arith.addi %scan3A_11, %scan3A_12 : i32
    %scan3A_14 = arith.constant 1 : i32
    scf.for %scan3A_34 = %scan3A_11 to %scan3A_13 step %scan3A_14  : i32 {
      %mul3A_35 = arith.constant 1 : i32
      %mul3A_36 = arith.muli %scan3A_34, %mul3A_35 : i32
      %add3A_37 = arith.constant 0 : i32
      %add3A_38 = arith.addi %add3A_37, %mul3A_36 : i32
      %rem3A = arith.constant 3 : i32
      %rem3A_39 = arith.remsi %add3A_38, %rem3A : i32
      %mul3A_40 = arith.constant 10000 : i32
      %mul3A_41 = arith.muli %add3A, %mul3A_40 : i32
      %mul3A_42 = arith.constant 80 : i32
      %mul3A_43 = arith.muli %add3A_38, %mul3A_42 : i32
      %add3A_44 = arith.addi %mul3A_41, %mul3A_43 : i32
      %dma_start3A = arith.constant 0 : i32
      %dma_start3A_45 = tpu.memref_slice %arg6[%rem3A_39, %dma_start3A] : memref<3x80xi32, #tpu.memory_space<vmem>> -> memref<1x80xi32, #tpu.memory_space<vmem>>
      %dma_start3A_46 = tpu.memref_squeeze %dma_start3A_45 : memref<1x80xi32, #tpu.memory_space<vmem>> -> memref<80xi32, #tpu.memory_space<vmem>>
      %dma_start3A_47 = tpu.memref_slice %arg3[%add3A_44] : memref<320000xi32, #tpu.memory_space<hbm>> -> memref<80xi32, #tpu.memory_space<hbm>>
      %dma_start3A_48 = tpu.memref_slice %arg12[%rem3A_39] : memref<3x!tpu.dma_semaphore, #tpu.memory_space<semaphore_mem>> -> memref<1x!tpu.dma_semaphore, #tpu.memory_space<semaphore_mem>>
      %dma_start3A_49 = tpu.memref_squeeze %dma_start3A_48 : memref<1x!tpu.dma_semaphore, #tpu.memory_space<semaphore_mem>> -> memref<!tpu.dma_semaphore, #tpu.memory_space<semaphore_mem>>
      %dma_start3A_50 = arith.constant 0 : i32
      %dma_start3A_51 = tpu.memref_slice %arg6[%rem3A_39, %dma_start3A_50] : memref<3x80xi32, #tpu.memory_space<vmem>> -> memref<1x80xi32, #tpu.memory_space<vmem>>
      %dma_start3A_52 = tpu.memref_squeeze %dma_start3A_51 : memref<1x80xi32, #tpu.memory_space<vmem>> -> memref<80xi32, #tpu.memory_space<vmem>>
      %dma_start3A_53 = tpu.memref_slice %arg3[%add3A_44] : memref<320000xi32, #tpu.memory_space<hbm>> -> memref<80xi32, #tpu.memory_space<hbm>>
      tpu.enqueue_dma source(%dma_start3A_53 : memref<80xi32, #tpu.memory_space<hbm>>) target(%dma_start3A_52 : memref<80xi32, #tpu.memory_space<vmem>>) target_semaphore(%dma_start3A_49 : memref<!tpu.dma_semaphore, #tpu.memory_space<semaphore_mem>>)
      %dma_start3A_54 = arith.constant 0 : i32
      %dma_start3A_55 = tpu.memref_slice %arg7[%rem3A_39, %dma_start3A_54] : memref<3x80xi32, #tpu.memory_space<vmem>> -> memref<1x80xi32, #tpu.memory_space<vmem>>
      %dma_start3A_56 = tpu.memref_squeeze %dma_start3A_55 : memref<1x80xi32, #tpu.memory_space<vmem>> -> memref<80xi32, #tpu.memory_space<vmem>>
      %dma_start3A_57 = tpu.memref_slice %arg4[%add3A_44] : memref<320000xi32, #tpu.memory_space<hbm>> -> memref<80xi32, #tpu.memory_space<hbm>>
      %dma_start3A_58 = tpu.memref_slice %arg12[%rem3A_39] : memref<3x!tpu.dma_semaphore, #tpu.memory_space<semaphore_mem>> -> memref<1x!tpu.dma_semaphore, #tpu.memory_space<semaphore_mem>>
      %dma_start3A_59 = tpu.memref_squeeze %dma_start3A_58 : memref<1x!tpu.dma_semaphore, #tpu.memory_space<semaphore_mem>> -> memref<!tpu.dma_semaphore, #tpu.memory_space<semaphore_mem>>
      %dma_start3A_60 = arith.constant 0 : i32
      %dma_start3A_61 = tpu.memref_slice %arg7[%rem3A_39, %dma_start3A_60] : memref<3x80xi32, #tpu.memory_space<vmem>> -> memref<1x80xi32, #tpu.memory_space<vmem>>
      %dma_start3A_62 = tpu.memref_squeeze %dma_start3A_61 : memref<1x80xi32, #tpu.memory_space<vmem>> -> memref<80xi32, #tpu.memory_space<vmem>>
      %dma_start3A_63 = tpu.memref_slice %arg4[%add3A_44] : memref<320000xi32, #tpu.memory_space<hbm>> -> memref<80xi32, #tpu.memory_space<hbm>>
      tpu.enqueue_dma source(%dma_start3A_63 : memref<80xi32, #tpu.memory_space<hbm>>) target(%dma_start3A_62 : memref<80xi32, #tpu.memory_space<vmem>>) target_semaphore(%dma_start3A_59 : memref<!tpu.dma_semaphore, #tpu.memory_space<semaphore_mem>>)
    }
    %scan3A_15 = arith.constant 3 : i32
    %scan3A_16 = arith.constant 0 : i32
    %scan3A_17 = arith.constant 2 : i32
    %scan3A_18 = arith.addi %scan3A_16, %scan3A_17 : i32
    %scan3A_19 = arith.constant 1 : i32
    scf.for %scan3A_34 = %scan3A_16 to %scan3A_18 step %scan3A_19  : i32 {
      %mul3A_35 = arith.constant 1 : i32
      %mul3A_36 = arith.muli %scan3A_34, %mul3A_35 : i32
      %add3A_37 = arith.constant 0 : i32
      %add3A_38 = arith.addi %add3A_37, %mul3A_36 : i32
      %mul3A_39 = arith.constant 10000 : i32
      %mul3A_40 = arith.muli %add3A, %mul3A_39 : i32
      %mul3A_41 = arith.constant 80 : i32
      %mul3A_42 = arith.muli %add3A_38, %mul3A_41 : i32
      %add3A_43 = arith.addi %mul3A_40, %mul3A_42 : i32
      %dma_wait3A = arith.constant 0 : i32
      %dma_wait3A_44 = tpu.memref_slice %arg6[%add3A_38, %dma_wait3A] : memref<3x80xi32, #tpu.memory_space<vmem>> -> memref<1x80xi32, #tpu.memory_space<vmem>>
      %dma_wait3A_45 = tpu.memref_squeeze %dma_wait3A_44 : memref<1x80xi32, #tpu.memory_space<vmem>> -> memref<80xi32, #tpu.memory_space<vmem>>
      %dma_wait3A_46 = tpu.memref_slice %arg3[%add3A_43] : memref<320000xi32, #tpu.memory_space<hbm>> -> memref<80xi32, #tpu.memory_space<hbm>>
      %dma_wait3A_47 = tpu.memref_slice %arg12[%add3A_38] : memref<3x!tpu.dma_semaphore, #tpu.memory_space<semaphore_mem>> -> memref<1x!tpu.dma_semaphore, #tpu.memory_space<semaphore_mem>>
      %dma_wait3A_48 = tpu.memref_squeeze %dma_wait3A_47 : memref<1x!tpu.dma_semaphore, #tpu.memory_space<semaphore_mem>> -> memref<!tpu.dma_semaphore, #tpu.memory_space<semaphore_mem>>
      %dma_wait3A_49 = arith.constant 0 : i32
      %dma_wait3A_50 = tpu.memref_slice %arg6[%add3A_38, %dma_wait3A_49] : memref<3x80xi32, #tpu.memory_space<vmem>> -> memref<1x80xi32, #tpu.memory_space<vmem>>
      %dma_wait3A_51 = tpu.memref_squeeze %dma_wait3A_50 : memref<1x80xi32, #tpu.memory_space<vmem>> -> memref<80xi32, #tpu.memory_space<vmem>>
      %dma_wait3A_52 = tpu.memref_slice %arg3[%add3A_43] : memref<320000xi32, #tpu.memory_space<hbm>> -> memref<80xi32, #tpu.memory_space<hbm>>
      tpu.wait_dma2 semaphore(%dma_wait3A_48 : memref<!tpu.dma_semaphore, #tpu.memory_space<semaphore_mem>>) src(%dma_wait3A_52 : memref<80xi32, #tpu.memory_space<hbm>>) dst(%dma_wait3A_51 : memref<80xi32, #tpu.memory_space<vmem>>)
      %dma_wait3A_53 = arith.constant 0 : i32
      %dma_wait3A_54 = tpu.memref_slice %arg7[%add3A_38, %dma_wait3A_53] : memref<3x80xi32, #tpu.memory_space<vmem>> -> memref<1x80xi32, #tpu.memory_space<vmem>>
      %dma_wait3A_55 = tpu.memref_squeeze %dma_wait3A_54 : memref<1x80xi32, #tpu.memory_space<vmem>> -> memref<80xi32, #tpu.memory_space<vmem>>
      %dma_wait3A_56 = tpu.memref_slice %arg4[%add3A_43] : memref<320000xi32, #tpu.memory_space<hbm>> -> memref<80xi32, #tpu.memory_space<hbm>>
      %dma_wait3A_57 = tpu.memref_slice %arg12[%add3A_38] : memref<3x!tpu.dma_semaphore, #tpu.memory_space<semaphore_mem>> -> memref<1x!tpu.dma_semaphore, #tpu.memory_space<semaphore_mem>>
      %dma_wait3A_58 = tpu.memref_squeeze %dma_wait3A_57 : memref<1x!tpu.dma_semaphore, #tpu.memory_space<semaphore_mem>> -> memref<!tpu.dma_semaphore, #tpu.memory_space<semaphore_mem>>
      %dma_wait3A_59 = arith.constant 0 : i32
      %dma_wait3A_60 = tpu.memref_slice %arg7[%add3A_38, %dma_wait3A_59] : memref<3x80xi32, #tpu.memory_space<vmem>> -> memref<1x80xi32, #tpu.memory_space<vmem>>
      %dma_wait3A_61 = tpu.memref_squeeze %dma_wait3A_60 : memref<1x80xi32, #tpu.memory_space<vmem>> -> memref<80xi32, #tpu.memory_space<vmem>>
      %dma_wait3A_62 = tpu.memref_slice %arg4[%add3A_43] : memref<320000xi32, #tpu.memory_space<hbm>> -> memref<80xi32, #tpu.memory_space<hbm>>
      tpu.wait_dma2 semaphore(%dma_wait3A_58 : memref<!tpu.dma_semaphore, #tpu.memory_space<semaphore_mem>>) src(%dma_wait3A_62 : memref<80xi32, #tpu.memory_space<hbm>>) dst(%dma_wait3A_61 : memref<80xi32, #tpu.memory_space<vmem>>)
      %mul3A_63 = arith.constant 80 : i32
      %mul3A_64 = arith.muli %add3A_38, %mul3A_63 : i32
      %dma_start3A = arith.constant 0 : i32
      %dma_start3A_65 = tpu.memref_slice %arg8[%mul3A_64, %dma_start3A] : memref<240x128xf32, #tpu.memory_space<vmem>> -> memref<80x128xf32, #tpu.memory_space<vmem>>
      %dma_start3A_66 = arith.constant 0 : i32
      %dma_start3A_67 = tpu.memref_slice %arg6[%add3A_38, %dma_start3A_66] : memref<3x80xi32, #tpu.memory_space<vmem>> -> memref<1x80xi32, #tpu.memory_space<vmem>>
      %dma_start3A_68 = tpu.memref_squeeze %dma_start3A_67 : memref<1x80xi32, #tpu.memory_space<vmem>> -> memref<80xi32, #tpu.memory_space<vmem>>
      %dma_start3A_69 = arith.constant 0 : i32
      %dma_start3A_70 = arith.constant 0 : i32
      %dma_start3A_71 = tpu.memref_slice %arg2[%dma_start3A_69, %dma_start3A_70] : memref<10000x128xf32, #tpu.memory_space<hbm>> -> memref<10000x128xf32, #tpu.memory_space<hbm>>
      %dma_start3A_72 = tpu.memref_slice %arg11[%add3A_38] : memref<3x!tpu.dma_semaphore, #tpu.memory_space<semaphore_mem>> -> memref<1x!tpu.dma_semaphore, #tpu.memory_space<semaphore_mem>>
      %dma_start3A_73 = tpu.memref_squeeze %dma_start3A_72 : memref<1x!tpu.dma_semaphore, #tpu.memory_space<semaphore_mem>> -> memref<!tpu.dma_semaphore, #tpu.memory_space<semaphore_mem>>
      tpu.enqueue_indirect_dma source(%dma_start3A_71 : memref<10000x128xf32, #tpu.memory_space<hbm>>) target(%dma_start3A_65 : memref<80x128xf32, #tpu.memory_space<vmem>>) offsets(%dma_start3A_68 : memref<80xi32, #tpu.memory_space<vmem>>) semaphore(%dma_start3A_73 : memref<!tpu.dma_semaphore, #tpu.memory_space<semaphore_mem>>)
    }
    %scan3A_20 = arith.constant 2 : i32
    %scan3A_21 = arith.constant 0 : i32
    %scan3A_22 = arith.constant 125 : i32
    %scan3A_23 = arith.addi %scan3A_21, %scan3A_22 : i32
    %scan3A_24 = arith.constant 1 : i32
    scf.for %scan3A_34 = %scan3A_21 to %scan3A_23 step %scan3A_24  : i32 {
      %mul3A_35 = arith.constant 1 : i32
      %mul3A_36 = arith.muli %scan3A_34, %mul3A_35 : i32
      %add3A_37 = arith.constant 0 : i32
      %add3A_38 = arith.addi %add3A_37, %mul3A_36 : i32
      %rem3A = arith.constant 3 : i32
      %rem3A_39 = arith.remsi %add3A_38, %rem3A : i32
      %mul3A_40 = arith.constant 80 : i32
      %mul3A_41 = arith.muli %rem3A_39, %mul3A_40 : i32
      %dma_wait3A = arith.constant 0 : i32
      %dma_wait3A_42 = tpu.memref_slice %arg8[%mul3A_41, %dma_wait3A] : memref<240x128xf32, #tpu.memory_space<vmem>> -> memref<80x128xf32, #tpu.memory_space<vmem>>
      %dma_wait3A_43 = arith.constant 0 : i32
      %dma_wait3A_44 = tpu.memref_slice %arg6[%rem3A_39, %dma_wait3A_43] : memref<3x80xi32, #tpu.memory_space<vmem>> -> memref<1x80xi32, #tpu.memory_space<vmem>>
      %dma_wait3A_45 = tpu.memref_squeeze %dma_wait3A_44 : memref<1x80xi32, #tpu.memory_space<vmem>> -> memref<80xi32, #tpu.memory_space<vmem>>
      %dma_wait3A_46 = arith.constant 0 : i32
      %dma_wait3A_47 = arith.constant 0 : i32
      %dma_wait3A_48 = tpu.memref_slice %arg2[%dma_wait3A_46, %dma_wait3A_47] : memref<10000x128xf32, #tpu.memory_space<hbm>> -> memref<10000x128xf32, #tpu.memory_space<hbm>>
      %dma_wait3A_49 = tpu.memref_slice %arg11[%rem3A_39] : memref<3x!tpu.dma_semaphore, #tpu.memory_space<semaphore_mem>> -> memref<1x!tpu.dma_semaphore, #tpu.memory_space<semaphore_mem>>
      %dma_wait3A_50 = tpu.memref_squeeze %dma_wait3A_49 : memref<1x!tpu.dma_semaphore, #tpu.memory_space<semaphore_mem>> -> memref<!tpu.dma_semaphore, #tpu.memory_space<semaphore_mem>>
      tpu.wait_indirect_dma semaphore(%dma_wait3A_50 : memref<!tpu.dma_semaphore, #tpu.memory_space<semaphore_mem>>) src(%dma_wait3A_48 : memref<10000x128xf32, #tpu.memory_space<hbm>>) dst(%dma_wait3A_42 : memref<80x128xf32, #tpu.memory_space<vmem>>)
      %mul3A_51 = arith.constant 80 : i32
      %mul3A_52 = arith.muli %rem3A_39, %mul3A_51 : i32
      %dma_start3A = arith.constant 0 : i32
      %dma_start3A_53 = tpu.memref_slice %arg8[%mul3A_52, %dma_start3A] : memref<240x128xf32, #tpu.memory_space<vmem>> -> memref<80x128xf32, #tpu.memory_space<vmem>>
      %dma_start3A_54 = arith.constant 0 : i32
      %dma_start3A_55 = tpu.memref_slice %arg7[%rem3A_39, %dma_start3A_54] : memref<3x80xi32, #tpu.memory_space<vmem>> -> memref<1x80xi32, #tpu.memory_space<vmem>>
      %dma_start3A_56 = tpu.memref_squeeze %dma_start3A_55 : memref<1x80xi32, #tpu.memory_space<vmem>> -> memref<80xi32, #tpu.memory_space<vmem>>
      %dma_start3A_57 = arith.constant 0 : i32
      %dma_start3A_58 = arith.constant 0 : i32
      %dma_start3A_59 = tpu.memref_slice %arg10[%dma_start3A_57, %dma_start3A_58] : memref<10240x128xf32, #tpu.memory_space<vmem_shared>> -> memref<10240x128xf32, #tpu.memory_space<vmem_shared>>
      %dma_start3A_60 = tpu.memref_slice %arg13[%rem3A_39] : memref<3x!tpu.dma_semaphore, #tpu.memory_space<semaphore_mem>> -> memref<1x!tpu.dma_semaphore, #tpu.memory_space<semaphore_mem>>
      %dma_start3A_61 = tpu.memref_squeeze %dma_start3A_60 : memref<1x!tpu.dma_semaphore, #tpu.memory_space<semaphore_mem>> -> memref<!tpu.dma_semaphore, #tpu.memory_space<semaphore_mem>>
      tpu.enqueue_indirect_dma source(%dma_start3A_53 : memref<80x128xf32, #tpu.memory_space<vmem>>) target(%dma_start3A_59 : memref<10240x128xf32, #tpu.memory_space<vmem_shared>>) offsets(%dma_start3A_56 : memref<80xi32, #tpu.memory_space<vmem>>) semaphore(%dma_start3A_61 : memref<!tpu.dma_semaphore, #tpu.memory_space<semaphore_mem>>) {add = true}
      %add3A_62 = arith.constant 3 : i32
      %add3A_63 = arith.addi %add3A_38, %add3A_62 : i32
      %lt3A = arith.constant 125 : i32
      %lt3A_64 = arith.cmpi slt, %add3A_63, %lt3A : i32
      %convert_element_type3A = arith.extui %lt3A_64 : i1 to i32
      %cond3A = arith.constant 0 : i32
      %cond3A_65 = arith.cmpi ne, %convert_element_type3A, %cond3A : i32
      scf.if %cond3A_65 {
        %add3A_74 = arith.constant 3 : i32
        %add3A_75 = arith.addi %add3A_38, %add3A_74 : i32
        %rem3A_76 = arith.constant 3 : i32
        %rem3A_77 = arith.remsi %add3A_75, %rem3A_76 : i32
        %mul3A_78 = arith.constant 10000 : i32
        %mul3A_79 = arith.muli %add3A, %mul3A_78 : i32
        %mul3A_80 = arith.constant 80 : i32
        %mul3A_81 = arith.muli %add3A_75, %mul3A_80 : i32
        %add3A_82 = arith.addi %mul3A_79, %mul3A_81 : i32
        %dma_start3A_83 = arith.constant 0 : i32
        %dma_start3A_84 = tpu.memref_slice %arg6[%rem3A_77, %dma_start3A_83] : memref<3x80xi32, #tpu.memory_space<vmem>> -> memref<1x80xi32, #tpu.memory_space<vmem>>
        %dma_start3A_85 = tpu.memref_squeeze %dma_start3A_84 : memref<1x80xi32, #tpu.memory_space<vmem>> -> memref<80xi32, #tpu.memory_space<vmem>>
        %dma_start3A_86 = tpu.memref_slice %arg3[%add3A_82] : memref<320000xi32, #tpu.memory_space<hbm>> -> memref<80xi32, #tpu.memory_space<hbm>>
        %dma_start3A_87 = tpu.memref_slice %arg12[%rem3A_77] : memref<3x!tpu.dma_semaphore, #tpu.memory_space<semaphore_mem>> -> memref<1x!tpu.dma_semaphore, #tpu.memory_space<semaphore_mem>>
        %dma_start3A_88 = tpu.memref_squeeze %dma_start3A_87 : memref<1x!tpu.dma_semaphore, #tpu.memory_space<semaphore_mem>> -> memref<!tpu.dma_semaphore, #tpu.memory_space<semaphore_mem>>
        %dma_start3A_89 = arith.constant 0 : i32
        %dma_start3A_90 = tpu.memref_slice %arg6[%rem3A_77, %dma_start3A_89] : memref<3x80xi32, #tpu.memory_space<vmem>> -> memref<1x80xi32, #tpu.memory_space<vmem>>
        %dma_start3A_91 = tpu.memref_squeeze %dma_start3A_90 : memref<1x80xi32, #tpu.memory_space<vmem>> -> memref<80xi32, #tpu.memory_space<vmem>>
        %dma_start3A_92 = tpu.memref_slice %arg3[%add3A_82] : memref<320000xi32, #tpu.memory_space<hbm>> -> memref<80xi32, #tpu.memory_space<hbm>>
        tpu.enqueue_dma source(%dma_start3A_92 : memref<80xi32, #tpu.memory_space<hbm>>) target(%dma_start3A_91 : memref<80xi32, #tpu.memory_space<vmem>>) target_semaphore(%dma_start3A_88 : memref<!tpu.dma_semaphore, #tpu.memory_space<semaphore_mem>>)
        %dma_start3A_93 = arith.constant 0 : i32
        %dma_start3A_94 = tpu.memref_slice %arg7[%rem3A_77, %dma_start3A_93] : memref<3x80xi32, #tpu.memory_space<vmem>> -> memref<1x80xi32, #tpu.memory_space<vmem>>
        %dma_start3A_95 = tpu.memref_squeeze %dma_start3A_94 : memref<1x80xi32, #tpu.memory_space<vmem>> -> memref<80xi32, #tpu.memory_space<vmem>>
        %dma_start3A_96 = tpu.memref_slice %arg4[%add3A_82] : memref<320000xi32, #tpu.memory_space<hbm>> -> memref<80xi32, #tpu.memory_space<hbm>>
        %dma_start3A_97 = tpu.memref_slice %arg12[%rem3A_77] : memref<3x!tpu.dma_semaphore, #tpu.memory_space<semaphore_mem>> -> memref<1x!tpu.dma_semaphore, #tpu.memory_space<semaphore_mem>>
        %dma_start3A_98 = tpu.memref_squeeze %dma_start3A_97 : memref<1x!tpu.dma_semaphore, #tpu.memory_space<semaphore_mem>> -> memref<!tpu.dma_semaphore, #tpu.memory_space<semaphore_mem>>
        %dma_start3A_99 = arith.constant 0 : i32
        %dma_start3A_100 = tpu.memref_slice %arg7[%rem3A_77, %dma_start3A_99] : memref<3x80xi32, #tpu.memory_space<vmem>> -> memref<1x80xi32, #tpu.memory_space<vmem>>
        %dma_start3A_101 = tpu.memref_squeeze %dma_start3A_100 : memref<1x80xi32, #tpu.memory_space<vmem>> -> memref<80xi32, #tpu.memory_space<vmem>>
        %dma_start3A_102 = tpu.memref_slice %arg4[%add3A_82] : memref<320000xi32, #tpu.memory_space<hbm>> -> memref<80xi32, #tpu.memory_space<hbm>>
        tpu.enqueue_dma source(%dma_start3A_102 : memref<80xi32, #tpu.memory_space<hbm>>) target(%dma_start3A_101 : memref<80xi32, #tpu.memory_space<vmem>>) target_semaphore(%dma_start3A_98 : memref<!tpu.dma_semaphore, #tpu.memory_space<semaphore_mem>>)
      } else {
      }
      %add3A_66 = arith.constant 3 : i32
      %add3A_67 = arith.addi %add3A_38, %add3A_66 : i32
      %sub3A = arith.constant 1 : i32
      %sub3A_68 = arith.subi %add3A_67, %sub3A : i32
      %lt3A_69 = arith.constant 125 : i32
      %lt3A_70 = arith.cmpi slt, %sub3A_68, %lt3A_69 : i32
      %convert_element_type3A_71 = arith.extui %lt3A_70 : i1 to i32
      %cond3A_72 = arith.constant 0 : i32
      %cond3A_73 = arith.cmpi ne, %convert_element_type3A_71, %cond3A_72 : i32
      scf.if %cond3A_73 {
        %add3A_74 = arith.constant 3 : i32
        %add3A_75 = arith.addi %add3A_38, %add3A_74 : i32
        %sub3A_76 = arith.constant 1 : i32
        %sub3A_77 = arith.subi %add3A_75, %sub3A_76 : i32
        %rem3A_78 = arith.constant 3 : i32
        %rem3A_79 = arith.remsi %sub3A_77, %rem3A_78 : i32
        %add3A_80 = arith.constant 3 : i32
        %add3A_81 = arith.addi %add3A_38, %add3A_80 : i32
        %sub3A_82 = arith.constant 1 : i32
        %sub3A_83 = arith.subi %add3A_81, %sub3A_82 : i32
        %mul3A_84 = arith.constant 10000 : i32
        %mul3A_85 = arith.muli %add3A, %mul3A_84 : i32
        %mul3A_86 = arith.constant 80 : i32
        %mul3A_87 = arith.muli %sub3A_83, %mul3A_86 : i32
        %add3A_88 = arith.addi %mul3A_85, %mul3A_87 : i32
        %dma_wait3A_89 = arith.constant 0 : i32
        %dma_wait3A_90 = tpu.memref_slice %arg6[%rem3A_79, %dma_wait3A_89] : memref<3x80xi32, #tpu.memory_space<vmem>> -> memref<1x80xi32, #tpu.memory_space<vmem>>
        %dma_wait3A_91 = tpu.memref_squeeze %dma_wait3A_90 : memref<1x80xi32, #tpu.memory_space<vmem>> -> memref<80xi32, #tpu.memory_space<vmem>>
        %dma_wait3A_92 = tpu.memref_slice %arg3[%add3A_88] : memref<320000xi32, #tpu.memory_space<hbm>> -> memref<80xi32, #tpu.memory_space<hbm>>
        %dma_wait3A_93 = tpu.memref_slice %arg12[%rem3A_79] : memref<3x!tpu.dma_semaphore, #tpu.memory_space<semaphore_mem>> -> memref<1x!tpu.dma_semaphore, #tpu.memory_space<semaphore_mem>>
        %dma_wait3A_94 = tpu.memref_squeeze %dma_wait3A_93 : memref<1x!tpu.dma_semaphore, #tpu.memory_space<semaphore_mem>> -> memref<!tpu.dma_semaphore, #tpu.memory_space<semaphore_mem>>
        %dma_wait3A_95 = arith.constant 0 : i32
        %dma_wait3A_96 = tpu.memref_slice %arg6[%rem3A_79, %dma_wait3A_95] : memref<3x80xi32, #tpu.memory_space<vmem>> -> memref<1x80xi32, #tpu.memory_space<vmem>>
        %dma_wait3A_97 = tpu.memref_squeeze %dma_wait3A_96 : memref<1x80xi32, #tpu.memory_space<vmem>> -> memref<80xi32, #tpu.memory_space<vmem>>
        %dma_wait3A_98 = tpu.memref_slice %arg3[%add3A_88] : memref<320000xi32, #tpu.memory_space<hbm>> -> memref<80xi32, #tpu.memory_space<hbm>>
        tpu.wait_dma2 semaphore(%dma_wait3A_94 : memref<!tpu.dma_semaphore, #tpu.memory_space<semaphore_mem>>) src(%dma_wait3A_98 : memref<80xi32, #tpu.memory_space<hbm>>) dst(%dma_wait3A_97 : memref<80xi32, #tpu.memory_space<vmem>>)
        %dma_wait3A_99 = arith.constant 0 : i32
        %dma_wait3A_100 = tpu.memref_slice %arg7[%rem3A_79, %dma_wait3A_99] : memref<3x80xi32, #tpu.memory_space<vmem>> -> memref<1x80xi32, #tpu.memory_space<vmem>>
        %dma_wait3A_101 = tpu.memref_squeeze %dma_wait3A_100 : memref<1x80xi32, #tpu.memory_space<vmem>> -> memref<80xi32, #tpu.memory_space<vmem>>
        %dma_wait3A_102 = tpu.memref_slice %arg4[%add3A_88] : memref<320000xi32, #tpu.memory_space<hbm>> -> memref<80xi32, #tpu.memory_space<hbm>>
        %dma_wait3A_103 = tpu.memref_slice %arg12[%rem3A_79] : memref<3x!tpu.dma_semaphore, #tpu.memory_space<semaphore_mem>> -> memref<1x!tpu.dma_semaphore, #tpu.memory_space<semaphore_mem>>
        %dma_wait3A_104 = tpu.memref_squeeze %dma_wait3A_103 : memref<1x!tpu.dma_semaphore, #tpu.memory_space<semaphore_mem>> -> memref<!tpu.dma_semaphore, #tpu.memory_space<semaphore_mem>>
        %dma_wait3A_105 = arith.constant 0 : i32
        %dma_wait3A_106 = tpu.memref_slice %arg7[%rem3A_79, %dma_wait3A_105] : memref<3x80xi32, #tpu.memory_space<vmem>> -> memref<1x80xi32, #tpu.memory_space<vmem>>
        %dma_wait3A_107 = tpu.memref_squeeze %dma_wait3A_106 : memref<1x80xi32, #tpu.memory_space<vmem>> -> memref<80xi32, #tpu.memory_space<vmem>>
        %dma_wait3A_108 = tpu.memref_slice %arg4[%add3A_88] : memref<320000xi32, #tpu.memory_space<hbm>> -> memref<80xi32, #tpu.memory_space<hbm>>
        tpu.wait_dma2 semaphore(%dma_wait3A_104 : memref<!tpu.dma_semaphore, #tpu.memory_space<semaphore_mem>>) src(%dma_wait3A_108 : memref<80xi32, #tpu.memory_space<hbm>>) dst(%dma_wait3A_107 : memref<80xi32, #tpu.memory_space<vmem>>)
        %ge3A = arith.constant 1 : i32
        %ge3A_109 = arith.cmpi sge, %add3A_38, %ge3A : i32
        %convert_element_type3A_110 = arith.extui %ge3A_109 : i1 to i32
        %cond3A_111 = arith.constant 0 : i32
        %cond3A_112 = arith.cmpi ne, %convert_element_type3A_110, %cond3A_111 : i32
        scf.if %cond3A_112 {
          %mul3A_125 = arith.constant 80 : i32
          %mul3A_126 = arith.muli %rem3A_79, %mul3A_125 : i32
          %dma_wait3A_127 = arith.constant 0 : i32
          %dma_wait3A_128 = tpu.memref_slice %arg8[%mul3A_126, %dma_wait3A_127] : memref<240x128xf32, #tpu.memory_space<vmem>> -> memref<80x128xf32, #tpu.memory_space<vmem>>
          %dma_wait3A_129 = arith.constant 0 : i32
          %dma_wait3A_130 = tpu.memref_slice %arg7[%rem3A_79, %dma_wait3A_129] : memref<3x80xi32, #tpu.memory_space<vmem>> -> memref<1x80xi32, #tpu.memory_space<vmem>>
          %dma_wait3A_131 = tpu.memref_squeeze %dma_wait3A_130 : memref<1x80xi32, #tpu.memory_space<vmem>> -> memref<80xi32, #tpu.memory_space<vmem>>
          %dma_wait3A_132 = arith.constant 0 : i32
          %dma_wait3A_133 = arith.constant 0 : i32
          %dma_wait3A_134 = tpu.memref_slice %arg10[%dma_wait3A_132, %dma_wait3A_133] : memref<10240x128xf32, #tpu.memory_space<vmem_shared>> -> memref<10240x128xf32, #tpu.memory_space<vmem_shared>>
          %dma_wait3A_135 = tpu.memref_slice %arg13[%rem3A_79] : memref<3x!tpu.dma_semaphore, #tpu.memory_space<semaphore_mem>> -> memref<1x!tpu.dma_semaphore, #tpu.memory_space<semaphore_mem>>
          %dma_wait3A_136 = tpu.memref_squeeze %dma_wait3A_135 : memref<1x!tpu.dma_semaphore, #tpu.memory_space<semaphore_mem>> -> memref<!tpu.dma_semaphore, #tpu.memory_space<semaphore_mem>>
          tpu.wait_indirect_dma semaphore(%dma_wait3A_136 : memref<!tpu.dma_semaphore, #tpu.memory_space<semaphore_mem>>) src(%dma_wait3A_128 : memref<80x128xf32, #tpu.memory_space<vmem>>) dst(%dma_wait3A_134 : memref<10240x128xf32, #tpu.memory_space<vmem_shared>>)
        } else {
        }
        %mul3A_113 = arith.constant 80 : i32
        %mul3A_114 = arith.muli %rem3A_79, %mul3A_113 : i32
        %dma_start3A_115 = arith.constant 0 : i32
        %dma_start3A_116 = tpu.memref_slice %arg8[%mul3A_114, %dma_start3A_115] : memref<240x128xf32, #tpu.memory_space<vmem>> -> memref<80x128xf32, #tpu.memory_space<vmem>>
        %dma_start3A_117 = arith.constant 0 : i32
        %dma_start3A_118 = tpu.memref_slice %arg6[%rem3A_79, %dma_start3A_117] : memref<3x80xi32, #tpu.memory_space<vmem>> -> memref<1x80xi32, #tpu.memory_space<vmem>>
        %dma_start3A_119 = tpu.memref_squeeze %dma_start3A_118 : memref<1x80xi32, #tpu.memory_space<vmem>> -> memref<80xi32, #tpu.memory_space<vmem>>
        %dma_start3A_120 = arith.constant 0 : i32
        %dma_start3A_121 = arith.constant 0 : i32
        %dma_start3A_122 = tpu.memref_slice %arg2[%dma_start3A_120, %dma_start3A_121] : memref<10000x128xf32, #tpu.memory_space<hbm>> -> memref<10000x128xf32, #tpu.memory_space<hbm>>
        %dma_start3A_123 = tpu.memref_slice %arg11[%rem3A_79] : memref<3x!tpu.dma_semaphore, #tpu.memory_space<semaphore_mem>> -> memref<1x!tpu.dma_semaphore, #tpu.memory_space<semaphore_mem>>
        %dma_start3A_124 = tpu.memref_squeeze %dma_start3A_123 : memref<1x!tpu.dma_semaphore, #tpu.memory_space<semaphore_mem>> -> memref<!tpu.dma_semaphore, #tpu.memory_space<semaphore_mem>>
        tpu.enqueue_indirect_dma source(%dma_start3A_122 : memref<10000x128xf32, #tpu.memory_space<hbm>>) target(%dma_start3A_116 : memref<80x128xf32, #tpu.memory_space<vmem>>) offsets(%dma_start3A_119 : memref<80xi32, #tpu.memory_space<vmem>>) semaphore(%dma_start3A_124 : memref<!tpu.dma_semaphore, #tpu.memory_space<semaphore_mem>>)
      } else {
      }
    }
    %scan3A_25 = arith.constant 125 : i32
    %scan3A_26 = arith.constant 0 : i32
    %scan3A_27 = arith.constant 3 : i32
    %scan3A_28 = arith.addi %scan3A_26, %scan3A_27 : i32
    %scan3A_29 = arith.constant 1 : i32
    scf.for %scan3A_34 = %scan3A_26 to %scan3A_28 step %scan3A_29  : i32 {
      %mul3A_35 = arith.constant 1 : i32
      %mul3A_36 = arith.muli %scan3A_34, %mul3A_35 : i32
      %add3A_37 = arith.constant 122 : i32
      %add3A_38 = arith.addi %add3A_37, %mul3A_36 : i32
      %rem3A = arith.constant 3 : i32
      %rem3A_39 = arith.remsi %add3A_38, %rem3A : i32
      %mul3A_40 = arith.constant 80 : i32
      %mul3A_41 = arith.muli %rem3A_39, %mul3A_40 : i32
      %dma_wait3A = arith.constant 0 : i32
      %dma_wait3A_42 = tpu.memref_slice %arg8[%mul3A_41, %dma_wait3A] : memref<240x128xf32, #tpu.memory_space<vmem>> -> memref<80x128xf32, #tpu.memory_space<vmem>>
      %dma_wait3A_43 = arith.constant 0 : i32
      %dma_wait3A_44 = tpu.memref_slice %arg7[%rem3A_39, %dma_wait3A_43] : memref<3x80xi32, #tpu.memory_space<vmem>> -> memref<1x80xi32, #tpu.memory_space<vmem>>
      %dma_wait3A_45 = tpu.memref_squeeze %dma_wait3A_44 : memref<1x80xi32, #tpu.memory_space<vmem>> -> memref<80xi32, #tpu.memory_space<vmem>>
      %dma_wait3A_46 = arith.constant 0 : i32
      %dma_wait3A_47 = arith.constant 0 : i32
      %dma_wait3A_48 = tpu.memref_slice %arg10[%dma_wait3A_46, %dma_wait3A_47] : memref<10240x128xf32, #tpu.memory_space<vmem_shared>> -> memref<10240x128xf32, #tpu.memory_space<vmem_shared>>
      %dma_wait3A_49 = tpu.memref_slice %arg13[%rem3A_39] : memref<3x!tpu.dma_semaphore, #tpu.memory_space<semaphore_mem>> -> memref<1x!tpu.dma_semaphore, #tpu.memory_space<semaphore_mem>>
      %dma_wait3A_50 = tpu.memref_squeeze %dma_wait3A_49 : memref<1x!tpu.dma_semaphore, #tpu.memory_space<semaphore_mem>> -> memref<!tpu.dma_semaphore, #tpu.memory_space<semaphore_mem>>
      tpu.wait_indirect_dma semaphore(%dma_wait3A_50 : memref<!tpu.dma_semaphore, #tpu.memory_space<semaphore_mem>>) src(%dma_wait3A_42 : memref<80x128xf32, #tpu.memory_space<vmem>>) dst(%dma_wait3A_48 : memref<10240x128xf32, #tpu.memory_space<vmem_shared>>)
    }
    %scan3A_30 = arith.constant 3 : i32
    %barrier3A_31 = arith.constant 0 : index
    tpu.barrier barrier_id(%barrier3A_31)
    %mul3A_32 = arith.constant 640 : i32
    %mul3A_33 = arith.muli %arg1, %mul3A_32 : i32
    "tpu.region"() ({
      %run_scoped3A = tpu.sem_alloc : memref<!tpu.dma_semaphore, #tpu.memory_space<semaphore_mem>>
      %dma_start3A = arith.constant 0 : i32
      %dma_start3A_34 = arith.constant 0 : i32
      %dma_start3A_35 = tpu.memref_slice %arg5[%arg0, %dma_start3A, %dma_start3A_34] : memref<2x10240x128xf32, #tpu.memory_space<hbm>> -> memref<1x10240x128xf32, #tpu.memory_space<hbm>>
      %dma_start3A_36 = tpu.memref_squeeze %dma_start3A_35 : memref<1x10240x128xf32, #tpu.memory_space<hbm>> -> memref<10240x128xf32, #tpu.memory_space<hbm>>
      %dma_start3A_37 = arith.constant 0 : i32
      %dma_start3A_38 = tpu.memref_slice %dma_start3A_36[%mul3A_33, %dma_start3A_37] : memref<10240x128xf32, #tpu.memory_space<hbm>> -> memref<640x128xf32, #tpu.memory_space<hbm>>
      %dma_start3A_39 = arith.constant 0 : i32
      %dma_start3A_40 = tpu.memref_slice %arg10[%mul3A_33, %dma_start3A_39] : memref<10240x128xf32, #tpu.memory_space<vmem_shared>> -> memref<640x128xf32, #tpu.memory_space<vmem_shared>>
      tpu.enqueue_dma source(%dma_start3A_40 : memref<640x128xf32, #tpu.memory_space<vmem_shared>>) target(%dma_start3A_38 : memref<640x128xf32, #tpu.memory_space<hbm>>) target_semaphore(%run_scoped3A : memref<!tpu.dma_semaphore, #tpu.memory_space<semaphore_mem>>)
      %dma_wait3A = arith.constant 0 : i32
      %dma_wait3A_41 = arith.constant 0 : i32
      %dma_wait3A_42 = tpu.memref_slice %arg5[%arg0, %dma_wait3A, %dma_wait3A_41] : memref<2x10240x128xf32, #tpu.memory_space<hbm>> -> memref<1x10240x128xf32, #tpu.memory_space<hbm>>
      %dma_wait3A_43 = tpu.memref_squeeze %dma_wait3A_42 : memref<1x10240x128xf32, #tpu.memory_space<hbm>> -> memref<10240x128xf32, #tpu.memory_space<hbm>>
      %dma_wait3A_44 = arith.constant 0 : i32
      %dma_wait3A_45 = tpu.memref_slice %dma_wait3A_43[%mul3A_33, %dma_wait3A_44] : memref<10240x128xf32, #tpu.memory_space<hbm>> -> memref<640x128xf32, #tpu.memory_space<hbm>>
      %dma_wait3A_46 = arith.constant 0 : i32
      %dma_wait3A_47 = tpu.memref_slice %arg10[%mul3A_33, %dma_wait3A_46] : memref<10240x128xf32, #tpu.memory_space<vmem_shared>> -> memref<640x128xf32, #tpu.memory_space<vmem_shared>>
      tpu.wait_dma2 semaphore(%run_scoped3A : memref<!tpu.dma_semaphore, #tpu.memory_space<semaphore_mem>>) src(%dma_wait3A_47 : memref<640x128xf32, #tpu.memory_space<vmem_shared>>) dst(%dma_wait3A_45 : memref<640x128xf32, #tpu.memory_space<hbm>>)
      tpu.yield
    }) : () -> ()
    return
  }
}

#map = affine_map<(d0, d1) -> (0, 0)>
#map1 = affine_map<(d0, d1) -> (0)>
#map2 = affine_map<(d0, d1) -> (0, 0, 0)>
module attributes {stable_mosaic.version = 14 : i64} {
  func.func @_agg_body(%arg0: i32, %arg1: i32, %arg2: memref<10000x128xf32, #tpu.memory_space<hbm>>, %arg3: memref<320000xi32, #tpu.memory_space<hbm>>, %arg4: memref<320000xi32, #tpu.memory_space<hbm>>, %arg5: memref<2x10240x128xf32, #tpu.memory_space<hbm>>, %arg6: memref<3x80xi32, #tpu.memory_space<vmem>>, %arg7: memref<3x80xi32, #tpu.memory_space<vmem>>, %arg8: memref<240x128xf32, #tpu.memory_space<vmem>>, %arg9: memref<128x128xf32, #tpu.memory_space<vmem>>, %arg10: memref<10240x128xf32, #tpu.memory_space<vmem_shared>>, %arg11: memref<3x!tpu.dma_semaphore, #tpu.memory_space<semaphore_mem>>, %arg12: memref<3x!tpu.dma_semaphore, #tpu.memory_space<semaphore_mem>>, %arg13: memref<3x!tpu.dma_semaphore, #tpu.memory_space<semaphore_mem>>) attributes {dimension_semantics = [#tpu.dimension_semantics<core_parallel>, #tpu.dimension_semantics<subcore_parallel>], iteration_bounds = array<i64: 2, 16>, scalar_prefetch = 0 : i64, scratch_operands = 8 : i64, tpu.core_type = #tpu.core_type<sc_vector_subcore>, window_params = [{transform_indices = #map}, {transform_indices = #map1}, {transform_indices = #map1}, {transform_indices = #map2}]} {
    %mul3A = arith.constant 16 : i32
    %mul3A_0 = arith.muli %arg0, %mul3A : i32
    %add3A = arith.addi %mul3A_0, %arg1 : i32
    %broadcast_in_dim3A = arith.constant 0.000000e+00 : f32
    %broadcast_in_dim3A_1 = vector.broadcast %broadcast_in_dim3A : f32 to vector<16xf32>
    %scan3A = arith.constant 0 : i32
    %scan3A_2 = arith.constant 128 : i32
    %scan3A_3 = arith.addi %scan3A, %scan3A_2 : i32
    %scan3A_4 = arith.constant 1 : i32
    scf.for %scan3A_34 = %scan3A to %scan3A_3 step %scan3A_4  : i32 {
      %mul3A_35 = arith.constant 1 : i32
      %mul3A_36 = arith.muli %scan3A_34, %mul3A_35 : i32
      %add3A_37 = arith.constant 0 : i32
      %add3A_38 = arith.addi %add3A_37, %mul3A_36 : i32
      %scan3A_39 = arith.constant 0 : i32
      %scan3A_40 = arith.constant 8 : i32
      %scan3A_41 = arith.addi %scan3A_39, %scan3A_40 : i32
      %scan3A_42 = arith.constant 1 : i32
      scf.for %scan3A_44 = %scan3A_39 to %scan3A_41 step %scan3A_42  : i32 {
        %mul3A_45 = arith.constant 1 : i32
        %mul3A_46 = arith.muli %scan3A_44, %mul3A_45 : i32
        %add3A_47 = arith.constant 0 : i32
        %add3A_48 = arith.addi %add3A_47, %mul3A_46 : i32
        %mul3A_49 = arith.constant 16 : i32
        %mul3A_50 = arith.muli %add3A_48, %mul3A_49 : i32
        %swap3A = arith.index_cast %add3A_38 : i32 to index
        %swap3A_51 = arith.index_cast %mul3A_50 : i32 to index
        %swap3A_52 = tpu.vector_load %arg9[%swap3A, %swap3A_51] {strides = array<i32>} : memref<128x128xf32, #tpu.memory_space<vmem>>, vector<1x16xf32>,
        %swap3A_53 = vector.shape_cast %swap3A_52 : vector<1x16xf32> to vector<16xf32>
        %swap3A_54 = vector.shape_cast %broadcast_in_dim3A_1 : vector<16xf32> to vector<1x16xf32>
        tpu.vector_store %arg9[%swap3A, %swap3A_51], %swap3A_54 {strides = array<i32>} : memref<128x128xf32, #tpu.memory_space<vmem>>, vector<1x16xf32>,
      }
      %scan3A_43 = arith.constant 8 : i32
    }
    %scan3A_5 = arith.constant 128 : i32
    %scan3A_6 = arith.constant 0 : i32
    %scan3A_7 = arith.constant 5 : i32
    %scan3A_8 = arith.addi %scan3A_6, %scan3A_7 : i32
    %scan3A_9 = arith.constant 1 : i32
    scf.for %scan3A_34 = %scan3A_6 to %scan3A_8 step %scan3A_9  : i32 {
      %mul3A_35 = arith.constant 1 : i32
      %mul3A_36 = arith.muli %scan3A_34, %mul3A_35 : i32
      %add3A_37 = arith.constant 0 : i32
      %add3A_38 = arith.addi %add3A_37, %mul3A_36 : i32
      %mul3A_39 = arith.constant 640 : i32
      %mul3A_40 = arith.muli %arg1, %mul3A_39 : i32
      %mul3A_41 = arith.constant 128 : i32
      %mul3A_42 = arith.muli %add3A_38, %mul3A_41 : i32
      %add3A_43 = arith.addi %mul3A_40, %mul3A_42 : i32
      "tpu.region"() ({
        %run_scoped3A = tpu.sem_alloc : memref<!tpu.dma_semaphore, #tpu.memory_space<semaphore_mem>>
        %dma_start3A = arith.constant 0 : i32
        %dma_start3A_44 = tpu.memref_slice %arg10[%add3A_43, %dma_start3A] : memref<10240x128xf32, #tpu.memory_space<vmem_shared>> -> memref<128x128xf32, #tpu.memory_space<vmem_shared>>
        %dma_start3A_45 = arith.constant 0 : i32
        %dma_start3A_46 = tpu.memref_slice %arg10[%add3A_43, %dma_start3A_45] : memref<10240x128xf32, #tpu.memory_space<vmem_shared>> -> memref<128x128xf32, #tpu.memory_space<vmem_shared>>
        tpu.enqueue_dma source(%arg9 : memref<128x128xf32, #tpu.memory_space<vmem>>) target(%dma_start3A_46 : memref<128x128xf32, #tpu.memory_space<vmem_shared>>) target_semaphore(%run_scoped3A : memref<!tpu.dma_semaphore, #tpu.memory_space<semaphore_mem>>)
        %dma_wait3A = arith.constant 0 : i32
        %dma_wait3A_47 = tpu.memref_slice %arg10[%add3A_43, %dma_wait3A] : memref<10240x128xf32, #tpu.memory_space<vmem_shared>> -> memref<128x128xf32, #tpu.memory_space<vmem_shared>>
        %dma_wait3A_48 = arith.constant 0 : i32
        %dma_wait3A_49 = tpu.memref_slice %arg10[%add3A_43, %dma_wait3A_48] : memref<10240x128xf32, #tpu.memory_space<vmem_shared>> -> memref<128x128xf32, #tpu.memory_space<vmem_shared>>
        tpu.wait_dma2 semaphore(%run_scoped3A : memref<!tpu.dma_semaphore, #tpu.memory_space<semaphore_mem>>) src(%arg9 : memref<128x128xf32, #tpu.memory_space<vmem>>) dst(%dma_wait3A_49 : memref<128x128xf32, #tpu.memory_space<vmem_shared>>)
        tpu.yield
      }) : () -> ()
    }
    %scan3A_10 = arith.constant 5 : i32
    %barrier3A = arith.constant 0 : index
    tpu.barrier barrier_id(%barrier3A)
    %scan3A_11 = arith.constant 0 : i32
    %scan3A_12 = arith.constant 3 : i32
    %scan3A_13 = arith.addi %scan3A_11, %scan3A_12 : i32
    %scan3A_14 = arith.constant 1 : i32
    scf.for %scan3A_34 = %scan3A_11 to %scan3A_13 step %scan3A_14  : i32 {
      %mul3A_35 = arith.constant 1 : i32
      %mul3A_36 = arith.muli %scan3A_34, %mul3A_35 : i32
      %add3A_37 = arith.constant 0 : i32
      %add3A_38 = arith.addi %add3A_37, %mul3A_36 : i32
      %rem3A = arith.constant 3 : i32
      %rem3A_39 = arith.remsi %add3A_38, %rem3A : i32
      %mul3A_40 = arith.constant 10000 : i32
      %mul3A_41 = arith.muli %add3A, %mul3A_40 : i32
      %mul3A_42 = arith.constant 80 : i32
      %mul3A_43 = arith.muli %add3A_38, %mul3A_42 : i32
      %add3A_44 = arith.addi %mul3A_41, %mul3A_43 : i32
      %dma_start3A = arith.constant 0 : i32
      %dma_start3A_45 = tpu.memref_slice %arg6[%rem3A_39, %dma_start3A] : memref<3x80xi32, #tpu.memory_space<vmem>> -> memref<1x80xi32, #tpu.memory_space<vmem>>
      %dma_start3A_46 = tpu.memref_squeeze %dma_start3A_45 : memref<1x80xi32, #tpu.memory_space<vmem>> -> memref<80xi32, #tpu.memory_space<vmem>>
      %dma_start3A_47 = tpu.memref_slice %arg3[%add3A_44] : memref<320000xi32, #tpu.memory_space<hbm>> -> memref<80xi32, #tpu.memory_space<hbm>>
      %dma_start3A_48 = tpu.memref_slice %arg12[%rem3A_39] : memref<3x!tpu.dma_semaphore, #tpu.memory_space<semaphore_mem>> -> memref<1x!tpu.dma_semaphore, #tpu.memory_space<semaphore_mem>>
      %dma_start3A_49 = tpu.memref_squeeze %dma_start3A_48 : memref<1x!tpu.dma_semaphore, #tpu.memory_space<semaphore_mem>> -> memref<!tpu.dma_semaphore, #tpu.memory_space<semaphore_mem>>
      %dma_start3A_50 = arith.constant 0 : i32
      %dma_start3A_51 = tpu.memref_slice %arg6[%rem3A_39, %dma_start3A_50] : memref<3x80xi32, #tpu.memory_space<vmem>> -> memref<1x80xi32, #tpu.memory_space<vmem>>
      %dma_start3A_52 = tpu.memref_squeeze %dma_start3A_51 : memref<1x80xi32, #tpu.memory_space<vmem>> -> memref<80xi32, #tpu.memory_space<vmem>>
      %dma_start3A_53 = tpu.memref_slice %arg3[%add3A_44] : memref<320000xi32, #tpu.memory_space<hbm>> -> memref<80xi32, #tpu.memory_space<hbm>>
      tpu.enqueue_dma source(%dma_start3A_53 : memref<80xi32, #tpu.memory_space<hbm>>) target(%dma_start3A_52 : memref<80xi32, #tpu.memory_space<vmem>>) target_semaphore(%dma_start3A_49 : memref<!tpu.dma_semaphore, #tpu.memory_space<semaphore_mem>>)
      %dma_start3A_54 = arith.constant 0 : i32
      %dma_start3A_55 = tpu.memref_slice %arg7[%rem3A_39, %dma_start3A_54] : memref<3x80xi32, #tpu.memory_space<vmem>> -> memref<1x80xi32, #tpu.memory_space<vmem>>
      %dma_start3A_56 = tpu.memref_squeeze %dma_start3A_55 : memref<1x80xi32, #tpu.memory_space<vmem>> -> memref<80xi32, #tpu.memory_space<vmem>>
      %dma_start3A_57 = tpu.memref_slice %arg4[%add3A_44] : memref<320000xi32, #tpu.memory_space<hbm>> -> memref<80xi32, #tpu.memory_space<hbm>>
      %dma_start3A_58 = tpu.memref_slice %arg12[%rem3A_39] : memref<3x!tpu.dma_semaphore, #tpu.memory_space<semaphore_mem>> -> memref<1x!tpu.dma_semaphore, #tpu.memory_space<semaphore_mem>>
      %dma_start3A_59 = tpu.memref_squeeze %dma_start3A_58 : memref<1x!tpu.dma_semaphore, #tpu.memory_space<semaphore_mem>> -> memref<!tpu.dma_semaphore, #tpu.memory_space<semaphore_mem>>
      %dma_start3A_60 = arith.constant 0 : i32
      %dma_start3A_61 = tpu.memref_slice %arg7[%rem3A_39, %dma_start3A_60] : memref<3x80xi32, #tpu.memory_space<vmem>> -> memref<1x80xi32, #tpu.memory_space<vmem>>
      %dma_start3A_62 = tpu.memref_squeeze %dma_start3A_61 : memref<1x80xi32, #tpu.memory_space<vmem>> -> memref<80xi32, #tpu.memory_space<vmem>>
      %dma_start3A_63 = tpu.memref_slice %arg4[%add3A_44] : memref<320000xi32, #tpu.memory_space<hbm>> -> memref<80xi32, #tpu.memory_space<hbm>>
      tpu.enqueue_dma source(%dma_start3A_63 : memref<80xi32, #tpu.memory_space<hbm>>) target(%dma_start3A_62 : memref<80xi32, #tpu.memory_space<vmem>>) target_semaphore(%dma_start3A_59 : memref<!tpu.dma_semaphore, #tpu.memory_space<semaphore_mem>>)
    }
    %scan3A_15 = arith.constant 3 : i32
    %scan3A_16 = arith.constant 0 : i32
    %scan3A_17 = arith.constant 2 : i32
    %scan3A_18 = arith.addi %scan3A_16, %scan3A_17 : i32
    %scan3A_19 = arith.constant 1 : i32
    scf.for %scan3A_34 = %scan3A_16 to %scan3A_18 step %scan3A_19  : i32 {
      %mul3A_35 = arith.constant 1 : i32
      %mul3A_36 = arith.muli %scan3A_34, %mul3A_35 : i32
      %add3A_37 = arith.constant 0 : i32
      %add3A_38 = arith.addi %add3A_37, %mul3A_36 : i32
      %mul3A_39 = arith.constant 10000 : i32
      %mul3A_40 = arith.muli %add3A, %mul3A_39 : i32
      %mul3A_41 = arith.constant 80 : i32
      %mul3A_42 = arith.muli %add3A_38, %mul3A_41 : i32
      %add3A_43 = arith.addi %mul3A_40, %mul3A_42 : i32
      %dma_wait3A = arith.constant 0 : i32
      %dma_wait3A_44 = tpu.memref_slice %arg6[%add3A_38, %dma_wait3A] : memref<3x80xi32, #tpu.memory_space<vmem>> -> memref<1x80xi32, #tpu.memory_space<vmem>>
      %dma_wait3A_45 = tpu.memref_squeeze %dma_wait3A_44 : memref<1x80xi32, #tpu.memory_space<vmem>> -> memref<80xi32, #tpu.memory_space<vmem>>
      %dma_wait3A_46 = tpu.memref_slice %arg3[%add3A_43] : memref<320000xi32, #tpu.memory_space<hbm>> -> memref<80xi32, #tpu.memory_space<hbm>>
      %dma_wait3A_47 = tpu.memref_slice %arg12[%add3A_38] : memref<3x!tpu.dma_semaphore, #tpu.memory_space<semaphore_mem>> -> memref<1x!tpu.dma_semaphore, #tpu.memory_space<semaphore_mem>>
      %dma_wait3A_48 = tpu.memref_squeeze %dma_wait3A_47 : memref<1x!tpu.dma_semaphore, #tpu.memory_space<semaphore_mem>> -> memref<!tpu.dma_semaphore, #tpu.memory_space<semaphore_mem>>
      %dma_wait3A_49 = arith.constant 0 : i32
      %dma_wait3A_50 = tpu.memref_slice %arg6[%add3A_38, %dma_wait3A_49] : memref<3x80xi32, #tpu.memory_space<vmem>> -> memref<1x80xi32, #tpu.memory_space<vmem>>
      %dma_wait3A_51 = tpu.memref_squeeze %dma_wait3A_50 : memref<1x80xi32, #tpu.memory_space<vmem>> -> memref<80xi32, #tpu.memory_space<vmem>>
      %dma_wait3A_52 = tpu.memref_slice %arg3[%add3A_43] : memref<320000xi32, #tpu.memory_space<hbm>> -> memref<80xi32, #tpu.memory_space<hbm>>
      tpu.wait_dma2 semaphore(%dma_wait3A_48 : memref<!tpu.dma_semaphore, #tpu.memory_space<semaphore_mem>>) src(%dma_wait3A_52 : memref<80xi32, #tpu.memory_space<hbm>>) dst(%dma_wait3A_51 : memref<80xi32, #tpu.memory_space<vmem>>)
      %dma_wait3A_53 = arith.constant 0 : i32
      %dma_wait3A_54 = tpu.memref_slice %arg7[%add3A_38, %dma_wait3A_53] : memref<3x80xi32, #tpu.memory_space<vmem>> -> memref<1x80xi32, #tpu.memory_space<vmem>>
      %dma_wait3A_55 = tpu.memref_squeeze %dma_wait3A_54 : memref<1x80xi32, #tpu.memory_space<vmem>> -> memref<80xi32, #tpu.memory_space<vmem>>
      %dma_wait3A_56 = tpu.memref_slice %arg4[%add3A_43] : memref<320000xi32, #tpu.memory_space<hbm>> -> memref<80xi32, #tpu.memory_space<hbm>>
      %dma_wait3A_57 = tpu.memref_slice %arg12[%add3A_38] : memref<3x!tpu.dma_semaphore, #tpu.memory_space<semaphore_mem>> -> memref<1x!tpu.dma_semaphore, #tpu.memory_space<semaphore_mem>>
      %dma_wait3A_58 = tpu.memref_squeeze %dma_wait3A_57 : memref<1x!tpu.dma_semaphore, #tpu.memory_space<semaphore_mem>> -> memref<!tpu.dma_semaphore, #tpu.memory_space<semaphore_mem>>
      %dma_wait3A_59 = arith.constant 0 : i32
      %dma_wait3A_60 = tpu.memref_slice %arg7[%add3A_38, %dma_wait3A_59] : memref<3x80xi32, #tpu.memory_space<vmem>> -> memref<1x80xi32, #tpu.memory_space<vmem>>
      %dma_wait3A_61 = tpu.memref_squeeze %dma_wait3A_60 : memref<1x80xi32, #tpu.memory_space<vmem>> -> memref<80xi32, #tpu.memory_space<vmem>>
      %dma_wait3A_62 = tpu.memref_slice %arg4[%add3A_43] : memref<320000xi32, #tpu.memory_space<hbm>> -> memref<80xi32, #tpu.memory_space<hbm>>
      tpu.wait_dma2 semaphore(%dma_wait3A_58 : memref<!tpu.dma_semaphore, #tpu.memory_space<semaphore_mem>>) src(%dma_wait3A_62 : memref<80xi32, #tpu.memory_space<hbm>>) dst(%dma_wait3A_61 : memref<80xi32, #tpu.memory_space<vmem>>)
      %mul3A_63 = arith.constant 80 : i32
      %mul3A_64 = arith.muli %add3A_38, %mul3A_63 : i32
      %dma_start3A = arith.constant 0 : i32
      %dma_start3A_65 = tpu.memref_slice %arg8[%mul3A_64, %dma_start3A] : memref<240x128xf32, #tpu.memory_space<vmem>> -> memref<80x128xf32, #tpu.memory_space<vmem>>
      %dma_start3A_66 = arith.constant 0 : i32
      %dma_start3A_67 = tpu.memref_slice %arg6[%add3A_38, %dma_start3A_66] : memref<3x80xi32, #tpu.memory_space<vmem>> -> memref<1x80xi32, #tpu.memory_space<vmem>>
      %dma_start3A_68 = tpu.memref_squeeze %dma_start3A_67 : memref<1x80xi32, #tpu.memory_space<vmem>> -> memref<80xi32, #tpu.memory_space<vmem>>
      %dma_start3A_69 = arith.constant 0 : i32
      %dma_start3A_70 = arith.constant 0 : i32
      %dma_start3A_71 = tpu.memref_slice %arg2[%dma_start3A_69, %dma_start3A_70] : memref<10000x128xf32, #tpu.memory_space<hbm>> -> memref<10000x128xf32, #tpu.memory_space<hbm>>
      %dma_start3A_72 = tpu.memref_slice %arg11[%add3A_38] : memref<3x!tpu.dma_semaphore, #tpu.memory_space<semaphore_mem>> -> memref<1x!tpu.dma_semaphore, #tpu.memory_space<semaphore_mem>>
      %dma_start3A_73 = tpu.memref_squeeze %dma_start3A_72 : memref<1x!tpu.dma_semaphore, #tpu.memory_space<semaphore_mem>> -> memref<!tpu.dma_semaphore, #tpu.memory_space<semaphore_mem>>
      tpu.enqueue_indirect_dma source(%dma_start3A_71 : memref<10000x128xf32, #tpu.memory_space<hbm>>) target(%dma_start3A_65 : memref<80x128xf32, #tpu.memory_space<vmem>>) offsets(%dma_start3A_68 : memref<80xi32, #tpu.memory_space<vmem>>) semaphore(%dma_start3A_73 : memref<!tpu.dma_semaphore, #tpu.memory_space<semaphore_mem>>)
    }
    %scan3A_20 = arith.constant 2 : i32
    %scan3A_21 = arith.constant 0 : i32
    %scan3A_22 = arith.constant 125 : i32
    %scan3A_23 = arith.addi %scan3A_21, %scan3A_22 : i32
    %scan3A_24 = arith.constant 1 : i32
    scf.for %scan3A_34 = %scan3A_21 to %scan3A_23 step %scan3A_24  : i32 {
      %mul3A_35 = arith.constant 1 : i32
      %mul3A_36 = arith.muli %scan3A_34, %mul3A_35 : i32
      %add3A_37 = arith.constant 0 : i32
      %add3A_38 = arith.addi %add3A_37, %mul3A_36 : i32
      %rem3A = arith.constant 3 : i32
      %rem3A_39 = arith.remsi %add3A_38, %rem3A : i32
      %mul3A_40 = arith.constant 80 : i32
      %mul3A_41 = arith.muli %rem3A_39, %mul3A_40 : i32
      %dma_wait3A = arith.constant 0 : i32
      %dma_wait3A_42 = tpu.memref_slice %arg8[%mul3A_41, %dma_wait3A] : memref<240x128xf32, #tpu.memory_space<vmem>> -> memref<80x128xf32, #tpu.memory_space<vmem>>
      %dma_wait3A_43 = arith.constant 0 : i32
      %dma_wait3A_44 = tpu.memref_slice %arg6[%rem3A_39, %dma_wait3A_43] : memref<3x80xi32, #tpu.memory_space<vmem>> -> memref<1x80xi32, #tpu.memory_space<vmem>>
      %dma_wait3A_45 = tpu.memref_squeeze %dma_wait3A_44 : memref<1x80xi32, #tpu.memory_space<vmem>> -> memref<80xi32, #tpu.memory_space<vmem>>
      %dma_wait3A_46 = arith.constant 0 : i32
      %dma_wait3A_47 = arith.constant 0 : i32
      %dma_wait3A_48 = tpu.memref_slice %arg2[%dma_wait3A_46, %dma_wait3A_47] : memref<10000x128xf32, #tpu.memory_space<hbm>> -> memref<10000x128xf32, #tpu.memory_space<hbm>>
      %dma_wait3A_49 = tpu.memref_slice %arg11[%rem3A_39] : memref<3x!tpu.dma_semaphore, #tpu.memory_space<semaphore_mem>> -> memref<1x!tpu.dma_semaphore, #tpu.memory_space<semaphore_mem>>
      %dma_wait3A_50 = tpu.memref_squeeze %dma_wait3A_49 : memref<1x!tpu.dma_semaphore, #tpu.memory_space<semaphore_mem>> -> memref<!tpu.dma_semaphore, #tpu.memory_space<semaphore_mem>>
      tpu.wait_indirect_dma semaphore(%dma_wait3A_50 : memref<!tpu.dma_semaphore, #tpu.memory_space<semaphore_mem>>) src(%dma_wait3A_48 : memref<10000x128xf32, #tpu.memory_space<hbm>>) dst(%dma_wait3A_42 : memref<80x128xf32, #tpu.memory_space<vmem>>)
      %mul3A_51 = arith.constant 80 : i32
      %mul3A_52 = arith.muli %rem3A_39, %mul3A_51 : i32
      %dma_start3A = arith.constant 0 : i32
      %dma_start3A_53 = tpu.memref_slice %arg8[%mul3A_52, %dma_start3A] : memref<240x128xf32, #tpu.memory_space<vmem>> -> memref<80x128xf32, #tpu.memory_space<vmem>>
      %dma_start3A_54 = arith.constant 0 : i32
      %dma_start3A_55 = tpu.memref_slice %arg7[%rem3A_39, %dma_start3A_54] : memref<3x80xi32, #tpu.memory_space<vmem>> -> memref<1x80xi32, #tpu.memory_space<vmem>>
      %dma_start3A_56 = tpu.memref_squeeze %dma_start3A_55 : memref<1x80xi32, #tpu.memory_space<vmem>> -> memref<80xi32, #tpu.memory_space<vmem>>
      %dma_start3A_57 = arith.constant 0 : i32
      %dma_start3A_58 = arith.constant 0 : i32
      %dma_start3A_59 = tpu.memref_slice %arg10[%dma_start3A_57, %dma_start3A_58] : memref<10240x128xf32, #tpu.memory_space<vmem_shared>> -> memref<10240x128xf32, #tpu.memory_space<vmem_shared>>
      %dma_start3A_60 = tpu.memref_slice %arg13[%rem3A_39] : memref<3x!tpu.dma_semaphore, #tpu.memory_space<semaphore_mem>> -> memref<1x!tpu.dma_semaphore, #tpu.memory_space<semaphore_mem>>
      %dma_start3A_61 = tpu.memref_squeeze %dma_start3A_60 : memref<1x!tpu.dma_semaphore, #tpu.memory_space<semaphore_mem>> -> memref<!tpu.dma_semaphore, #tpu.memory_space<semaphore_mem>>
      tpu.enqueue_indirect_dma source(%dma_start3A_53 : memref<80x128xf32, #tpu.memory_space<vmem>>) target(%dma_start3A_59 : memref<10240x128xf32, #tpu.memory_space<vmem_shared>>) offsets(%dma_start3A_56 : memref<80xi32, #tpu.memory_space<vmem>>) semaphore(%dma_start3A_61 : memref<!tpu.dma_semaphore, #tpu.memory_space<semaphore_mem>>) {add = true}
      %add3A_62 = arith.constant 3 : i32
      %add3A_63 = arith.addi %add3A_38, %add3A_62 : i32
      %lt3A = arith.constant 125 : i32
      %lt3A_64 = arith.cmpi slt, %add3A_63, %lt3A : i32
      %convert_element_type3A = arith.extui %lt3A_64 : i1 to i32
      %cond3A = arith.constant 0 : i32
      %cond3A_65 = arith.cmpi ne, %convert_element_type3A, %cond3A : i32
      scf.if %cond3A_65 {
        %add3A_74 = arith.constant 3 : i32
        %add3A_75 = arith.addi %add3A_38, %add3A_74 : i32
        %rem3A_76 = arith.constant 3 : i32
        %rem3A_77 = arith.remsi %add3A_75, %rem3A_76 : i32
        %mul3A_78 = arith.constant 10000 : i32
        %mul3A_79 = arith.muli %add3A, %mul3A_78 : i32
        %mul3A_80 = arith.constant 80 : i32
        %mul3A_81 = arith.muli %add3A_75, %mul3A_80 : i32
        %add3A_82 = arith.addi %mul3A_79, %mul3A_81 : i32
        %dma_start3A_83 = arith.constant 0 : i32
        %dma_start3A_84 = tpu.memref_slice %arg6[%rem3A_77, %dma_start3A_83] : memref<3x80xi32, #tpu.memory_space<vmem>> -> memref<1x80xi32, #tpu.memory_space<vmem>>
        %dma_start3A_85 = tpu.memref_squeeze %dma_start3A_84 : memref<1x80xi32, #tpu.memory_space<vmem>> -> memref<80xi32, #tpu.memory_space<vmem>>
        %dma_start3A_86 = tpu.memref_slice %arg3[%add3A_82] : memref<320000xi32, #tpu.memory_space<hbm>> -> memref<80xi32, #tpu.memory_space<hbm>>
        %dma_start3A_87 = tpu.memref_slice %arg12[%rem3A_77] : memref<3x!tpu.dma_semaphore, #tpu.memory_space<semaphore_mem>> -> memref<1x!tpu.dma_semaphore, #tpu.memory_space<semaphore_mem>>
        %dma_start3A_88 = tpu.memref_squeeze %dma_start3A_87 : memref<1x!tpu.dma_semaphore, #tpu.memory_space<semaphore_mem>> -> memref<!tpu.dma_semaphore, #tpu.memory_space<semaphore_mem>>
        %dma_start3A_89 = arith.constant 0 : i32
        %dma_start3A_90 = tpu.memref_slice %arg6[%rem3A_77, %dma_start3A_89] : memref<3x80xi32, #tpu.memory_space<vmem>> -> memref<1x80xi32, #tpu.memory_space<vmem>>
        %dma_start3A_91 = tpu.memref_squeeze %dma_start3A_90 : memref<1x80xi32, #tpu.memory_space<vmem>> -> memref<80xi32, #tpu.memory_space<vmem>>
        %dma_start3A_92 = tpu.memref_slice %arg3[%add3A_82] : memref<320000xi32, #tpu.memory_space<hbm>> -> memref<80xi32, #tpu.memory_space<hbm>>
        tpu.enqueue_dma source(%dma_start3A_92 : memref<80xi32, #tpu.memory_space<hbm>>) target(%dma_start3A_91 : memref<80xi32, #tpu.memory_space<vmem>>) target_semaphore(%dma_start3A_88 : memref<!tpu.dma_semaphore, #tpu.memory_space<semaphore_mem>>)
        %dma_start3A_93 = arith.constant 0 : i32
        %dma_start3A_94 = tpu.memref_slice %arg7[%rem3A_77, %dma_start3A_93] : memref<3x80xi32, #tpu.memory_space<vmem>> -> memref<1x80xi32, #tpu.memory_space<vmem>>
        %dma_start3A_95 = tpu.memref_squeeze %dma_start3A_94 : memref<1x80xi32, #tpu.memory_space<vmem>> -> memref<80xi32, #tpu.memory_space<vmem>>
        %dma_start3A_96 = tpu.memref_slice %arg4[%add3A_82] : memref<320000xi32, #tpu.memory_space<hbm>> -> memref<80xi32, #tpu.memory_space<hbm>>
        %dma_start3A_97 = tpu.memref_slice %arg12[%rem3A_77] : memref<3x!tpu.dma_semaphore, #tpu.memory_space<semaphore_mem>> -> memref<1x!tpu.dma_semaphore, #tpu.memory_space<semaphore_mem>>
        %dma_start3A_98 = tpu.memref_squeeze %dma_start3A_97 : memref<1x!tpu.dma_semaphore, #tpu.memory_space<semaphore_mem>> -> memref<!tpu.dma_semaphore, #tpu.memory_space<semaphore_mem>>
        %dma_start3A_99 = arith.constant 0 : i32
        %dma_start3A_100 = tpu.memref_slice %arg7[%rem3A_77, %dma_start3A_99] : memref<3x80xi32, #tpu.memory_space<vmem>> -> memref<1x80xi32, #tpu.memory_space<vmem>>
        %dma_start3A_101 = tpu.memref_squeeze %dma_start3A_100 : memref<1x80xi32, #tpu.memory_space<vmem>> -> memref<80xi32, #tpu.memory_space<vmem>>
        %dma_start3A_102 = tpu.memref_slice %arg4[%add3A_82] : memref<320000xi32, #tpu.memory_space<hbm>> -> memref<80xi32, #tpu.memory_space<hbm>>
        tpu.enqueue_dma source(%dma_start3A_102 : memref<80xi32, #tpu.memory_space<hbm>>) target(%dma_start3A_101 : memref<80xi32, #tpu.memory_space<vmem>>) target_semaphore(%dma_start3A_98 : memref<!tpu.dma_semaphore, #tpu.memory_space<semaphore_mem>>)
      } else {
      }
      %add3A_66 = arith.constant 3 : i32
      %add3A_67 = arith.addi %add3A_38, %add3A_66 : i32
      %sub3A = arith.constant 1 : i32
      %sub3A_68 = arith.subi %add3A_67, %sub3A : i32
      %lt3A_69 = arith.constant 125 : i32
      %lt3A_70 = arith.cmpi slt, %sub3A_68, %lt3A_69 : i32
      %convert_element_type3A_71 = arith.extui %lt3A_70 : i1 to i32
      %cond3A_72 = arith.constant 0 : i32
      %cond3A_73 = arith.cmpi ne, %convert_element_type3A_71, %cond3A_72 : i32
      scf.if %cond3A_73 {
        %add3A_74 = arith.constant 3 : i32
        %add3A_75 = arith.addi %add3A_38, %add3A_74 : i32
        %sub3A_76 = arith.constant 1 : i32
        %sub3A_77 = arith.subi %add3A_75, %sub3A_76 : i32
        %rem3A_78 = arith.constant 3 : i32
        %rem3A_79 = arith.remsi %sub3A_77, %rem3A_78 : i32
        %add3A_80 = arith.constant 3 : i32
        %add3A_81 = arith.addi %add3A_38, %add3A_80 : i32
        %sub3A_82 = arith.constant 1 : i32
        %sub3A_83 = arith.subi %add3A_81, %sub3A_82 : i32
        %mul3A_84 = arith.constant 10000 : i32
        %mul3A_85 = arith.muli %add3A, %mul3A_84 : i32
        %mul3A_86 = arith.constant 80 : i32
        %mul3A_87 = arith.muli %sub3A_83, %mul3A_86 : i32
        %add3A_88 = arith.addi %mul3A_85, %mul3A_87 : i32
        %dma_wait3A_89 = arith.constant 0 : i32
        %dma_wait3A_90 = tpu.memref_slice %arg6[%rem3A_79, %dma_wait3A_89] : memref<3x80xi32, #tpu.memory_space<vmem>> -> memref<1x80xi32, #tpu.memory_space<vmem>>
        %dma_wait3A_91 = tpu.memref_squeeze %dma_wait3A_90 : memref<1x80xi32, #tpu.memory_space<vmem>> -> memref<80xi32, #tpu.memory_space<vmem>>
        %dma_wait3A_92 = tpu.memref_slice %arg3[%add3A_88] : memref<320000xi32, #tpu.memory_space<hbm>> -> memref<80xi32, #tpu.memory_space<hbm>>
        %dma_wait3A_93 = tpu.memref_slice %arg12[%rem3A_79] : memref<3x!tpu.dma_semaphore, #tpu.memory_space<semaphore_mem>> -> memref<1x!tpu.dma_semaphore, #tpu.memory_space<semaphore_mem>>
        %dma_wait3A_94 = tpu.memref_squeeze %dma_wait3A_93 : memref<1x!tpu.dma_semaphore, #tpu.memory_space<semaphore_mem>> -> memref<!tpu.dma_semaphore, #tpu.memory_space<semaphore_mem>>
        %dma_wait3A_95 = arith.constant 0 : i32
        %dma_wait3A_96 = tpu.memref_slice %arg6[%rem3A_79, %dma_wait3A_95] : memref<3x80xi32, #tpu.memory_space<vmem>> -> memref<1x80xi32, #tpu.memory_space<vmem>>
        %dma_wait3A_97 = tpu.memref_squeeze %dma_wait3A_96 : memref<1x80xi32, #tpu.memory_space<vmem>> -> memref<80xi32, #tpu.memory_space<vmem>>
        %dma_wait3A_98 = tpu.memref_slice %arg3[%add3A_88] : memref<320000xi32, #tpu.memory_space<hbm>> -> memref<80xi32, #tpu.memory_space<hbm>>
        tpu.wait_dma2 semaphore(%dma_wait3A_94 : memref<!tpu.dma_semaphore, #tpu.memory_space<semaphore_mem>>) src(%dma_wait3A_98 : memref<80xi32, #tpu.memory_space<hbm>>) dst(%dma_wait3A_97 : memref<80xi32, #tpu.memory_space<vmem>>)
        %dma_wait3A_99 = arith.constant 0 : i32
        %dma_wait3A_100 = tpu.memref_slice %arg7[%rem3A_79, %dma_wait3A_99] : memref<3x80xi32, #tpu.memory_space<vmem>> -> memref<1x80xi32, #tpu.memory_space<vmem>>
        %dma_wait3A_101 = tpu.memref_squeeze %dma_wait3A_100 : memref<1x80xi32, #tpu.memory_space<vmem>> -> memref<80xi32, #tpu.memory_space<vmem>>
        %dma_wait3A_102 = tpu.memref_slice %arg4[%add3A_88] : memref<320000xi32, #tpu.memory_space<hbm>> -> memref<80xi32, #tpu.memory_space<hbm>>
        %dma_wait3A_103 = tpu.memref_slice %arg12[%rem3A_79] : memref<3x!tpu.dma_semaphore, #tpu.memory_space<semaphore_mem>> -> memref<1x!tpu.dma_semaphore, #tpu.memory_space<semaphore_mem>>
        %dma_wait3A_104 = tpu.memref_squeeze %dma_wait3A_103 : memref<1x!tpu.dma_semaphore, #tpu.memory_space<semaphore_mem>> -> memref<!tpu.dma_semaphore, #tpu.memory_space<semaphore_mem>>
        %dma_wait3A_105 = arith.constant 0 : i32
        %dma_wait3A_106 = tpu.memref_slice %arg7[%rem3A_79, %dma_wait3A_105] : memref<3x80xi32, #tpu.memory_space<vmem>> -> memref<1x80xi32, #tpu.memory_space<vmem>>
        %dma_wait3A_107 = tpu.memref_squeeze %dma_wait3A_106 : memref<1x80xi32, #tpu.memory_space<vmem>> -> memref<80xi32, #tpu.memory_space<vmem>>
        %dma_wait3A_108 = tpu.memref_slice %arg4[%add3A_88] : memref<320000xi32, #tpu.memory_space<hbm>> -> memref<80xi32, #tpu.memory_space<hbm>>
        tpu.wait_dma2 semaphore(%dma_wait3A_104 : memref<!tpu.dma_semaphore, #tpu.memory_space<semaphore_mem>>) src(%dma_wait3A_108 : memref<80xi32, #tpu.memory_space<hbm>>) dst(%dma_wait3A_107 : memref<80xi32, #tpu.memory_space<vmem>>)
        %ge3A = arith.constant 1 : i32
        %ge3A_109 = arith.cmpi sge, %add3A_38, %ge3A : i32
        %convert_element_type3A_110 = arith.extui %ge3A_109 : i1 to i32
        %cond3A_111 = arith.constant 0 : i32
        %cond3A_112 = arith.cmpi ne, %convert_element_type3A_110, %cond3A_111 : i32
        scf.if %cond3A_112 {
          %mul3A_125 = arith.constant 80 : i32
          %mul3A_126 = arith.muli %rem3A_79, %mul3A_125 : i32
          %dma_wait3A_127 = arith.constant 0 : i32
          %dma_wait3A_128 = tpu.memref_slice %arg8[%mul3A_126, %dma_wait3A_127] : memref<240x128xf32, #tpu.memory_space<vmem>> -> memref<80x128xf32, #tpu.memory_space<vmem>>
          %dma_wait3A_129 = arith.constant 0 : i32
          %dma_wait3A_130 = tpu.memref_slice %arg7[%rem3A_79, %dma_wait3A_129] : memref<3x80xi32, #tpu.memory_space<vmem>> -> memref<1x80xi32, #tpu.memory_space<vmem>>
          %dma_wait3A_131 = tpu.memref_squeeze %dma_wait3A_130 : memref<1x80xi32, #tpu.memory_space<vmem>> -> memref<80xi32, #tpu.memory_space<vmem>>
          %dma_wait3A_132 = arith.constant 0 : i32
          %dma_wait3A_133 = arith.constant 0 : i32
          %dma_wait3A_134 = tpu.memref_slice %arg10[%dma_wait3A_132, %dma_wait3A_133] : memref<10240x128xf32, #tpu.memory_space<vmem_shared>> -> memref<10240x128xf32, #tpu.memory_space<vmem_shared>>
          %dma_wait3A_135 = tpu.memref_slice %arg13[%rem3A_79] : memref<3x!tpu.dma_semaphore, #tpu.memory_space<semaphore_mem>> -> memref<1x!tpu.dma_semaphore, #tpu.memory_space<semaphore_mem>>
          %dma_wait3A_136 = tpu.memref_squeeze %dma_wait3A_135 : memref<1x!tpu.dma_semaphore, #tpu.memory_space<semaphore_mem>> -> memref<!tpu.dma_semaphore, #tpu.memory_space<semaphore_mem>>
          tpu.wait_indirect_dma semaphore(%dma_wait3A_136 : memref<!tpu.dma_semaphore, #tpu.memory_space<semaphore_mem>>) src(%dma_wait3A_128 : memref<80x128xf32, #tpu.memory_space<vmem>>) dst(%dma_wait3A_134 : memref<10240x128xf32, #tpu.memory_space<vmem_shared>>)
        } else {
        }
        %mul3A_113 = arith.constant 80 : i32
        %mul3A_114 = arith.muli %rem3A_79, %mul3A_113 : i32
        %dma_start3A_115 = arith.constant 0 : i32
        %dma_start3A_116 = tpu.memref_slice %arg8[%mul3A_114, %dma_start3A_115] : memref<240x128xf32, #tpu.memory_space<vmem>> -> memref<80x128xf32, #tpu.memory_space<vmem>>
        %dma_start3A_117 = arith.constant 0 : i32
        %dma_start3A_118 = tpu.memref_slice %arg6[%rem3A_79, %dma_start3A_117] : memref<3x80xi32, #tpu.memory_space<vmem>> -> memref<1x80xi32, #tpu.memory_space<vmem>>
        %dma_start3A_119 = tpu.memref_squeeze %dma_start3A_118 : memref<1x80xi32, #tpu.memory_space<vmem>> -> memref<80xi32, #tpu.memory_space<vmem>>
        %dma_start3A_120 = arith.constant 0 : i32
        %dma_start3A_121 = arith.constant 0 : i32
        %dma_start3A_122 = tpu.memref_slice %arg2[%dma_start3A_120, %dma_start3A_121] : memref<10000x128xf32, #tpu.memory_space<hbm>> -> memref<10000x128xf32, #tpu.memory_space<hbm>>
        %dma_start3A_123 = tpu.memref_slice %arg11[%rem3A_79] : memref<3x!tpu.dma_semaphore, #tpu.memory_space<semaphore_mem>> -> memref<1x!tpu.dma_semaphore, #tpu.memory_space<semaphore_mem>>
        %dma_start3A_124 = tpu.memref_squeeze %dma_start3A_123 : memref<1x!tpu.dma_semaphore, #tpu.memory_space<semaphore_mem>> -> memref<!tpu.dma_semaphore, #tpu.memory_space<semaphore_mem>>
        tpu.enqueue_indirect_dma source(%dma_start3A_122 : memref<10000x128xf32, #tpu.memory_space<hbm>>) target(%dma_start3A_116 : memref<80x128xf32, #tpu.memory_space<vmem>>) offsets(%dma_start3A_119 : memref<80xi32, #tpu.memory_space<vmem>>) semaphore(%dma_start3A_124 : memref<!tpu.dma_semaphore, #tpu.memory_space<semaphore_mem>>)
      } else {
      }
    }
    %scan3A_25 = arith.constant 125 : i32
    %scan3A_26 = arith.constant 0 : i32
    %scan3A_27 = arith.constant 3 : i32
    %scan3A_28 = arith.addi %scan3A_26, %scan3A_27 : i32
    %scan3A_29 = arith.constant 1 : i32
    scf.for %scan3A_34 = %scan3A_26 to %scan3A_28 step %scan3A_29  : i32 {
      %mul3A_35 = arith.constant 1 : i32
      %mul3A_36 = arith.muli %scan3A_34, %mul3A_35 : i32
      %add3A_37 = arith.constant 122 : i32
      %add3A_38 = arith.addi %add3A_37, %mul3A_36 : i32
      %rem3A = arith.constant 3 : i32
      %rem3A_39 = arith.remsi %add3A_38, %rem3A : i32
      %mul3A_40 = arith.constant 80 : i32
      %mul3A_41 = arith.muli %rem3A_39, %mul3A_40 : i32
      %dma_wait3A = arith.constant 0 : i32
      %dma_wait3A_42 = tpu.memref_slice %arg8[%mul3A_41, %dma_wait3A] : memref<240x128xf32, #tpu.memory_space<vmem>> -> memref<80x128xf32, #tpu.memory_space<vmem>>
      %dma_wait3A_43 = arith.constant 0 : i32
      %dma_wait3A_44 = tpu.memref_slice %arg7[%rem3A_39, %dma_wait3A_43] : memref<3x80xi32, #tpu.memory_space<vmem>> -> memref<1x80xi32, #tpu.memory_space<vmem>>
      %dma_wait3A_45 = tpu.memref_squeeze %dma_wait3A_44 : memref<1x80xi32, #tpu.memory_space<vmem>> -> memref<80xi32, #tpu.memory_space<vmem>>
      %dma_wait3A_46 = arith.constant 0 : i32
      %dma_wait3A_47 = arith.constant 0 : i32
      %dma_wait3A_48 = tpu.memref_slice %arg10[%dma_wait3A_46, %dma_wait3A_47] : memref<10240x128xf32, #tpu.memory_space<vmem_shared>> -> memref<10240x128xf32, #tpu.memory_space<vmem_shared>>
      %dma_wait3A_49 = tpu.memref_slice %arg13[%rem3A_39] : memref<3x!tpu.dma_semaphore, #tpu.memory_space<semaphore_mem>> -> memref<1x!tpu.dma_semaphore, #tpu.memory_space<semaphore_mem>>
      %dma_wait3A_50 = tpu.memref_squeeze %dma_wait3A_49 : memref<1x!tpu.dma_semaphore, #tpu.memory_space<semaphore_mem>> -> memref<!tpu.dma_semaphore, #tpu.memory_space<semaphore_mem>>
      tpu.wait_indirect_dma semaphore(%dma_wait3A_50 : memref<!tpu.dma_semaphore, #tpu.memory_space<semaphore_mem>>) src(%dma_wait3A_42 : memref<80x128xf32, #tpu.memory_space<vmem>>) dst(%dma_wait3A_48 : memref<10240x128xf32, #tpu.memory_space<vmem_shared>>)
    }
    %scan3A_30 = arith.constant 3 : i32
    %barrier3A_31 = arith.constant 0 : index
    tpu.barrier barrier_id(%barrier3A_31)
    %mul3A_32 = arith.constant 640 : i32
    %mul3A_33 = arith.muli %arg1, %mul3A_32 : i32
    "tpu.region"() ({
      %run_scoped3A = tpu.sem_alloc : memref<!tpu.dma_semaphore, #tpu.memory_space<semaphore_mem>>
      %dma_start3A = arith.constant 0 : i32
      %dma_start3A_34 = arith.constant 0 : i32
      %dma_start3A_35 = tpu.memref_slice %arg5[%arg0, %dma_start3A, %dma_start3A_34] : memref<2x10240x128xf32, #tpu.memory_space<hbm>> -> memref<1x10240x128xf32, #tpu.memory_space<hbm>>
      %dma_start3A_36 = tpu.memref_squeeze %dma_start3A_35 : memref<1x10240x128xf32, #tpu.memory_space<hbm>> -> memref<10240x128xf32, #tpu.memory_space<hbm>>
      %dma_start3A_37 = arith.constant 0 : i32
      %dma_start3A_38 = tpu.memref_slice %dma_start3A_36[%mul3A_33, %dma_start3A_37] : memref<10240x128xf32, #tpu.memory_space<hbm>> -> memref<640x128xf32, #tpu.memory_space<hbm>>
      %dma_start3A_39 = arith.constant 0 : i32
      %dma_start3A_40 = tpu.memref_slice %arg10[%mul3A_33, %dma_start3A_39] : memref<10240x128xf32, #tpu.memory_space<vmem_shared>> -> memref<640x128xf32, #tpu.memory_space<vmem_shared>>
      tpu.enqueue_dma source(%dma_start3A_40 : memref<640x128xf32, #tpu.memory_space<vmem_shared>>) target(%dma_start3A_38 : memref<640x128xf32, #tpu.memory_space<hbm>>) target_semaphore(%run_scoped3A : memref<!tpu.dma_semaphore, #tpu.memory_space<semaphore_mem>>)
      %dma_wait3A = arith.constant 0 : i32
      %dma_wait3A_41 = arith.constant 0 : i32
      %dma_wait3A_42 = tpu.memref_slice %arg5[%arg0, %dma_wait3A, %dma_wait3A_41] : memref<2x10240x128xf32, #tpu.memory_space<hbm>> -> memref<1x10240x128xf32, #tpu.memory_space<hbm>>
      %dma_wait3A_43 = tpu.memref_squeeze %dma_wait3A_42 : memref<1x10240x128xf32, #tpu.memory_space<hbm>> -> memref<10240x128xf32, #tpu.memory_space<hbm>>
      %dma_wait3A_44 = arith.constant 0 : i32
      %dma_wait3A_45 = tpu.memref_slice %dma_wait3A_43[%mul3A_33, %dma_wait3A_44] : memref<10240x128xf32, #tpu.memory_space<hbm>> -> memref<640x128xf32, #tpu.memory_space<hbm>>
      %dma_wait3A_46 = arith.constant 0 : i32
      %dma_wait3A_47 = tpu.memref_slice %arg10[%mul3A_33, %dma_wait3A_46] : memref<10240x128xf32, #tpu.memory_space<vmem_shared>> -> memref<640x128xf32, #tpu.memory_space<vmem_shared>>
      tpu.wait_dma2 semaphore(%run_scoped3A : memref<!tpu.dma_semaphore, #tpu.memory_space<semaphore_mem>>) src(%dma_wait3A_47 : memref<640x128xf32, #tpu.memory_space<vmem_shared>>) dst(%dma_wait3A_45 : memref<640x128xf32, #tpu.memory_space<hbm>>)
      tpu.yield
    }) : () -> ()
    return
  }
}

#map = affine_map<(d0, d1) -> (0)>
#map1 = affine_map<(d0, d1) -> (0, 0, 0)>
module attributes {stable_mosaic.version = 14 : i64} {
  func.func @_deg_body(%arg0: i32, %arg1: i32, %arg2: memref<320000xi32, #tpu.memory_space<hbm>>, %arg3: memref<2x10240x128xf32, #tpu.memory_space<hbm>>, %arg4: memref<3x80xi32, #tpu.memory_space<vmem>>, %arg5: memref<80x128xf32, #tpu.memory_space<vmem>>, %arg6: memref<128x128xf32, #tpu.memory_space<vmem>>, %arg7: memref<10240x128xf32, #tpu.memory_space<vmem_shared>>, %arg8: memref<3x!tpu.dma_semaphore, #tpu.memory_space<semaphore_mem>>, %arg9: memref<3x!tpu.dma_semaphore, #tpu.memory_space<semaphore_mem>>) attributes {dimension_semantics = [#tpu.dimension_semantics<core_parallel>, #tpu.dimension_semantics<subcore_parallel>], iteration_bounds = array<i64: 2, 16>, scalar_prefetch = 0 : i64, scratch_operands = 6 : i64, tpu.core_type = #tpu.core_type<sc_vector_subcore>, window_params = [{transform_indices = #map}, {transform_indices = #map1}]} {
    %mul3A = arith.constant 16 : i32
    %mul3A_0 = arith.muli %arg0, %mul3A : i32
    %add3A = arith.addi %mul3A_0, %arg1 : i32
    %broadcast_in_dim3A = arith.constant 0.000000e+00 : f32
    %broadcast_in_dim3A_1 = vector.broadcast %broadcast_in_dim3A : f32 to vector<16xf32>
    %scan3A = arith.constant 0 : i32
    %scan3A_2 = arith.constant 128 : i32
    %scan3A_3 = arith.addi %scan3A, %scan3A_2 : i32
    %scan3A_4 = arith.constant 1 : i32
    scf.for %scan3A_36 = %scan3A to %scan3A_3 step %scan3A_4  : i32 {
      %mul3A_37 = arith.constant 1 : i32
      %mul3A_38 = arith.muli %scan3A_36, %mul3A_37 : i32
      %add3A_39 = arith.constant 0 : i32
      %add3A_40 = arith.addi %add3A_39, %mul3A_38 : i32
      %scan3A_41 = arith.constant 0 : i32
      %scan3A_42 = arith.constant 8 : i32
      %scan3A_43 = arith.addi %scan3A_41, %scan3A_42 : i32
      %scan3A_44 = arith.constant 1 : i32
      scf.for %scan3A_46 = %scan3A_41 to %scan3A_43 step %scan3A_44  : i32 {
        %mul3A_47 = arith.constant 1 : i32
        %mul3A_48 = arith.muli %scan3A_46, %mul3A_47 : i32
        %add3A_49 = arith.constant 0 : i32
        %add3A_50 = arith.addi %add3A_49, %mul3A_48 : i32
        %mul3A_51 = arith.constant 16 : i32
        %mul3A_52 = arith.muli %add3A_50, %mul3A_51 : i32
        %swap3A = arith.index_cast %add3A_40 : i32 to index
        %swap3A_53 = arith.index_cast %mul3A_52 : i32 to index
        %swap3A_54 = tpu.vector_load %arg6[%swap3A, %swap3A_53] {strides = array<i32>} : memref<128x128xf32, #tpu.memory_space<vmem>>, vector<1x16xf32>,
        %swap3A_55 = vector.shape_cast %swap3A_54 : vector<1x16xf32> to vector<16xf32>
        %swap3A_56 = vector.shape_cast %broadcast_in_dim3A_1 : vector<16xf32> to vector<1x16xf32>
        tpu.vector_store %arg6[%swap3A, %swap3A_53], %swap3A_56 {strides = array<i32>} : memref<128x128xf32, #tpu.memory_space<vmem>>, vector<1x16xf32>,
      }
      %scan3A_45 = arith.constant 8 : i32
    }
    %scan3A_5 = arith.constant 128 : i32
    %broadcast_in_dim3A_6 = arith.constant 1.000000e+00 : f32
    %broadcast_in_dim3A_7 = vector.broadcast %broadcast_in_dim3A_6 : f32 to vector<16xf32>
    %scan3A_8 = arith.constant 0 : i32
    %scan3A_9 = arith.constant 80 : i32
    %scan3A_10 = arith.addi %scan3A_8, %scan3A_9 : i32
    %scan3A_11 = arith.constant 1 : i32
    scf.for %scan3A_36 = %scan3A_8 to %scan3A_10 step %scan3A_11  : i32 {
      %mul3A_37 = arith.constant 1 : i32
      %mul3A_38 = arith.muli %scan3A_36, %mul3A_37 : i32
      %add3A_39 = arith.constant 0 : i32
      %add3A_40 = arith.addi %add3A_39, %mul3A_38 : i32
      %scan3A_41 = arith.constant 0 : i32
      %scan3A_42 = arith.constant 8 : i32
      %scan3A_43 = arith.addi %scan3A_41, %scan3A_42 : i32
      %scan3A_44 = arith.constant 1 : i32
      scf.for %scan3A_46 = %scan3A_41 to %scan3A_43 step %scan3A_44  : i32 {
        %mul3A_47 = arith.constant 1 : i32
        %mul3A_48 = arith.muli %scan3A_46, %mul3A_47 : i32
        %add3A_49 = arith.constant 0 : i32
        %add3A_50 = arith.addi %add3A_49, %mul3A_48 : i32
        %mul3A_51 = arith.constant 16 : i32
        %mul3A_52 = arith.muli %add3A_50, %mul3A_51 : i32
        %swap3A = arith.index_cast %add3A_40 : i32 to index
        %swap3A_53 = arith.index_cast %mul3A_52 : i32 to index
        %swap3A_54 = tpu.vector_load %arg5[%swap3A, %swap3A_53] {strides = array<i32>} : memref<80x128xf32, #tpu.memory_space<vmem>>, vector<1x16xf32>,
        %swap3A_55 = vector.shape_cast %swap3A_54 : vector<1x16xf32> to vector<16xf32>
        %swap3A_56 = vector.shape_cast %broadcast_in_dim3A_7 : vector<16xf32> to vector<1x16xf32>
        tpu.vector_store %arg5[%swap3A, %swap3A_53], %swap3A_56 {strides = array<i32>} : memref<80x128xf32, #tpu.memory_space<vmem>>, vector<1x16xf32>,
      }
      %scan3A_45 = arith.constant 8 : i32
    }
    %scan3A_12 = arith.constant 80 : i32
    %scan3A_13 = arith.constant 0 : i32
    %scan3A_14 = arith.constant 5 : i32
    %scan3A_15 = arith.addi %scan3A_13, %scan3A_14 : i32
    %scan3A_16 = arith.constant 1 : i32
    scf.for %scan3A_36 = %scan3A_13 to %scan3A_15 step %scan3A_16  : i32 {
      %mul3A_37 = arith.constant 1 : i32
      %mul3A_38 = arith.muli %scan3A_36, %mul3A_37 : i32
      %add3A_39 = arith.constant 0 : i32
      %add3A_40 = arith.addi %add3A_39, %mul3A_38 : i32
      %mul3A_41 = arith.constant 640 : i32
      %mul3A_42 = arith.muli %arg1, %mul3A_41 : i32
      %mul3A_43 = arith.constant 128 : i32
      %mul3A_44 = arith.muli %add3A_40, %mul3A_43 : i32
      %add3A_45 = arith.addi %mul3A_42, %mul3A_44 : i32
      "tpu.region"() ({
        %run_scoped3A = tpu.sem_alloc : memref<!tpu.dma_semaphore, #tpu.memory_space<semaphore_mem>>
        %dma_start3A = arith.constant 0 : i32
        %dma_start3A_46 = tpu.memref_slice %arg7[%add3A_45, %dma_start3A] : memref<10240x128xf32, #tpu.memory_space<vmem_shared>> -> memref<128x128xf32, #tpu.memory_space<vmem_shared>>
        %dma_start3A_47 = arith.constant 0 : i32
        %dma_start3A_48 = tpu.memref_slice %arg7[%add3A_45, %dma_start3A_47] : memref<10240x128xf32, #tpu.memory_space<vmem_shared>> -> memref<128x128xf32, #tpu.memory_space<vmem_shared>>
        tpu.enqueue_dma source(%arg6 : memref<128x128xf32, #tpu.memory_space<vmem>>) target(%dma_start3A_48 : memref<128x128xf32, #tpu.memory_space<vmem_shared>>) target_semaphore(%run_scoped3A : memref<!tpu.dma_semaphore, #tpu.memory_space<semaphore_mem>>)
        %dma_wait3A = arith.constant 0 : i32
        %dma_wait3A_49 = tpu.memref_slice %arg7[%add3A_45, %dma_wait3A] : memref<10240x128xf32, #tpu.memory_space<vmem_shared>> -> memref<128x128xf32, #tpu.memory_space<vmem_shared>>
        %dma_wait3A_50 = arith.constant 0 : i32
        %dma_wait3A_51 = tpu.memref_slice %arg7[%add3A_45, %dma_wait3A_50] : memref<10240x128xf32, #tpu.memory_space<vmem_shared>> -> memref<128x128xf32, #tpu.memory_space<vmem_shared>>
        tpu.wait_dma2 semaphore(%run_scoped3A : memref<!tpu.dma_semaphore, #tpu.memory_space<semaphore_mem>>) src(%arg6 : memref<128x128xf32, #tpu.memory_space<vmem>>) dst(%dma_wait3A_51 : memref<128x128xf32, #tpu.memory_space<vmem_shared>>)
        tpu.yield
      }) : () -> ()
    }
    %scan3A_17 = arith.constant 5 : i32
    %barrier3A = arith.constant 0 : index
    tpu.barrier barrier_id(%barrier3A)
    %scan3A_18 = arith.constant 0 : i32
    %scan3A_19 = arith.constant 3 : i32
    %scan3A_20 = arith.addi %scan3A_18, %scan3A_19 : i32
    %scan3A_21 = arith.constant 1 : i32
    scf.for %scan3A_36 = %scan3A_18 to %scan3A_20 step %scan3A_21  : i32 {
      %mul3A_37 = arith.constant 1 : i32
      %mul3A_38 = arith.muli %scan3A_36, %mul3A_37 : i32
      %add3A_39 = arith.constant 0 : i32
      %add3A_40 = arith.addi %add3A_39, %mul3A_38 : i32
      %mul3A_41 = arith.constant 10000 : i32
      %mul3A_42 = arith.muli %add3A, %mul3A_41 : i32
      %mul3A_43 = arith.constant 80 : i32
      %mul3A_44 = arith.muli %add3A_40, %mul3A_43 : i32
      %add3A_45 = arith.addi %mul3A_42, %mul3A_44 : i32
      %dma_start3A = arith.constant 0 : i32
      %dma_start3A_46 = tpu.memref_slice %arg4[%add3A_40, %dma_start3A] : memref<3x80xi32, #tpu.memory_space<vmem>> -> memref<1x80xi32, #tpu.memory_space<vmem>>
      %dma_start3A_47 = tpu.memref_squeeze %dma_start3A_46 : memref<1x80xi32, #tpu.memory_space<vmem>> -> memref<80xi32, #tpu.memory_space<vmem>>
      %dma_start3A_48 = tpu.memref_slice %arg2[%add3A_45] : memref<320000xi32, #tpu.memory_space<hbm>> -> memref<80xi32, #tpu.memory_space<hbm>>
      %dma_start3A_49 = tpu.memref_slice %arg8[%add3A_40] : memref<3x!tpu.dma_semaphore, #tpu.memory_space<semaphore_mem>> -> memref<1x!tpu.dma_semaphore, #tpu.memory_space<semaphore_mem>>
      %dma_start3A_50 = tpu.memref_squeeze %dma_start3A_49 : memref<1x!tpu.dma_semaphore, #tpu.memory_space<semaphore_mem>> -> memref<!tpu.dma_semaphore, #tpu.memory_space<semaphore_mem>>
      %dma_start3A_51 = arith.constant 0 : i32
      %dma_start3A_52 = tpu.memref_slice %arg4[%add3A_40, %dma_start3A_51] : memref<3x80xi32, #tpu.memory_space<vmem>> -> memref<1x80xi32, #tpu.memory_space<vmem>>
      %dma_start3A_53 = tpu.memref_squeeze %dma_start3A_52 : memref<1x80xi32, #tpu.memory_space<vmem>> -> memref<80xi32, #tpu.memory_space<vmem>>
      %dma_start3A_54 = tpu.memref_slice %arg2[%add3A_45] : memref<320000xi32, #tpu.memory_space<hbm>> -> memref<80xi32, #tpu.memory_space<hbm>>
      tpu.enqueue_dma source(%dma_start3A_54 : memref<80xi32, #tpu.memory_space<hbm>>) target(%dma_start3A_53 : memref<80xi32, #tpu.memory_space<vmem>>) target_semaphore(%dma_start3A_50 : memref<!tpu.dma_semaphore, #tpu.memory_space<semaphore_mem>>)
    }
    %scan3A_22 = arith.constant 3 : i32
    %scan3A_23 = arith.constant 0 : i32
    %scan3A_24 = arith.constant 125 : i32
    %scan3A_25 = arith.addi %scan3A_23, %scan3A_24 : i32
    %scan3A_26 = arith.constant 1 : i32
    scf.for %scan3A_36 = %scan3A_23 to %scan3A_25 step %scan3A_26  : i32 {
      %mul3A_37 = arith.constant 1 : i32
      %mul3A_38 = arith.muli %scan3A_36, %mul3A_37 : i32
      %add3A_39 = arith.constant 0 : i32
      %add3A_40 = arith.addi %add3A_39, %mul3A_38 : i32
      %rem3A = arith.constant 3 : i32
      %rem3A_41 = arith.remsi %add3A_40, %rem3A : i32
      %mul3A_42 = arith.constant 10000 : i32
      %mul3A_43 = arith.muli %add3A, %mul3A_42 : i32
      %mul3A_44 = arith.constant 80 : i32
      %mul3A_45 = arith.muli %add3A_40, %mul3A_44 : i32
      %add3A_46 = arith.addi %mul3A_43, %mul3A_45 : i32
      %dma_wait3A = arith.constant 0 : i32
      %dma_wait3A_47 = tpu.memref_slice %arg4[%rem3A_41, %dma_wait3A] : memref<3x80xi32, #tpu.memory_space<vmem>> -> memref<1x80xi32, #tpu.memory_space<vmem>>
      %dma_wait3A_48 = tpu.memref_squeeze %dma_wait3A_47 : memref<1x80xi32, #tpu.memory_space<vmem>> -> memref<80xi32, #tpu.memory_space<vmem>>
      %dma_wait3A_49 = tpu.memref_slice %arg2[%add3A_46] : memref<320000xi32, #tpu.memory_space<hbm>> -> memref<80xi32, #tpu.memory_space<hbm>>
      %dma_wait3A_50 = tpu.memref_slice %arg8[%rem3A_41] : memref<3x!tpu.dma_semaphore, #tpu.memory_space<semaphore_mem>> -> memref<1x!tpu.dma_semaphore, #tpu.memory_space<semaphore_mem>>
      %dma_wait3A_51 = tpu.memref_squeeze %dma_wait3A_50 : memref<1x!tpu.dma_semaphore, #tpu.memory_space<semaphore_mem>> -> memref<!tpu.dma_semaphore, #tpu.memory_space<semaphore_mem>>
      %dma_wait3A_52 = arith.constant 0 : i32
      %dma_wait3A_53 = tpu.memref_slice %arg4[%rem3A_41, %dma_wait3A_52] : memref<3x80xi32, #tpu.memory_space<vmem>> -> memref<1x80xi32, #tpu.memory_space<vmem>>
      %dma_wait3A_54 = tpu.memref_squeeze %dma_wait3A_53 : memref<1x80xi32, #tpu.memory_space<vmem>> -> memref<80xi32, #tpu.memory_space<vmem>>
      %dma_wait3A_55 = tpu.memref_slice %arg2[%add3A_46] : memref<320000xi32, #tpu.memory_space<hbm>> -> memref<80xi32, #tpu.memory_space<hbm>>
      tpu.wait_dma2 semaphore(%dma_wait3A_51 : memref<!tpu.dma_semaphore, #tpu.memory_space<semaphore_mem>>) src(%dma_wait3A_55 : memref<80xi32, #tpu.memory_space<hbm>>) dst(%dma_wait3A_54 : memref<80xi32, #tpu.memory_space<vmem>>)
      %dma_start3A = arith.constant 0 : i32
      %dma_start3A_56 = tpu.memref_slice %arg4[%rem3A_41, %dma_start3A] : memref<3x80xi32, #tpu.memory_space<vmem>> -> memref<1x80xi32, #tpu.memory_space<vmem>>
      %dma_start3A_57 = tpu.memref_squeeze %dma_start3A_56 : memref<1x80xi32, #tpu.memory_space<vmem>> -> memref<80xi32, #tpu.memory_space<vmem>>
      %dma_start3A_58 = arith.constant 0 : i32
      %dma_start3A_59 = arith.constant 0 : i32
      %dma_start3A_60 = tpu.memref_slice %arg7[%dma_start3A_58, %dma_start3A_59] : memref<10240x128xf32, #tpu.memory_space<vmem_shared>> -> memref<10240x128xf32, #tpu.memory_space<vmem_shared>>
      %dma_start3A_61 = tpu.memref_slice %arg9[%rem3A_41] : memref<3x!tpu.dma_semaphore, #tpu.memory_space<semaphore_mem>> -> memref<1x!tpu.dma_semaphore, #tpu.memory_space<semaphore_mem>>
      %dma_start3A_62 = tpu.memref_squeeze %dma_start3A_61 : memref<1x!tpu.dma_semaphore, #tpu.memory_space<semaphore_mem>> -> memref<!tpu.dma_semaphore, #tpu.memory_space<semaphore_mem>>
      tpu.enqueue_indirect_dma source(%arg5 : memref<80x128xf32, #tpu.memory_space<vmem>>) target(%dma_start3A_60 : memref<10240x128xf32, #tpu.memory_space<vmem_shared>>) offsets(%dma_start3A_57 : memref<80xi32, #tpu.memory_space<vmem>>) semaphore(%dma_start3A_62 : memref<!tpu.dma_semaphore, #tpu.memory_space<semaphore_mem>>) {add = true}
      %ge3A = arith.constant 1 : i32
      %ge3A_63 = arith.cmpi sge, %add3A_40, %ge3A : i32
      %add3A_64 = arith.constant 3 : i32
      %add3A_65 = arith.addi %add3A_40, %add3A_64 : i32
      %sub3A = arith.constant 1 : i32
      %sub3A_66 = arith.subi %add3A_65, %sub3A : i32
      %lt3A = arith.constant 125 : i32
      %lt3A_67 = arith.cmpi slt, %sub3A_66, %lt3A : i32
      %and3A = arith.andi %ge3A_63, %lt3A_67 : i1
      %convert_element_type3A = arith.extui %and3A : i1 to i32
      %cond3A = arith.constant 0 : i32
      %cond3A_68 = arith.cmpi ne, %convert_element_type3A, %cond3A : i32
      scf.if %cond3A_68 {
        %sub3A_69 = arith.constant 1 : i32
        %sub3A_70 = arith.subi %add3A_40, %sub3A_69 : i32
        %rem3A_71 = arith.constant 3 : i32
        %rem3A_72 = arith.remsi %sub3A_70, %rem3A_71 : i32
        %dma_wait3A_73 = arith.constant 0 : i32
        %dma_wait3A_74 = tpu.memref_slice %arg4[%rem3A_72, %dma_wait3A_73] : memref<3x80xi32, #tpu.memory_space<vmem>> -> memref<1x80xi32, #tpu.memory_space<vmem>>
        %dma_wait3A_75 = tpu.memref_squeeze %dma_wait3A_74 : memref<1x80xi32, #tpu.memory_space<vmem>> -> memref<80xi32, #tpu.memory_space<vmem>>
        %dma_wait3A_76 = arith.constant 0 : i32
        %dma_wait3A_77 = arith.constant 0 : i32
        %dma_wait3A_78 = tpu.memref_slice %arg7[%dma_wait3A_76, %dma_wait3A_77] : memref<10240x128xf32, #tpu.memory_space<vmem_shared>> -> memref<10240x128xf32, #tpu.memory_space<vmem_shared>>
        %dma_wait3A_79 = tpu.memref_slice %arg9[%rem3A_72] : memref<3x!tpu.dma_semaphore, #tpu.memory_space<semaphore_mem>> -> memref<1x!tpu.dma_semaphore, #tpu.memory_space<semaphore_mem>>
        %dma_wait3A_80 = tpu.memref_squeeze %dma_wait3A_79 : memref<1x!tpu.dma_semaphore, #tpu.memory_space<semaphore_mem>> -> memref<!tpu.dma_semaphore, #tpu.memory_space<semaphore_mem>>
        tpu.wait_indirect_dma semaphore(%dma_wait3A_80 : memref<!tpu.dma_semaphore, #tpu.memory_space<semaphore_mem>>) src(%arg5 : memref<80x128xf32, #tpu.memory_space<vmem>>) dst(%dma_wait3A_78 : memref<10240x128xf32, #tpu.memory_space<vmem_shared>>)
        %add3A_81 = arith.constant 3 : i32
        %add3A_82 = arith.addi %add3A_40, %add3A_81 : i32
        %sub3A_83 = arith.constant 1 : i32
        %sub3A_84 = arith.subi %add3A_82, %sub3A_83 : i32
        %mul3A_85 = arith.constant 10000 : i32
        %mul3A_86 = arith.muli %add3A, %mul3A_85 : i32
        %mul3A_87 = arith.constant 80 : i32
        %mul3A_88 = arith.muli %sub3A_84, %mul3A_87 : i32
        %add3A_89 = arith.addi %mul3A_86, %mul3A_88 : i32
        %dma_start3A_90 = arith.constant 0 : i32
        %dma_start3A_91 = tpu.memref_slice %arg4[%rem3A_72, %dma_start3A_90] : memref<3x80xi32, #tpu.memory_space<vmem>> -> memref<1x80xi32, #tpu.memory_space<vmem>>
        %dma_start3A_92 = tpu.memref_squeeze %dma_start3A_91 : memref<1x80xi32, #tpu.memory_space<vmem>> -> memref<80xi32, #tpu.memory_space<vmem>>
        %dma_start3A_93 = tpu.memref_slice %arg2[%add3A_89] : memref<320000xi32, #tpu.memory_space<hbm>> -> memref<80xi32, #tpu.memory_space<hbm>>
        %dma_start3A_94 = tpu.memref_slice %arg8[%rem3A_72] : memref<3x!tpu.dma_semaphore, #tpu.memory_space<semaphore_mem>> -> memref<1x!tpu.dma_semaphore, #tpu.memory_space<semaphore_mem>>
        %dma_start3A_95 = tpu.memref_squeeze %dma_start3A_94 : memref<1x!tpu.dma_semaphore, #tpu.memory_space<semaphore_mem>> -> memref<!tpu.dma_semaphore, #tpu.memory_space<semaphore_mem>>
        %dma_start3A_96 = arith.constant 0 : i32
        %dma_start3A_97 = tpu.memref_slice %arg4[%rem3A_72, %dma_start3A_96] : memref<3x80xi32, #tpu.memory_space<vmem>> -> memref<1x80xi32, #tpu.memory_space<vmem>>
        %dma_start3A_98 = tpu.memref_squeeze %dma_start3A_97 : memref<1x80xi32, #tpu.memory_space<vmem>> -> memref<80xi32, #tpu.memory_space<vmem>>
        %dma_start3A_99 = tpu.memref_slice %arg2[%add3A_89] : memref<320000xi32, #tpu.memory_space<hbm>> -> memref<80xi32, #tpu.memory_space<hbm>>
        tpu.enqueue_dma source(%dma_start3A_99 : memref<80xi32, #tpu.memory_space<hbm>>) target(%dma_start3A_98 : memref<80xi32, #tpu.memory_space<vmem>>) target_semaphore(%dma_start3A_95 : memref<!tpu.dma_semaphore, #tpu.memory_space<semaphore_mem>>)
      } else {
      }
    }
    %scan3A_27 = arith.constant 125 : i32
    %scan3A_28 = arith.constant 0 : i32
    %scan3A_29 = arith.constant 3 : i32
    %scan3A_30 = arith.addi %scan3A_28, %scan3A_29 : i32
    %scan3A_31 = arith.constant 1 : i32
    scf.for %scan3A_36 = %scan3A_28 to %scan3A_30 step %scan3A_31  : i32 {
      %mul3A_37 = arith.constant 1 : i32
      %mul3A_38 = arith.muli %scan3A_36, %mul3A_37 : i32
      %add3A_39 = arith.constant 122 : i32
      %add3A_40 = arith.addi %add3A_39, %mul3A_38 : i32
      %rem3A = arith.constant 3 : i32
      %rem3A_41 = arith.remsi %add3A_40, %rem3A : i32
      %dma_wait3A = arith.constant 0 : i32
      %dma_wait3A_42 = tpu.memref_slice %arg4[%rem3A_41, %dma_wait3A] : memref<3x80xi32, #tpu.memory_space<vmem>> -> memref<1x80xi32, #tpu.memory_space<vmem>>
      %dma_wait3A_43 = tpu.memref_squeeze %dma_wait3A_42 : memref<1x80xi32, #tpu.memory_space<vmem>> -> memref<80xi32, #tpu.memory_space<vmem>>
      %dma_wait3A_44 = arith.constant 0 : i32
      %dma_wait3A_45 = arith.constant 0 : i32
      %dma_wait3A_46 = tpu.memref_slice %arg7[%dma_wait3A_44, %dma_wait3A_45] : memref<10240x128xf32, #tpu.memory_space<vmem_shared>> -> memref<10240x128xf32, #tpu.memory_space<vmem_shared>>
      %dma_wait3A_47 = tpu.memref_slice %arg9[%rem3A_41] : memref<3x!tpu.dma_semaphore, #tpu.memory_space<semaphore_mem>> -> memref<1x!tpu.dma_semaphore, #tpu.memory_space<semaphore_mem>>
      %dma_wait3A_48 = tpu.memref_squeeze %dma_wait3A_47 : memref<1x!tpu.dma_semaphore, #tpu.memory_space<semaphore_mem>> -> memref<!tpu.dma_semaphore, #tpu.memory_space<semaphore_mem>>
      tpu.wait_indirect_dma semaphore(%dma_wait3A_48 : memref<!tpu.dma_semaphore, #tpu.memory_space<semaphore_mem>>) src(%arg5 : memref<80x128xf32, #tpu.memory_space<vmem>>) dst(%dma_wait3A_46 : memref<10240x128xf32, #tpu.memory_space<vmem_shared>>)
    }
    %scan3A_32 = arith.constant 3 : i32
    %barrier3A_33 = arith.constant 0 : index
    tpu.barrier barrier_id(%barrier3A_33)
    %mul3A_34 = arith.constant 640 : i32
    %mul3A_35 = arith.muli %arg1, %mul3A_34 : i32
    "tpu.region"() ({
      %run_scoped3A = tpu.sem_alloc : memref<!tpu.dma_semaphore, #tpu.memory_space<semaphore_mem>>
      %dma_start3A = arith.constant 0 : i32
      %dma_start3A_36 = arith.constant 0 : i32
      %dma_start3A_37 = tpu.memref_slice %arg3[%arg0, %dma_start3A, %dma_start3A_36] : memref<2x10240x128xf32, #tpu.memory_space<hbm>> -> memref<1x10240x128xf32, #tpu.memory_space<hbm>>
      %dma_start3A_38 = tpu.memref_squeeze %dma_start3A_37 : memref<1x10240x128xf32, #tpu.memory_space<hbm>> -> memref<10240x128xf32, #tpu.memory_space<hbm>>
      %dma_start3A_39 = arith.constant 0 : i32
      %dma_start3A_40 = tpu.memref_slice %dma_start3A_38[%mul3A_35, %dma_start3A_39] : memref<10240x128xf32, #tpu.memory_space<hbm>> -> memref<640x128xf32, #tpu.memory_space<hbm>>
      %dma_start3A_41 = arith.constant 0 : i32
      %dma_start3A_42 = tpu.memref_slice %arg7[%mul3A_35, %dma_start3A_41] : memref<10240x128xf32, #tpu.memory_space<vmem_shared>> -> memref<640x128xf32, #tpu.memory_space<vmem_shared>>
      tpu.enqueue_dma source(%dma_start3A_42 : memref<640x128xf32, #tpu.memory_space<vmem_shared>>) target(%dma_start3A_40 : memref<640x128xf32, #tpu.memory_space<hbm>>) target_semaphore(%run_scoped3A : memref<!tpu.dma_semaphore, #tpu.memory_space<semaphore_mem>>)
      %dma_wait3A = arith.constant 0 : i32
      %dma_wait3A_43 = arith.constant 0 : i32
      %dma_wait3A_44 = tpu.memref_slice %arg3[%arg0, %dma_wait3A, %dma_wait3A_43] : memref<2x10240x128xf32, #tpu.memory_space<hbm>> -> memref<1x10240x128xf32, #tpu.memory_space<hbm>>
      %dma_wait3A_45 = tpu.memref_squeeze %dma_wait3A_44 : memref<1x10240x128xf32, #tpu.memory_space<hbm>> -> memref<10240x128xf32, #tpu.memory_space<hbm>>
      %dma_wait3A_46 = arith.constant 0 : i32
      %dma_wait3A_47 = tpu.memref_slice %dma_wait3A_45[%mul3A_35, %dma_wait3A_46] : memref<10240x128xf32, #tpu.memory_space<hbm>> -> memref<640x128xf32, #tpu.memory_space<hbm>>
      %dma_wait3A_48 = arith.constant 0 : i32
      %dma_wait3A_49 = tpu.memref_slice %arg7[%mul3A_35, %dma_wait3A_48] : memref<10240x128xf32, #tpu.memory_space<vmem_shared>> -> memref<640x128xf32, #tpu.memory_space<vmem_shared>>
      tpu.wait_dma2 semaphore(%run_scoped3A : memref<!tpu.dma_semaphore, #tpu.memory_space<semaphore_mem>>) src(%dma_wait3A_49 : memref<640x128xf32, #tpu.memory_space<vmem_shared>>) dst(%dma_wait3A_47 : memref<640x128xf32, #tpu.memory_space<hbm>>)
      tpu.yield
    }) : () -> ()
    return
  }
}

module attributes {stable_mosaic.version = 14 : i64} {
  func.func @body(%arg0: i32, %arg1: memref<1000x128xf32, #tpu.memory_space<vmem>>, %arg2: memref<2x1000x128xf32, #tpu.memory_space<vmem>>, %arg3: memref<2x1000x128xf32, #tpu.memory_space<vmem>>, %arg4: memref<128x128xf32, #tpu.memory_space<vmem>>, %arg5: memref<128x128xf32, #tpu.memory_space<vmem>>, %arg6: memref<1x128xf32, #tpu.memory_space<vmem>>, %arg7: memref<128x128xf32, #tpu.memory_space<vmem>>, %arg8: memref<1x128xf32, #tpu.memory_space<vmem>>, %arg9: memref<1000x128xf32, #tpu.memory_space<vmem>>) attributes {dimension_semantics = [#tpu.dimension_semantics<arbitrary>], iteration_bounds = array<i64: 10>, scalar_prefetch = 0 : i64, scratch_operands = 0 : i64, tpu.core_type = #tpu.core_type<tc>, window_params = [{transform_indices = @transform_0, window_bounds = array<i64: 1000, 128>}, {transform_indices = @transform_1, window_bounds = array<i64: 2, 1000, 128>}, {transform_indices = @transform_2, window_bounds = array<i64: 2, 1000, 128>}, {pipeline_mode = #tpu.pipeline_mode<synchronous>, transform_indices = @transform_3, window_bounds = array<i64: 128, 128>}, {pipeline_mode = #tpu.pipeline_mode<synchronous>, transform_indices = @transform_4, window_bounds = array<i64: 128, 128>}, {pipeline_mode = #tpu.pipeline_mode<synchronous>, transform_indices = @transform_5, window_bounds = array<i64: 1, 128>}, {pipeline_mode = #tpu.pipeline_mode<synchronous>, transform_indices = @transform_6, window_bounds = array<i64: 128, 128>}, {pipeline_mode = #tpu.pipeline_mode<synchronous>, transform_indices = @transform_7, window_bounds = array<i64: 1, 128>}, {transform_indices = @transform_8, window_bounds = array<i64: 1000, 128>}]} {
    %get3A = arith.constant 0 : index
    %get3A_0 = arith.constant 0 : index
    %get3A_1 = arith.constant 0 : index
    %get3A_2 = vector.load %arg2[%get3A, %get3A_0, %get3A_1] : memref<2x1000x128xf32, #tpu.memory_space<vmem>>, vector<1x1000x128xf32>
    %get3A_3 = vector.shape_cast %get3A_2 : vector<1x1000x128xf32> to vector<1000x128xf32>
    %get3A_4 = arith.constant 1 : index
    %get3A_5 = arith.constant 0 : index
    %get3A_6 = arith.constant 0 : index
    %get3A_7 = vector.load %arg2[%get3A_4, %get3A_5, %get3A_6] : memref<2x1000x128xf32, #tpu.memory_space<vmem>>, vector<1x1000x128xf32>
    %get3A_8 = vector.shape_cast %get3A_7 : vector<1x1000x128xf32> to vector<1000x128xf32>
    %add3A = arith.addf %get3A_3, %get3A_8 : vector<1000x128xf32>
    %get3A_9 = arith.constant 0 : index
    %get3A_10 = arith.constant 0 : index
    %get3A_11 = arith.constant 0 : index
    %get3A_12 = vector.load %arg3[%get3A_9, %get3A_10, %get3A_11] : memref<2x1000x128xf32, #tpu.memory_space<vmem>>, vector<1x1000x1xf32>
    %get3A_13 = vector.shape_cast %get3A_12 : vector<1x1000x1xf32> to vector<1000x1xf32>
    %get3A_14 = arith.constant 1 : index
    %get3A_15 = arith.constant 0 : index
    %get3A_16 = arith.constant 0 : index
    %get3A_17 = vector.load %arg3[%get3A_14, %get3A_15, %get3A_16] : memref<2x1000x128xf32, #tpu.memory_space<vmem>>, vector<1x1000x1xf32>
    %get3A_18 = vector.shape_cast %get3A_17 : vector<1x1000x1xf32> to vector<1000x1xf32>
    %add3A_19 = arith.addf %get3A_13, %get3A_18 : vector<1000x1xf32>
    %max3A = arith.constant 1.000000e+00 : f32
    %max3A_20 = vector.broadcast %max3A : f32 to vector<1000x1xf32>
    %max3A_21 = arith.maximumf %add3A_19, %max3A_20 : vector<1000x1xf32>
    %div3A = vector.broadcast %max3A_21 : vector<1000x1xf32> to vector<1000x128xf32>
    %div3A_22 = arith.divf %add3A, %div3A : vector<1000x128xf32>
    %get3A_23 = arith.constant 0 : index
    %get3A_24 = arith.constant 0 : index
    %get3A_25 = vector.load %arg1[%get3A_23, %get3A_24] : memref<1000x128xf32, #tpu.memory_space<vmem>>, vector<1000x128xf32>
    %get3A_26 = arith.constant 0 : index
    %get3A_27 = arith.constant 0 : index
    %get3A_28 = vector.load %arg4[%get3A_26, %get3A_27] : memref<128x128xf32, #tpu.memory_space<vmem>>, vector<128x128xf32>
    %dot_general3A = arith.constant dense<0.000000e+00> : vector<1000x128xf32>
    %dot_general3A_29 = tpu.matmul %get3A_25, %get3A_28, %dot_general3A {dimension_numbers = #tpu.dot_dimension_numbers<[1], [0], [0], [1], [0, 0, 1, 1], [], []>, transpose_lhs_hint = false} : vector<1000x128xf32>, vector<128x128xf32>, vector<1000x128xf32> -> vector<1000x128xf32>
    %get3A_30 = arith.constant 0 : index
    %get3A_31 = arith.constant 0 : index
    %get3A_32 = vector.load %arg5[%get3A_30, %get3A_31] : memref<128x128xf32, #tpu.memory_space<vmem>>, vector<128x128xf32>
    %dot_general3A_33 = arith.constant dense<0.000000e+00> : vector<1000x128xf32>
    %dot_general3A_34 = tpu.matmul %div3A_22, %get3A_32, %dot_general3A_33 {dimension_numbers = #tpu.dot_dimension_numbers<[1], [0], [0], [1], [0, 0, 1, 1], [], []>, transpose_lhs_hint = false} : vector<1000x128xf32>, vector<128x128xf32>, vector<1000x128xf32> -> vector<1000x128xf32>
    %add3A_35 = arith.addf %dot_general3A_29, %dot_general3A_34 : vector<1000x128xf32>
    %get3A_36 = arith.constant 0 : index
    %get3A_37 = arith.constant 0 : index
    %get3A_38 = vector.load %arg6[%get3A_36, %get3A_37] : memref<1x128xf32, #tpu.memory_space<vmem>>, vector<1x128xf32>
    %add3A_39 = vector.broadcast %get3A_38 : vector<1x128xf32> to vector<1000x128xf32>
    %add3A_40 = arith.addf %add3A_35, %add3A_39 : vector<1000x128xf32>
    %get3A_41 = arith.constant 0 : index
    %get3A_42 = arith.constant 0 : index
    %get3A_43 = vector.load %arg7[%get3A_41, %get3A_42] : memref<128x128xf32, #tpu.memory_space<vmem>>, vector<128x128xf32>
    %dot_general3A_44 = arith.constant dense<0.000000e+00> : vector<1000x128xf32>
    %dot_general3A_45 = tpu.matmul %add3A_40, %get3A_43, %dot_general3A_44 {dimension_numbers = #tpu.dot_dimension_numbers<[1], [0], [0], [1], [0, 0, 1, 1], [], []>, transpose_lhs_hint = false} : vector<1000x128xf32>, vector<128x128xf32>, vector<1000x128xf32> -> vector<1000x128xf32>
    %get3A_46 = arith.constant 0 : index
    %get3A_47 = arith.constant 0 : index
    %get3A_48 = vector.load %arg8[%get3A_46, %get3A_47] : memref<1x128xf32, #tpu.memory_space<vmem>>, vector<1x128xf32>
    %add3A_49 = vector.broadcast %get3A_48 : vector<1x128xf32> to vector<1000x128xf32>
    %add3A_50 = arith.addf %dot_general3A_45, %add3A_49 : vector<1000x128xf32>
    %logistic3A = arith.negf %add3A_50 : vector<1000x128xf32>
    %logistic3A_51 = math.exp %logistic3A : vector<1000x128xf32>
    %logistic3A_52 = arith.constant 1.000000e+00 : f32
    %logistic3A_53 = vector.broadcast %logistic3A_52 : f32 to vector<1000x128xf32>
    %logistic3A_54 = arith.addf %logistic3A_53, %logistic3A_51 : vector<1000x128xf32>
    %logistic3A_55 = arith.divf %logistic3A_53, %logistic3A_54 : vector<1000x128xf32>
    %mul3A = arith.mulf %add3A_40, %logistic3A_55 : vector<1000x128xf32>
    %max3A_56 = arith.constant 0.000000e+00 : f32
    %max3A_57 = vector.broadcast %max3A_56 : f32 to vector<1000x128xf32>
    %max3A_58 = arith.maximumf %mul3A, %max3A_57 : vector<1000x128xf32>
    %swap3A = arith.constant 0 : index
    %swap3A_59 = arith.constant 0 : index
    %swap3A_60 = vector.load %arg9[%swap3A, %swap3A_59] : memref<1000x128xf32, #tpu.memory_space<vmem>>, vector<1000x128xf32>
    tpu.vector_store %arg9[%swap3A, %swap3A_59], %max3A_58 {strides = array<i32>} : memref<1000x128xf32, #tpu.memory_space<vmem>>, vector<1000x128xf32>,
    return
  }
  func.func @transform_0(%arg0: i32) -> (i32, i32) {
    %c0_i32 = arith.constant 0 : i32
    %c0_i32_0 = arith.constant 0 : i32
    return %arg0, %c0_i32 : i32, i32
  }
  func.func @transform_1(%arg0: i32) -> (i32, i32, i32) {
    %c0_i32 = arith.constant 0 : i32
    %c0_i32_0 = arith.constant 0 : i32
    %c0_i32_1 = arith.constant 0 : i32
    return %c0_i32, %arg0, %c0_i32_0 : i32, i32, i32
  }
  func.func @transform_2(%arg0: i32) -> (i32, i32, i32) {
    %c0_i32 = arith.constant 0 : i32
    %c0_i32_0 = arith.constant 0 : i32
    %c0_i32_1 = arith.constant 0 : i32
    return %c0_i32, %arg0, %c0_i32_0 : i32, i32, i32
  }
  func.func @transform_3(%arg0: i32) -> (i32, i32) {
    %c0_i32 = arith.constant 0 : i32
    %c0_i32_0 = arith.constant 0 : i32
    %c0_i32_1 = arith.constant 0 : i32
    return %c0_i32, %c0_i32_0 : i32, i32
  }
  func.func @transform_4(%arg0: i32) -> (i32, i32) {
    %c0_i32 = arith.constant 0 : i32
    %c0_i32_0 = arith.constant 0 : i32
    %c0_i32_1 = arith.constant 0 : i32
    return %c0_i32, %c0_i32_0 : i32, i32
  }
  func.func @transform_5(%arg0: i32) -> (i32, i32) {
    %c0_i32 = arith.constant 0 : i32
    %c0_i32_0 = arith.constant 0 : i32
    %c0_i32_1 = arith.constant 0 : i32
    return %c0_i32, %c0_i32_0 : i32, i32
  }
  func.func @transform_6(%arg0: i32) -> (i32, i32) {
    %c0_i32 = arith.constant 0 : i32
    %c0_i32_0 = arith.constant 0 : i32
    %c0_i32_1 = arith.constant 0 : i32
    return %c0_i32, %c0_i32_0 : i32, i32
  }
  func.func @transform_7(%arg0: i32) -> (i32, i32) {
    %c0_i32 = arith.constant 0 : i32
    %c0_i32_0 = arith.constant 0 : i32
    %c0_i32_1 = arith.constant 0 : i32
    return %c0_i32, %c0_i32_0 : i32, i32
  }
  func.func @transform_8(%arg0: i32) -> (i32, i32) {
    %c0_i32 = arith.constant 0 : i32
    %c0_i32_0 = arith.constant 0 : i32
    return %arg0, %c0_i32 : i32, i32
  }
}

module attributes {stable_mosaic.version = 14 : i64} {
  func.func @body(%arg0: memref<10000x128xf32, #tpu.memory_space<vmem>>, %arg1: memref<10000x128xf32, #tpu.memory_space<vmem>>, %arg2: memref<10000x128xf32, #tpu.memory_space<vmem>>) attributes {dimension_semantics = [], scalar_prefetch = 0 : i64, scratch_operands = 0 : i64, tpu.core_type = #tpu.core_type<tc>} {
    %get3A = arith.constant 0 : index
    %get3A_0 = arith.constant 0 : index
    %get3A_1 = vector.load %arg0[%get3A, %get3A_0] : memref<10000x128xf32, #tpu.memory_space<vmem>>, vector<10000x128xf32>
    %gt3A = arith.constant 0.000000e+00 : f32
    %gt3A_2 = vector.broadcast %gt3A : f32 to vector<10000x128xf32>
    %gt3A_3 = arith.cmpf ogt, %get3A_1, %gt3A_2 : vector<10000x128xf32>
    %get3A_4 = arith.constant 0 : index
    %get3A_5 = arith.constant 0 : index
    %get3A_6 = vector.load %arg1[%get3A_4, %get3A_5] : memref<10000x128xf32, #tpu.memory_space<vmem>>, vector<10000x128xf32>
    %jit3A = arith.constant 0.000000e+00 : f32
    %broadcast_in_dim3A = vector.broadcast %jit3A : f32 to vector<10000x128xf32>
    %select_n3A = arith.select %gt3A_3, %broadcast_in_dim3A, %get3A_6 : vector<10000x128xi1>, vector<10000x128xf32>
    %swap3A = arith.constant 0 : index
    %swap3A_7 = arith.constant 0 : index
    %swap3A_8 = vector.load %arg2[%swap3A, %swap3A_7] : memref<10000x128xf32, #tpu.memory_space<vmem>>, vector<10000x128xf32>
    tpu.vector_store %arg2[%swap3A, %swap3A_7], %select_n3A {strides = array<i32>} : memref<10000x128xf32, #tpu.memory_space<vmem>>, vector<10000x128xf32>,
    return
  }
}

module attributes {stable_mosaic.version = 14 : i64} {
  func.func @body(%arg0: i32, %arg1: memref<1000x128xf32, #tpu.memory_space<vmem>>, %arg2: memref<2x1000x128xf32, #tpu.memory_space<vmem>>, %arg3: memref<2x1000x128xf32, #tpu.memory_space<vmem>>, %arg4: memref<128x128xf32, #tpu.memory_space<vmem>>, %arg5: memref<128x128xf32, #tpu.memory_space<vmem>>, %arg6: memref<1x128xf32, #tpu.memory_space<vmem>>, %arg7: memref<128x128xf32, #tpu.memory_space<vmem>>, %arg8: memref<1x128xf32, #tpu.memory_space<vmem>>, %arg9: memref<128x128xf32, #tpu.memory_space<vmem>>, %arg10: memref<1x128xf32, #tpu.memory_space<vmem>>, %arg11: memref<1000x128xf32, #tpu.memory_space<vmem>>, %arg12: memref<1000x128xf32, #tpu.memory_space<vmem>>, %arg13: memref<1000x128xf32, #tpu.memory_space<vmem>>, %arg14: memref<1x1xf32, #tpu.memory_space<smem>>, %arg15: memref<2xf32, #tpu.memory_space<smem>>) attributes {dimension_semantics = [#tpu.dimension_semantics<arbitrary>], iteration_bounds = array<i64: 10>, scalar_prefetch = 0 : i64, scratch_operands = 1 : i64, tpu.core_type = #tpu.core_type<tc>, window_params = [{transform_indices = @transform_0, window_bounds = array<i64: 1000, 128>}, {transform_indices = @transform_1, window_bounds = array<i64: 2, 1000, 128>}, {transform_indices = @transform_2, window_bounds = array<i64: 2, 1000, 128>}, {pipeline_mode = #tpu.pipeline_mode<synchronous>, transform_indices = @transform_3, window_bounds = array<i64: 128, 128>}, {pipeline_mode = #tpu.pipeline_mode<synchronous>, transform_indices = @transform_4, window_bounds = array<i64: 128, 128>}, {pipeline_mode = #tpu.pipeline_mode<synchronous>, transform_indices = @transform_5, window_bounds = array<i64: 1, 128>}, {pipeline_mode = #tpu.pipeline_mode<synchronous>, transform_indices = @transform_6, window_bounds = array<i64: 128, 128>}, {pipeline_mode = #tpu.pipeline_mode<synchronous>, transform_indices = @transform_7, window_bounds = array<i64: 1, 128>}, {pipeline_mode = #tpu.pipeline_mode<synchronous>, transform_indices = @transform_8, window_bounds = array<i64: 128, 128>}, {pipeline_mode = #tpu.pipeline_mode<synchronous>, transform_indices = @transform_9, window_bounds = array<i64: 1, 128>}, {transform_indices = @transform_10, window_bounds = array<i64: 1000, 128>}, {transform_indices = @transform_11, window_bounds = array<i64: 1000, 128>}, {transform_indices = @transform_12, window_bounds = array<i64: 1000, 128>}, {transform_indices = @transform_13, window_bounds = array<i64: 1, 1>}]} {
    %eq3A = arith.constant 0 : i32
    %eq3A_0 = arith.cmpi eq, %arg0, %eq3A : i32
    %convert_element_type3A = arith.extui %eq3A_0 : i1 to i32
    %cond3A = arith.constant 0 : i32
    %cond3A_1 = arith.cmpi ne, %convert_element_type3A, %cond3A : i32
    scf.if %cond3A_1 {
      %swap3A_136 = arith.constant 0.000000e+00 : f32
      %swap3A_137 = arith.constant 0 : index
      %swap3A_138 = memref.load %arg15[%swap3A_137] : memref<2xf32, #tpu.memory_space<smem>>
      memref.store %swap3A_136, %arg15[%swap3A_137] : memref<2xf32, #tpu.memory_space<smem>>
      %swap3A_139 = arith.constant 0.000000e+00 : f32
      %swap3A_140 = arith.constant 1 : index
      %swap3A_141 = memref.load %arg15[%swap3A_140] : memref<2xf32, #tpu.memory_space<smem>>
      memref.store %swap3A_139, %arg15[%swap3A_140] : memref<2xf32, #tpu.memory_space<smem>>
    } else {
    }
    %get3A = arith.constant 0 : index
    %get3A_2 = arith.constant 0 : index
    %get3A_3 = arith.constant 0 : index
    %get3A_4 = vector.load %arg2[%get3A, %get3A_2, %get3A_3] : memref<2x1000x128xf32, #tpu.memory_space<vmem>>, vector<1x1000x128xf32>
    %get3A_5 = vector.shape_cast %get3A_4 : vector<1x1000x128xf32> to vector<1000x128xf32>
    %get3A_6 = arith.constant 1 : index
    %get3A_7 = arith.constant 0 : index
    %get3A_8 = arith.constant 0 : index
    %get3A_9 = vector.load %arg2[%get3A_6, %get3A_7, %get3A_8] : memref<2x1000x128xf32, #tpu.memory_space<vmem>>, vector<1x1000x128xf32>
    %get3A_10 = vector.shape_cast %get3A_9 : vector<1x1000x128xf32> to vector<1000x128xf32>
    %add3A = arith.addf %get3A_5, %get3A_10 : vector<1000x128xf32>
    %get3A_11 = arith.constant 0 : index
    %get3A_12 = arith.constant 0 : index
    %get3A_13 = arith.constant 0 : index
    %get3A_14 = vector.load %arg3[%get3A_11, %get3A_12, %get3A_13] : memref<2x1000x128xf32, #tpu.memory_space<vmem>>, vector<1x1000x1xf32>
    %get3A_15 = vector.shape_cast %get3A_14 : vector<1x1000x1xf32> to vector<1000x1xf32>
    %get3A_16 = arith.constant 1 : index
    %get3A_17 = arith.constant 0 : index
    %get3A_18 = arith.constant 0 : index
    %get3A_19 = vector.load %arg3[%get3A_16, %get3A_17, %get3A_18] : memref<2x1000x128xf32, #tpu.memory_space<vmem>>, vector<1x1000x1xf32>
    %get3A_20 = vector.shape_cast %get3A_19 : vector<1x1000x1xf32> to vector<1000x1xf32>
    %add3A_21 = arith.addf %get3A_15, %get3A_20 : vector<1000x1xf32>
    %max3A = arith.constant 1.000000e+00 : f32
    %max3A_22 = vector.broadcast %max3A : f32 to vector<1000x1xf32>
    %max3A_23 = arith.maximumf %add3A_21, %max3A_22 : vector<1000x1xf32>
    %div3A = vector.broadcast %max3A_23 : vector<1000x1xf32> to vector<1000x128xf32>
    %div3A_24 = arith.divf %add3A, %div3A : vector<1000x128xf32>
    %get3A_25 = arith.constant 0 : index
    %get3A_26 = arith.constant 0 : index
    %get3A_27 = vector.load %arg1[%get3A_25, %get3A_26] : memref<1000x128xf32, #tpu.memory_space<vmem>>, vector<1000x128xf32>
    %get3A_28 = arith.constant 0 : index
    %get3A_29 = arith.constant 0 : index
    %get3A_30 = vector.load %arg4[%get3A_28, %get3A_29] : memref<128x128xf32, #tpu.memory_space<vmem>>, vector<128x128xf32>
    %dot_general3A = arith.constant dense<0.000000e+00> : vector<1000x128xf32>
    %dot_general3A_31 = tpu.matmul %get3A_27, %get3A_30, %dot_general3A {dimension_numbers = #tpu.dot_dimension_numbers<[1], [0], [0], [1], [0, 0, 1, 1], [], []>, transpose_lhs_hint = false} : vector<1000x128xf32>, vector<128x128xf32>, vector<1000x128xf32> -> vector<1000x128xf32>
    %get3A_32 = arith.constant 0 : index
    %get3A_33 = arith.constant 0 : index
    %get3A_34 = vector.load %arg5[%get3A_32, %get3A_33] : memref<128x128xf32, #tpu.memory_space<vmem>>, vector<128x128xf32>
    %dot_general3A_35 = arith.constant dense<0.000000e+00> : vector<1000x128xf32>
    %dot_general3A_36 = tpu.matmul %div3A_24, %get3A_34, %dot_general3A_35 {dimension_numbers = #tpu.dot_dimension_numbers<[1], [0], [0], [1], [0, 0, 1, 1], [], []>, transpose_lhs_hint = false} : vector<1000x128xf32>, vector<128x128xf32>, vector<1000x128xf32> -> vector<1000x128xf32>
    %add3A_37 = arith.addf %dot_general3A_31, %dot_general3A_36 : vector<1000x128xf32>
    %get3A_38 = arith.constant 0 : index
    %get3A_39 = arith.constant 0 : index
    %get3A_40 = vector.load %arg6[%get3A_38, %get3A_39] : memref<1x128xf32, #tpu.memory_space<vmem>>, vector<1x128xf32>
    %add3A_41 = vector.broadcast %get3A_40 : vector<1x128xf32> to vector<1000x128xf32>
    %add3A_42 = arith.addf %add3A_37, %add3A_41 : vector<1000x128xf32>
    %get3A_43 = arith.constant 0 : index
    %get3A_44 = arith.constant 0 : index
    %get3A_45 = vector.load %arg7[%get3A_43, %get3A_44] : memref<128x128xf32, #tpu.memory_space<vmem>>, vector<128x128xf32>
    %dot_general3A_46 = arith.constant dense<0.000000e+00> : vector<1000x128xf32>
    %dot_general3A_47 = tpu.matmul %add3A_42, %get3A_45, %dot_general3A_46 {dimension_numbers = #tpu.dot_dimension_numbers<[1], [0], [0], [1], [0, 0, 1, 1], [], []>, transpose_lhs_hint = false} : vector<1000x128xf32>, vector<128x128xf32>, vector<1000x128xf32> -> vector<1000x128xf32>
    %get3A_48 = arith.constant 0 : index
    %get3A_49 = arith.constant 0 : index
    %get3A_50 = vector.load %arg8[%get3A_48, %get3A_49] : memref<1x128xf32, #tpu.memory_space<vmem>>, vector<1x128xf32>
    %add3A_51 = vector.broadcast %get3A_50 : vector<1x128xf32> to vector<1000x128xf32>
    %add3A_52 = arith.addf %dot_general3A_47, %add3A_51 : vector<1000x128xf32>
    %logistic3A = arith.negf %add3A_52 : vector<1000x128xf32>
    %logistic3A_53 = math.exp %logistic3A : vector<1000x128xf32>
    %logistic3A_54 = arith.constant 1.000000e+00 : f32
    %logistic3A_55 = vector.broadcast %logistic3A_54 : f32 to vector<1000x128xf32>
    %logistic3A_56 = arith.addf %logistic3A_55, %logistic3A_53 : vector<1000x128xf32>
    %logistic3A_57 = arith.divf %logistic3A_55, %logistic3A_56 : vector<1000x128xf32>
    %mul3A = arith.mulf %add3A_42, %logistic3A_57 : vector<1000x128xf32>
    %swap3A = arith.constant 0 : index
    %swap3A_58 = arith.constant 0 : index
    %swap3A_59 = vector.load %arg13[%swap3A, %swap3A_58] : memref<1000x128xf32, #tpu.memory_space<vmem>>, vector<1000x128xf32>
    tpu.vector_store %arg13[%swap3A, %swap3A_58], %mul3A {strides = array<i32>} : memref<1000x128xf32, #tpu.memory_space<vmem>>, vector<1000x128xf32>,
    %get3A_60 = arith.constant 0 : index
    %get3A_61 = arith.constant 0 : index
    %get3A_62 = vector.load %arg9[%get3A_60, %get3A_61] : memref<128x128xf32, #tpu.memory_space<vmem>>, vector<128x128xf32>
    %dot_general3A_63 = arith.constant dense<0.000000e+00> : vector<1000x128xf32>
    %dot_general3A_64 = tpu.matmul %mul3A, %get3A_62, %dot_general3A_63 {dimension_numbers = #tpu.dot_dimension_numbers<[1], [0], [0], [1], [0, 0, 1, 1], [], []>, transpose_lhs_hint = false} : vector<1000x128xf32>, vector<128x128xf32>, vector<1000x128xf32> -> vector<1000x128xf32>
    %get3A_65 = arith.constant 0 : index
    %get3A_66 = arith.constant 0 : index
    %get3A_67 = vector.load %arg10[%get3A_65, %get3A_66] : memref<1x128xf32, #tpu.memory_space<vmem>>, vector<1x128xf32>
    %add3A_68 = vector.broadcast %get3A_67 : vector<1x128xf32> to vector<1000x128xf32>
    %add3A_69 = arith.addf %dot_general3A_64, %add3A_68 : vector<1000x128xf32>
    %mul3A_70 = arith.mulf %add3A_69, %add3A_69 : vector<1000x128xf32>
    %reduce_sum3A = arith.constant dense<0.000000e+00> : vector<1000xf32>
    %reduce_sum3A_71 = vector.multi_reduction <add>, %mul3A_70, %reduce_sum3A [1] : vector<1000x128xf32> to vector<1000xf32>
    %broadcast_in_dim3A = vector.shape_cast %reduce_sum3A_71 : vector<1000xf32> to vector<1000x1xf32>
    %sqrt3A = math.sqrt %broadcast_in_dim3A : vector<1000x1xf32>
    %max3A_72 = arith.constant 9.99999996E-13 : f32
    %max3A_73 = vector.broadcast %max3A_72 : f32 to vector<1000x1xf32>
    %max3A_74 = arith.maximumf %sqrt3A, %max3A_73 : vector<1000x1xf32>
    %div3A_75 = vector.broadcast %max3A_74 : vector<1000x1xf32> to vector<1000x128xf32>
    %div3A_76 = arith.divf %add3A_69, %div3A_75 : vector<1000x128xf32>
    %get3A_77 = arith.constant 0 : index
    %get3A_78 = arith.constant 0 : index
    %get3A_79 = vector.load %arg11[%get3A_77, %get3A_78] : memref<1000x128xf32, #tpu.memory_space<vmem>>, vector<1000x128xf32>
    %mul3A_80 = arith.mulf %get3A_79, %get3A_79 : vector<1000x128xf32>
    %reduce_sum3A_81 = arith.constant dense<0.000000e+00> : vector<1000xf32>
    %reduce_sum3A_82 = vector.multi_reduction <add>, %mul3A_80, %reduce_sum3A_81 [1] : vector<1000x128xf32> to vector<1000xf32>
    %broadcast_in_dim3A_83 = vector.shape_cast %reduce_sum3A_82 : vector<1000xf32> to vector<1000x1xf32>
    %sqrt3A_84 = math.sqrt %broadcast_in_dim3A_83 : vector<1000x1xf32>
    %max3A_85 = arith.constant 9.99999996E-13 : f32
    %max3A_86 = vector.broadcast %max3A_85 : f32 to vector<1000x1xf32>
    %max3A_87 = arith.maximumf %sqrt3A_84, %max3A_86 : vector<1000x1xf32>
    %div3A_88 = vector.broadcast %max3A_87 : vector<1000x1xf32> to vector<1000x128xf32>
    %div3A_89 = arith.divf %get3A_79, %div3A_88 : vector<1000x128xf32>
    %mul3A_90 = arith.mulf %div3A_76, %div3A_89 : vector<1000x128xf32>
    %reduce_sum3A_91 = arith.constant dense<0.000000e+00> : vector<1000xf32>
    %reduce_sum3A_92 = vector.multi_reduction <add>, %mul3A_90, %reduce_sum3A_91 [1] : vector<1000x128xf32> to vector<1000xf32>
    %broadcast_in_dim3A_93 = vector.shape_cast %reduce_sum3A_92 : vector<1000xf32> to vector<1000x1xf32>
    %mul3A_94 = arith.mulf %div3A_76, %div3A_76 : vector<1000x128xf32>
    %reduce_sum3A_95 = arith.constant dense<0.000000e+00> : vector<1000xf32>
    %reduce_sum3A_96 = vector.multi_reduction <add>, %mul3A_94, %reduce_sum3A_95 [1] : vector<1000x128xf32> to vector<1000xf32>
    %broadcast_in_dim3A_97 = vector.shape_cast %reduce_sum3A_96 : vector<1000xf32> to vector<1000x1xf32>
    %sqrt3A_98 = math.sqrt %broadcast_in_dim3A_97 : vector<1000x1xf32>
    %max3A_99 = arith.constant 9.99999997E-7 : f32
    %max3A_100 = vector.broadcast %max3A_99 : f32 to vector<1000x1xf32>
    %max3A_101 = arith.maximumf %sqrt3A_98, %max3A_100 : vector<1000x1xf32>
    %div3A_102 = arith.divf %broadcast_in_dim3A_93, %max3A_101 : vector<1000x1xf32>
    %sub3A = arith.constant 1.000000e+00 : f32
    %sub3A_103 = vector.broadcast %sub3A : f32 to vector<1000x1xf32>
    %sub3A_104 = arith.subf %sub3A_103, %div3A_102 : vector<1000x1xf32>
    %get3A_105 = arith.constant 0 : index
    %get3A_106 = arith.constant 0 : index
    %get3A_107 = vector.load %arg12[%get3A_105, %get3A_106] : memref<1000x128xf32, #tpu.memory_space<vmem>>, vector<1000x128xf32>
    %reduce_max3A = arith.constant dense<0xFF800000> : vector<1000xf32>
    %reduce_max3A_108 = vector.multi_reduction <maximumf>, %get3A_107, %reduce_max3A [1] : vector<1000x128xf32> to vector<1000xf32>
    %broadcast_in_dim3A_109 = vector.shape_cast %reduce_max3A_108 : vector<1000xf32> to vector<1000x1xf32>
    %get3A_110 = arith.constant 0 : index
    %get3A_111 = memref.load %arg15[%get3A_110] : memref<2xf32, #tpu.memory_space<smem>>
    %mul3A_112 = arith.mulf %sub3A_104, %broadcast_in_dim3A_109 : vector<1000x1xf32>
    %reduce_sum3A_113 = vector.shape_cast %mul3A_112 : vector<1000x1xf32> to vector<1x1000x1xf32>
    %reduce_sum3A_114 = arith.constant dense<0.000000e+00> : vector<1xf32>
    %reduce_sum3A_115 = vector.multi_reduction <add>, %reduce_sum3A_113, %reduce_sum3A_114 [1, 2] : vector<1x1000x1xf32> to vector<1xf32>
    %reduce_sum3A_116 = vector.shape_cast %reduce_sum3A_115 : vector<1xf32> to vector<1x1x1xf32>
    %reduce_sum3A_117 = vector.extract %reduce_sum3A_116[0, 0, 0] : f32 from vector<1x1x1xf32>
    %add3A_118 = arith.addf %get3A_111, %reduce_sum3A_117 : f32
    %swap3A_119 = arith.constant 0 : index
    %swap3A_120 = memref.load %arg15[%swap3A_119] : memref<2xf32, #tpu.memory_space<smem>>
    memref.store %add3A_118, %arg15[%swap3A_119] : memref<2xf32, #tpu.memory_space<smem>>
    %get3A_121 = arith.constant 1 : index
    %get3A_122 = memref.load %arg15[%get3A_121] : memref<2xf32, #tpu.memory_space<smem>>
    %reduce_sum3A_123 = vector.shape_cast %broadcast_in_dim3A_109 : vector<1000x1xf32> to vector<1x1000x1xf32>
    %reduce_sum3A_124 = arith.constant dense<0.000000e+00> : vector<1xf32>
    %reduce_sum3A_125 = vector.multi_reduction <add>, %reduce_sum3A_123, %reduce_sum3A_124 [1, 2] : vector<1x1000x1xf32> to vector<1xf32>
    %reduce_sum3A_126 = vector.shape_cast %reduce_sum3A_125 : vector<1xf32> to vector<1x1x1xf32>
    %reduce_sum3A_127 = vector.extract %reduce_sum3A_126[0, 0, 0] : f32 from vector<1x1x1xf32>
    %add3A_128 = arith.addf %get3A_122, %reduce_sum3A_127 : f32
    %swap3A_129 = arith.constant 1 : index
    %swap3A_130 = memref.load %arg15[%swap3A_129] : memref<2xf32, #tpu.memory_space<smem>>
    memref.store %add3A_128, %arg15[%swap3A_129] : memref<2xf32, #tpu.memory_space<smem>>
    %eq3A_131 = arith.constant 9 : i32
    %eq3A_132 = arith.cmpi eq, %arg0, %eq3A_131 : i32
    %convert_element_type3A_133 = arith.extui %eq3A_132 : i1 to i32
    %cond3A_134 = arith.constant 0 : i32
    %cond3A_135 = arith.cmpi ne, %convert_element_type3A_133, %cond3A_134 : i32
    scf.if %cond3A_135 {
      %get3A_136 = arith.constant 0 : index
      %get3A_137 = memref.load %arg15[%get3A_136] : memref<2xf32, #tpu.memory_space<smem>>
      %get3A_138 = arith.constant 1 : index
      %get3A_139 = memref.load %arg15[%get3A_138] : memref<2xf32, #tpu.memory_space<smem>>
      %max3A_140 = arith.constant 1.000000e+00 : f32
      %max3A_141 = arith.maximumf %get3A_139, %max3A_140 : f32
      %div3A_142 = arith.divf %get3A_137, %max3A_141 : f32
      %swap3A_143 = arith.constant 0 : index
      %swap3A_144 = arith.constant 0 : index
      %swap3A_145 = memref.load %arg14[%swap3A_143, %swap3A_144] : memref<1x1xf32, #tpu.memory_space<smem>>
      memref.store %div3A_142, %arg14[%swap3A_143, %swap3A_144] : memref<1x1xf32, #tpu.memory_space<smem>>
    } else {
    }
    return
  }
  func.func @transform_0(%arg0: i32) -> (i32, i32) {
    %c0_i32 = arith.constant 0 : i32
    %c0_i32_0 = arith.constant 0 : i32
    return %arg0, %c0_i32 : i32, i32
  }
  func.func @transform_1(%arg0: i32) -> (i32, i32, i32) {
    %c0_i32 = arith.constant 0 : i32
    %c0_i32_0 = arith.constant 0 : i32
    %c0_i32_1 = arith.constant 0 : i32
    return %c0_i32, %arg0, %c0_i32_0 : i32, i32, i32
  }
  func.func @transform_2(%arg0: i32) -> (i32, i32, i32) {
    %c0_i32 = arith.constant 0 : i32
    %c0_i32_0 = arith.constant 0 : i32
    %c0_i32_1 = arith.constant 0 : i32
    return %c0_i32, %arg0, %c0_i32_0 : i32, i32, i32
  }
  func.func @transform_3(%arg0: i32) -> (i32, i32) {
    %c0_i32 = arith.constant 0 : i32
    %c0_i32_0 = arith.constant 0 : i32
    %c0_i32_1 = arith.constant 0 : i32
    return %c0_i32, %c0_i32_0 : i32, i32
  }
  func.func @transform_4(%arg0: i32) -> (i32, i32) {
    %c0_i32 = arith.constant 0 : i32
    %c0_i32_0 = arith.constant 0 : i32
    %c0_i32_1 = arith.constant 0 : i32
    return %c0_i32, %c0_i32_0 : i32, i32
  }
  func.func @transform_5(%arg0: i32) -> (i32, i32) {
    %c0_i32 = arith.constant 0 : i32
    %c0_i32_0 = arith.constant 0 : i32
    %c0_i32_1 = arith.constant 0 : i32
    return %c0_i32, %c0_i32_0 : i32, i32
  }
  func.func @transform_6(%arg0: i32) -> (i32, i32) {
    %c0_i32 = arith.constant 0 : i32
    %c0_i32_0 = arith.constant 0 : i32
    %c0_i32_1 = arith.constant 0 : i32
    return %c0_i32, %c0_i32_0 : i32, i32
  }
  func.func @transform_7(%arg0: i32) -> (i32, i32) {
    %c0_i32 = arith.constant 0 : i32
    %c0_i32_0 = arith.constant 0 : i32
    %c0_i32_1 = arith.constant 0 : i32
    return %c0_i32, %c0_i32_0 : i32, i32
  }
  func.func @transform_8(%arg0: i32) -> (i32, i32) {
    %c0_i32 = arith.constant 0 : i32
    %c0_i32_0 = arith.constant 0 : i32
    %c0_i32_1 = arith.constant 0 : i32
    return %c0_i32, %c0_i32_0 : i32, i32
  }
  func.func @transform_9(%arg0: i32) -> (i32, i32) {
    %c0_i32 = arith.constant 0 : i32
    %c0_i32_0 = arith.constant 0 : i32
    %c0_i32_1 = arith.constant 0 : i32
    return %c0_i32, %c0_i32_0 : i32, i32
  }
  func.func @transform_10(%arg0: i32) -> (i32, i32) {
    %c0_i32 = arith.constant 0 : i32
    %c0_i32_0 = arith.constant 0 : i32
    return %arg0, %c0_i32 : i32, i32
  }
  func.func @transform_11(%arg0: i32) -> (i32, i32) {
    %c0_i32 = arith.constant 0 : i32
    %c0_i32_0 = arith.constant 0 : i32
    return %arg0, %c0_i32 : i32, i32
  }
  func.func @transform_12(%arg0: i32) -> (i32, i32) {
    %c0_i32 = arith.constant 0 : i32
    %c0_i32_0 = arith.constant 0 : i32
    return %arg0, %c0_i32 : i32, i32
  }
  func.func @transform_13(%arg0: i32) -> (i32, i32) {
    %c0_i32 = arith.constant 0 : i32
    %c0_i32_0 = arith.constant 0 : i32
    %c0_i32_1 = arith.constant 0 : i32
    return %c0_i32, %c0_i32_0 : i32, i32
  }
}

</mosaic_0001>

<sc_bundles>
// kernel: kernel.11.cloned.1.call-start
scs
__scs_entry_jumppad:
0x0: {  	(pc) =	sbr.rel $0x88, $3  }
0x1: {  	(tag) =	ssettag $0x0;
	lr =	simm.s32 $0x1  }
0x2: {  	[smem:$0x3F93] =	sst lr;
	_ =	strace $0xD0000000  }
0x3: {  	_ = 	snop  }
0x4: {  	_ = 	snop  }
0x5: {  	_ = 	snop  }
0x6: {  	_ = 	snop  }
0x7: {  	_ = 	snop  }
__scs_overlays_trampoline_lowered:
0x8: {  	[smem:$0x3FA2] =	sst s0  }
0x9: {  	[smem:$0x3FA3] =	sst s1  }
0xa: {  	[smem:$0x3FA4] =	sst s2  }
0xb: {  	[smem:$0x3FA5] =	sst s3  }
0xc: {  	[smem:$0x3FA6] =	sst s4  }
0xd: {  	[smem:$0x3FA7] =	sst s5  }
0xe: {  	[smem:$0x3FA8] =	sst s6  }
0xf: {  	[smem:$0x3FA9] =	sst s7  }
0x10: {  	[smem:$0x3FAA] =	sst s8  }
0x11: {  	[smem:$0x3FAB] =	sst s9;
	s0 =	simm.s32 @!p0 $0x0  }
0x12: {  	s1 =	sld [smem:$0x3F91];
	s0 =	simm.s32 @p0 $0x1  }
0x13: {  	[smem:$0x3FAC] =	sst s0;
	s0 =	simm.s32 @!p1 $0x0  }
0x14: {  	s2 =	sld [smem:$0x3F90];
	s0 =	simm.s32 @p1 $0x1  }
0x15: {  	[smem:$0x3FAD] =	sst s0;
	s0 =	simm.s32 @!p2 $0x0  }
0x16: {  	s3 =	sld [smem:$0x3FDB];
	s0 =	simm.s32 @p2 $0x1  }
0x17: {  	s4 =	simm.s32 $0x1BF5;
	[smem:$0x3FAF] =	sst s0  }
0x18: {  	s0 =	sld [smem:$0x3F92];
	_ =	swait.ge [sflag:s4], $0x0  }
0x19: {  	s7 =	sld [smem:$0x3F93]  }
0x1a: {  	s8 =	sadd.s32 $0xFFFFE003, lr  }
0x1b: {  	s9 =	sadd.s32 $0xFFFFFEF7, lr;
	s5 =	simm.s32 $0xFFFFFFFF;
	p2 =	slt.u32 s8, $0xFFFFF086  }
0x1c: {  	p1 =	slt.u32 s9, $0xF7A;
	s5 =	simm.s32 @!p2 $0x0  }
0x1d: {  	s5 =	simm.s32 @p1 $0x1;
	p0 =	seq.s32 s7, s2  }
0x1e: {  	s7 =	smul.u32 @!p0 $0xF7A, s2;
	p2 =	seq.s32 @!p0 s5, $0x0  }
0x1f: {  	s9 =	smul.u32 $0xF7A, s1;
	s8 =	simm.s32 @!p0 $0x1BF5;
	p2 =	por !p2, p0  }
0x20: {  	[sflag:s8] =	ssyncset.s32 @!p0 $0xFFFFF086;
	s6 =	sadd.s32 @!p0 s3, s7;
	s7 =	simm.s32 @!p0 $0x108  }
0x21: {  	s3 =	sadd.s32 s3, s9;
	s6 =	sadd.s32 @!p0 $0x88, s6;
	s7 =	simm.s32 @p2 $0x1082  }
0x22: {  	[simem:s7], [sflag:s8] =	dma.local @!p0 [hbm:s6], $0xF7A  }
0x23: {  	s9 =	sor.u32 $0xD0000000, s2;
	s6 =	simm.s32 $0x108;
	_ =	swait.ge @!p0 [sflag:s8], $0x0  }
0x24: {  	s3 =	sadd.s32 $0x88, s3;
	s6 =	simm.s32 @!p1 $0x1082;
	[sflag:s4] =	ssyncset.s32 $0xFFFFF086  }
0x25: {  	[simem:s6], [sflag:s4] =	dma.local [hbm:s3], $0xF7A  }
0x26: {  	[smem:$0x3F93] =	sst s1;
	(tag) =	ssettag s2;
	_ =	strace s9  }
0x27: {  	s1 =	sld [smem:$0x3FA3]  }
0x28: {  	s2 =	sld [smem:$0x3FA4]  }
0x29: {  	s4 =	sld [smem:$0x3FA6]  }
0x2a: {  	p0 =	seq.s32 s5, $0x0;
	s5 =	sld [smem:$0x3FA7]  }
0x2b: {  	s6 =	sld [smem:$0x3FA8]  }
0x2c: {  	s7 =	sld [smem:$0x3FA9]  }
0x2d: {  	s3 =	simm.s32 $0x108;
	s8 =	sld [smem:$0x3FAA]  }
0x2e: {  	s3 =	simm.s32 @!p0 $0x1082;
	s9 =	sld [smem:$0x3FAB]  }
0x2f: {  	lr =	sadd.s32 s0, s3;
	s0 =	sld [smem:$0x3FA2]  }
0x30: {  	s3 =	sld [smem:$0x3FA5]  }
0x31: {  	[smem:$0x3FAE] =	sst s10  }
0x32: {  	s10 =	sld [smem:$0x3FAC];
	_ =	sdelay $0x3  }
0x33: {  	p0 =	seq.s32 s10, $0x1;
	s10 =	sld [smem:$0x3FAE];
	_ =	sdelay $0x3  }
0x34: {  	[smem:$0x3FAE] =	sst s10  }
0x35: {  	s10 =	sld [smem:$0x3FAD];
	_ =	sdelay $0x3  }
0x36: {  	p1 =	seq.s32 s10, $0x1;
	s10 =	sld [smem:$0x3FAE];
	_ =	sdelay $0x3  }
0x37: {  	[smem:$0x3FAE] =	sst s10  }
0x38: {  	s10 =	sld [smem:$0x3FAF]  }
0x39: {  	_ = 	snop;
	(pc) =	sbr.ind lr, $3  }
0x3a: {  	_ = 	snop  }
0x3b: {  	_ = 	snop  }
0x3c: {  	p2 =	seq.s32 s10, $0x1;
	s10 =	sld [smem:$0x3FAE]  }
0x3d: {  	_ =	shalt  }
0x3e: {  	_ =	shalt  }
0x3f: {  	_ =	shalt  }
0x40: {  	_ =	shalt  }
0x41: {  	_ =	shalt  }
0x42: {  	_ =	shalt  }
0x43: {  	_ =	shalt  }
0x44: {  	_ =	shalt  }
0x45: {  	_ =	shalt  }
0x46: {  	_ =	shalt  }
0x47: {  	_ =	shalt  }
0x48: {  	_ =	shalt  }
0x49: {  	_ =	shalt  }
0x4a: {  	_ =	shalt  }
0x4b: {  	_ =	shalt  }
0x4c: {  	_ =	shalt  }
0x4d: {  	_ =	shalt  }
0x4e: {  	_ =	shalt  }
0x4f: {  	_ =	shalt  }
0x50: {  	_ =	shalt  }
0x51: {  	_ =	shalt  }
0x52: {  	_ =	shalt  }
0x53: {  	_ =	shalt  }
0x54: {  	_ =	shalt  }
0x55: {  	_ =	shalt  }
0x56: {  	_ =	shalt  }
0x57: {  	_ =	shalt  }
0x58: {  	_ =	shalt  }
0x59: {  	_ =	shalt  }
0x5a: {  	_ =	shalt  }
0x5b: {  	_ =	shalt  }
0x5c: {  	_ =	shalt  }
0x5d: {  	_ =	shalt  }
0x5e: {  	_ =	shalt  }
0x5f: {  	_ =	shalt  }
0x60: {  	_ =	shalt  }
0x61: {  	_ =	shalt  }
0x62: {  	_ =	shalt  }
0x63: {  	_ =	shalt  }
0x64: {  	_ =	shalt  }
0x65: {  	_ =	shalt  }
0x66: {  	_ =	shalt  }
0x67: {  	_ =	shalt  }
0x68: {  	_ =	shalt  }
0x69: {  	_ =	shalt  }
0x6a: {  	_ =	shalt  }
0x6b: {  	_ =	shalt  }
0x6c: {  	_ =	shalt  }
0x6d: {  	_ =	shalt  }
0x6e: {  	_ =	shalt  }
0x6f: {  	_ =	shalt  }
0x70: {  	_ =	shalt  }
0x71: {  	_ =	shalt  }
0x72: {  	_ =	shalt  }
0x73: {  	_ =	shalt  }
0x74: {  	_ =	shalt  }
0x75: {  	_ =	shalt  }
0x76: {  	_ =	shalt  }
0x77: {  	_ =	shalt  }
0x78: {  	_ =	shalt  }
0x79: {  	_ =	shalt  }
0x7a: {  	_ =	shalt  }
0x7b: {  	_ =	shalt  }
0x7c: {  	_ =	shalt  }
0x7d: {  	_ =	shalt  }
0x7e: {  	_ =	shalt  }
0x7f: {  	_ =	shalt  }
0x80: {  	_ =	shalt  }
0x81: {  	_ =	shalt  }
0x82: {  	_ =	shalt  }
0x83: {  	_ =	shalt  }
0x84: {  	_ =	shalt  }
0x85: {  	_ =	shalt  }
0x86: {  	_ =	shalt  }
0x87: {  	_ =	shalt  }
.Lfunc_end0:
.L_simem_size_0:
called_computation.1_lowered:
.L_overlay_start_0:
0x88: {  	s2 =	sld [smem:$0x3FD9]  }
0x89: {  	s3 =	sld [smem:$0x3FFE];
	_ =	sdelay $0x1  }
0x8a: {  	s1 =	srdreg.scid  }
0x8b: {  	s0 =	sand.u32 $0x1, s1  }
0x8c: {  	s14 =	sshll.u32 s0, $0xA;
	s2 =	sadd.s32 s3, s2  }
0x8d: {  	s2 =	sadd.s32 s2, s14  }
0x8e: {  	[smem:$0x3FBA] =	sst s2  }
0x8f: {  	_ = 	snop  }
0x90: {  	s2 =	sld [smem:$0x3FD0];
	_ =	sdelay $0x2  }
0x91: {  	s15 =	simm.s32 $0xB;
	s4 =	simm.s32 $0x10  }
0x92: {  	[smem:s4], [sflag:s15] =	dma.local [hbm:s2], $0x1  }
0x93: {  	_ =	swait.eq [sflag:s15], $0x1  }
0x94: {  	[sflag:s15] =	ssyncset.done $0x0  }
0x95: {  	[sflag:s15] =	ssyncadd.s32 $0xFFFFFFFF  }
0x96: {  	s16 =	sld [smem:$0x10];
	(tm) =	ssettm $0x1  }
0x97: {  	s17 =	sld [smem:$0x3FFB];
	_ =	sdelay $0x3  }
0x98: {  	_ =	strace s17  }
0x99: {  	s3 =	sld [smem:$0x3FFC];
	_ =	sdelay $0x3  }
0x9a: {  	_ =	strace s3  }
0x9b: {  	s3 =	sld [smem:$0x3FFD];
	_ =	sdelay $0x3  }
0x9c: {  	_ =	strace s3  }
0x9d: {  	_ =	strace $0x8FFFFFFF  }
0x9e: {  	s18 =	sld [smem:$0x3FDB];
	_ =	sdelay $0x1  }
0x9f: {  	s19 =	simm.s32 $_scs_section_size  }
0xa0: {  	s5 =	simm.s32 $_size__tile_overlayer_lowered;
	s6 =	simm.s32 $_tile_overlayer_lowered  }
0xa1: {  	s22 =	simm.s32 $0x1BFF;
	s21 =	sshll.u32 s6, $0x1;
	s3 =	sadd.s32 s19, s18  }
0xa2: {  	s7 =	simm.s32 $0x0;
	s20 =	sshll.u32 s5, $0x1;
	s5 =	sadd.s32 s21, s3  }
0xa3: {  	[timem:s7], [sflag:s22] =	dma.local [hbm:s5], s20  }
0xa4: {  	_ =	swait.ge [sflag:s22], s20  }
0xa5: {  	s4 =	ssub.s32 $0x0, s20;
	[sflag:s22] =	ssyncset.done $0x0  }
0xa6: {  	[sflag:s22] =	ssyncadd.s32 s4;
	_ =	sdelay $0x1  }
0xa7: {  	s23 =	simm.s32 $0x1B8B  }
0xa8: {  	_ =	swait.ge [sflag:s23], $0x1  }
0xa9: {  	[sflag:s23] =	ssyncset.done $0x0  }
0xaa: {  	s25 =	simm.s32 $0x1B8E;
	s24 =	sld [smem:$0x3FFE];
	[sflag:s23] =	ssyncadd.s32 $0xFFFFFFFF  }
0xab: {  	s26 =	simm.s32 $execute0_lowered;
	[smem:$0x3FD2] =	sst s25  }
0xac: {  	s5 =	sshll.u32 s26, $0x1;
	_ =	strace $0x80000046;
	[dreg:$0x1] =	wrdreg $0xFFFFFFFF  }
0xad: {  	s28 =	simm.s32 $_size_execute0_lowered;
	s3 =	sadd.s32 s3, s5;
	[dreg:$0x0] =	wrdreg $0x0  }
0xae: {  	s5 =	sshll.u32 s28, $0x1;
	[dreg:$0x2] =	wrdreg s3  }
0xaf: {  	[dreg:$0x3] =	wrdreg s5  }
0xb0: {  	[dreg:$0x4] =	wrdreg $0xC0  }
0xb1: {  	_ =	task [dreg:s7], $0x5FFFF  }
0xb2: {  	[dreg:$0x1] =	wrdreg $0xFFFFFFFF  }
0xb3: {  	[dreg:$0x0] =	wrdreg $0x60  }
0xb4: {  	[dreg:$0x2] =	wrdreg s16  }
0xb5: {  	[dreg:$0x3] =	wrdreg s24  }
0xb6: {  	[dreg:$0x4] =	wrdreg $0xBC000  }
0xb7: {  	[dreg:$0x5] =	wrdreg $0xA  }
0xb8: {  	_ =	task.clear_ibuf [dreg:s7], $0x6FFFF;
	_ =	strace $0x90000046  }
0xb9: {  	s29 =	simm.s32 $0xA;
	_ =	strace $0x80000048  }
0xba: {  	_ =	swait.ge [sflag:s29], $0x1  }
0xbb: {  	[sflag:s29] =	ssyncadd.s32 $0xFFFFFFFF  }
0xbc: {  	_ =	strace $0x90000048  }
0xbd: {  	_ =	sfence  }
0xbe: {  	s30 =	sld [smem:$0x0];
	_ =	sdelay $0x2  }
0xbf: {  	s31 =	sshll.u32 s1, $0xD;
	s1 =	sshrl.u32 s1, $0x2  }
0xc0: {  	s3 =	sand.u32 $0x4000, s31;
	s1 =	sadd.s32 s1, s30  }
0xc1: {  	s0 =	sor.u32 s3, s0;
	s1 =	sshll.u32 s1, $0x11  }
0xc2: {  	s0 =	sor.u32 s1, s0  }
0xc3: {  	s0 =	sadd.s32 $0x8F2B, s0  }
0xc4: {  	[sflag:s0] =	ssyncadd.remote.s32 $0x1  }
0xc5: {  	_ =	sfence.sel $0xFFFF  }
0xc6: {  	[dreg:$0x0] =	wrdreg $0xFFFFFFFF;
	(pc) =	sbr.abs _section_cstart, $3  }
0xc7: {  	[dreg:$0x1] =	wrdreg $0xFFFFFFFF  }
0xc8: {  	_ =	task.clear_ibuf [dreg:s7], $0x2FFFF;
	_ =	strace $0x9FFFFFFF  }
0xc9: {  	(tm) =	ssettm $0x7FFFFFFF  }
tec
execute0_lowered:
.L_overlay_start_1:
0x0: {  	(tag) =	ssettag $0x1  }
0x1: {  	s1 =	rddreg [dreg:$0x0]  }
0x2: {  	s0 =	rddreg [dreg:$0x1]  }
0x3: {  	s2 =	rddreg [dreg:$0x2]  }
0x4: {  	s3 =	simm.s32 $0x0;
	s4 =	srdreg.scid;
	s9 =	stileid.u32  }
0x5: {  	s28 =	simm.s32 $0x4;
	s29 =	simm.s32 $0x50;
	s7 =	smul.u32 $0x50000, s9  }
0x6: {  	s31 =	simm.s32 $0x5;
	[smem:$0x7FF] =	sst s3;
	s21 =	smul.u32 $0x2800, s9  }
0x7: {  	s4 =	sand.u32 $0x1, s4;
	s17 =	sadd.s32 $0xD200, s0;
	s25 =	smul.u32 $0x2710, s9  }
0x8: {  	s18 =	sadd.s32 $0x3400, s0;
	_ =	strace $0x80000047;
	s5 =	smul.u32 $0x28000, s4  }
0x9: {  	s6 =	sshll.u32 s4, $0x4;
	s15 =	ssub.s32 $0x2, s4;
	s20 =	smul.u32 $0x27100, s4  }
0xa: {  	s4 =	simm.s32 $0x9;
	s6 =	sor.u32 s9, s6;
	s8 =	sshrl.u32 s15, $0x1  }
0xb: {  	s7 =	sshrl.u32 s7, $0x2;
	s0 =	sadd.s32 s5, s0;
	s11 =	smul.u32 $0x2710, s6  }
0xc: {  	s16 =	ssub.s32 s15, s8;
	s5 =	sadd.s32 s7, s2;
	s23 =	sadd.s32 $0x17000, s0  }
0xd: {  	s19 =	smax.u32 s16, $0x1;
	s22 =	sadd.s32 $0x4000, s5;
	s24 =	sadd.s32 $0x8000, s5  }
0xe: {  	s9 =	sadd.s32 $0xC000, s5;
	s10 =	sadd.s32 $0x10000, s5;
	[dreg:$0x4] =	wrdreg s19  }
0xf: {  	s0 =	sadd.s32 s25, s20;
	s20 =	simm.s32 $0xA;
	[dreg:$0x5] =	wrdreg s22  }
0x10: {  	s25 =	simm.s32 $0x0;
	[dreg:$0x6] =	wrdreg s24;
	s15 =	sshrl.u32 s11, $0x3  }
0x11: {  	s0 =	sadd.s32 $0xF0, s0;
	s22 =	simm.s32 $0x80;
	s24 =	sadd.s32 s21, s23  }
.Ltmp0:
0x12: {  	s21 =	simm.s32 $0x7;
	s23 =	simm.s32 $0x8;
	(pc) =	sbr.rel .LBB2_1-.Ltmp0, $4  }
0x13: {  	s11 =	sadd.s32 s17, s15;
	s14 =	sadd.s32 $0xA, s15;
	s12 =	sadd.s32 s18, s15  }
0x14: {  	s26 =	sadd.s32 $0x14, s15;
	s19 =	sshrl.u32 s0, $0x3;
	s13 =	sadd.s32 s17, s14  }
0x15: {  	s14 =	sadd.s32 s18, s14;
	s15 =	sadd.s32 s17, s26;
	s16 =	sadd.s32 s18, s26  }
0x16: {  	v0 =	vimm.f32 $0.0e+00;
	s0 =	sadd.s32 s19, s18;
	s30 =	sadd.s32 s19, s17;
	s19 =	simm.s32 $0x7C00  }
.LBB2_9:
0x17: {  	_ =	swait.ge [sflag:s4], $0x2800  }
0x18: {  	[sflag:s4] =	ssyncset.done $0x0  }
0x19: {  	[sflag:s4] =	ssyncadd.s32 $0xFFFFD800  }
0x1a: {  	_ =	swait.ge [sflag:s21], $0x2800  }
0x1b: {  	[sflag:s21] =	ssyncset.done $0x0  }
0x1c: {  	[sflag:s21] =	ssyncadd.s32 $0xFFFFD800  }
0x1d: {  	_ =	swait.ge [sflag:s23], $0x2800  }
0x1e: {  	s6 =	stileid.u32;
	[sflag:s23] =	ssyncset.done $0x0  }
0x1f: {  	s6 =	sshll.u32 s6, $0x6;
	[sflag:s23] =	ssyncadd.s32 $0xFFFFD800  }
0x20: {  	s7 =	sshrl.u32 s5, $0x3;
	s6 =	sor.u32 $0x1C0A, s6;
	[bflag:$0x0] =	sbarrier.arrive $0xFFFF  }
0x21: {  	[hbm:s24], [sflag:s6] =	dma.local [spmem:s7], $0x2800  }
0x22: {  	_ =	swait.ge [sflag:s20], $0x2800  }
0x23: {  	s25 =	sadd.s32 $0x1, s25;
	s26 =	rddreg [dreg:$0x4]  }
0x24: {  	p0 =	sne.s32 s25, s26  }
.Ltmp1:
0x25: {  	_ = 	snop;
	(pc) =	sbr.rel @!p0 .LBB2_10-.Ltmp1, $3  }
0x26: {  	_ =	sdelay $0x1  }
0x27: {  	[sflag:s20] =	ssyncset.done $0x0  }
0x28: {  	[sflag:s20] =	ssyncadd.s32 $0xFFFFD800  }
.LBB2_1:
0x29: {  	s17 =	simm.s32 $0x0;
	s18 =	simm.s32 $0x200  }
.LBB2_2:
0x2a: {  	p0 =	sne.s32 s18, $0xFE00;
	[tilespmem:s17+$0x7C70] =	vst v0  }
0x2b: {  	[tilespmem:s17+$0x7C00] =	vst v0  }
0x2c: {  	[tilespmem:s17+$0x7C10] =	vst v0  }
.Ltmp2:
0x2d: {  	[tilespmem:s17+$0x7C20] =	vst v0;
	(pc) =	sbr.rel @p0 .LBB2_2-.Ltmp2, $4  }
0x2e: {  	[tilespmem:s17+$0x7C30] =	vst v0  }
0x2f: {  	[tilespmem:s17+$0x7C40] =	vst v0  }
0x30: {  	[tilespmem:s17+$0x7C50] =	vst v0  }
0x31: {  	[tilespmem:s17+$0x7C60] =	vst v0;
	s17 =	sshra.s32 s18, $0x2;
	s18 =	sadd.s32 $0x200, s18  }
0x32: {  	[tilespmem:s17+$0x7C70] =	vst v0  }
0x33: {  	[tilespmem:s17+$0x7C00] =	vst v0  }
0x34: {  	[tilespmem:s17+$0x7C10] =	vst v0  }
0x35: {  	[tilespmem:s17+$0x7C20] =	vst v0  }
0x36: {  	[tilespmem:s17+$0x7C30] =	vst v0  }
0x37: {  	[tilespmem:s17+$0x7C40] =	vst v0  }
0x38: {  	[tilespmem:s17+$0x7C50] =	vst v0  }
0x39: {  	[tilespmem:s17+$0x7C60] =	vst v0  }
0x3a: {  	[spmem:s5] =	stream.linear.scatter [tilespmem:s19], [sflag:$0xA], $0x4000, $0x38;
	[tilespmem:$0x1FC00] =	vst v63  }
0x3b: {  	_ =	swait.ge [sflag:s20], $0x4000  }
0x3c: {  	[sflag:s20] =	ssyncset.done $0x0  }
0x3d: {  	s6 =	rddreg [dreg:$0x5];
	[sflag:s20] =	ssyncadd.s32 $0xFFFFC000  }
0x3e: {  	[spmem:s6] =	stream.linear.scatter [tilespmem:s19], [sflag:$0xA], $0x4000, $0x38;
	[tilespmem:$0x1FC00] =	vst v63  }
0x3f: {  	_ =	swait.ge [sflag:s20], $0x4000  }
0x40: {  	[sflag:s20] =	ssyncset.done $0x0  }
0x41: {  	s8 =	rddreg [dreg:$0x6];
	[sflag:s20] =	ssyncadd.s32 $0xFFFFC000  }
0x42: {  	[spmem:s8] =	stream.linear.scatter [tilespmem:s19], [sflag:$0xA], $0x4000, $0x38;
	[tilespmem:$0x1FC00] =	vst v63  }
0x43: {  	_ =	swait.ge [sflag:s20], $0x4000  }
0x44: {  	[sflag:s20] =	ssyncset.done $0x0  }
0x45: {  	[sflag:s20] =	ssyncadd.s32 $0xFFFFC000  }
0x46: {  	[spmem:s9] =	stream.linear.scatter [tilespmem:s19], [sflag:$0xA], $0x4000, $0x38;
	[tilespmem:$0x1FC00] =	vst v63  }
0x47: {  	_ =	swait.ge [sflag:s20], $0x4000  }
0x48: {  	[sflag:s20] =	ssyncset.done $0x0  }
0x49: {  	[sflag:s20] =	ssyncadd.s32 $0xFFFFC000  }
0x4a: {  	[spmem:s10] =	stream.linear.scatter [tilespmem:s19], [sflag:$0xA], $0x4000, $0x38;
	[tilespmem:$0x1FC00] =	vst v63  }
0x4b: {  	_ =	swait.ge [sflag:s20], $0x4000  }
0x4c: {  	[sflag:s20] =	ssyncset.done $0x0  }
0x4d: {  	[sflag:s20] =	ssyncadd.s32 $0xFFFFC000  }
0x4e: {  	s26 =	simm.s32 $0x0;
	[bflag:$0x0] =	sbarrier.arrive $0xFFFF  }
0x4f: {  	[tilespmem:s26], [sflag:$0x4] =	stream.linear.gather [hbm4b:s11+s26], $0x50, $0x38;
	[tilespmem:$0x1FC00] =	vst v63  }
0x50: {  	s17 =	simm.s32 $0x200  }
0x51: {  	[tilespmem:s17], [sflag:$0x4] =	stream.linear.gather [hbm4b:s12+s26], $0x50, $0x38;
	[tilespmem:$0x1FC00] =	vst v63  }
0x52: {  	_ = 	snop  }
0x53: {  	[tilespmem:s22], [sflag:$0x5] =	stream.linear.gather [hbm4b:s13+s26], $0x50, $0x38;
	[tilespmem:$0x1FC00] =	vst v63  }
0x54: {  	s18 =	simm.s32 $0x280  }
0x55: {  	[tilespmem:s18], [sflag:$0x5] =	stream.linear.gather [hbm4b:s14+s26], $0x50, $0x38;
	[tilespmem:$0x1FC00] =	vst v63  }
0x56: {  	s7 =	simm.s32 $0x100  }
0x57: {  	[tilespmem:s7], [sflag:$0x6] =	stream.linear.gather [hbm4b:s15+s26], $0x50, $0x38;
	[tilespmem:$0x1FC00] =	vst v63  }
0x58: {  	s8 =	simm.s32 $0x300  }
0x59: {  	[tilespmem:s8], [sflag:$0x6] =	stream.linear.gather [hbm4b:s16+s26], $0x50, $0x38;
	[tilespmem:$0x1FC00] =	vst v63  }
0x5a: {  	_ =	swait.ge [sflag:s28], $0x50  }
0x5b: {  	[sflag:s28] =	ssyncset.done $0x0  }
0x5c: {  	[sflag:s28] =	ssyncadd.s32 $0xFFFFFFB0  }
0x5d: {  	_ =	swait.ge [sflag:s28], $0x50  }
0x5e: {  	[sflag:s28] =	ssyncset.done $0x0  }
0x5f: {  	s17 =	simm.s32 $0x400;
	[sflag:s28] =	ssyncadd.s32 $0xFFFFFFB0  }
0x60: {  	[tilespmem:s17], [sflag:$0x1] =	stream.indirect.gather [hbm4b:s1+s29], $0x80, s26, s29, $0xb8;
	[tilespmem:$0x1FC00] =	vst v63  }
0x61: {  	_ =	swait.ge [sflag:s31], $0x50  }
0x62: {  	[sflag:s31] =	ssyncset.done $0x0  }
0x63: {  	[sflag:s31] =	ssyncadd.s32 $0xFFFFFFB0  }
.Ltmp3:
0x64: {  	_ =	swait.ge [sflag:s31], $0x50;
	(pc) =	sbr.rel .LBB2_4-.Ltmp3, $4  }
0x65: {  	[sflag:s31] =	ssyncset.done $0x0  }
0x66: {  	s18 =	simm.s32 $0x2C00;
	[sflag:s31] =	ssyncadd.s32 $0xFFFFFFB0  }
0x67: {  	[tilespmem:s18], [sflag:$0x2] =	stream.indirect.gather [hbm4b:s1+s29], $0x80, s22, s29, $0xb8;
	[tilespmem:$0x1FC00] =	vst v63  }
0x68: {  	s17 =	smov.u32 s0;
	s18 =	smov.u32 s30  }
.LBB2_5:
0x69: {  	s6 =	sadd.s32 $0x3, s26  }
0x6a: {  	s7 =	smul.u32 $0xAB, s6;
	_ =	sdelay $0x1  }
0x6b: {  	s7 =	sshrl.u32 s7, $0x9  }
0x6c: {  	s7 =	sand.u32 $0x7F, s7  }
0x6d: {  	s7 =	smul.u32 $0x3, s7;
	_ =	sdelay $0x1  }
0x6e: {  	s6 =	ssub.s32 s6, s7  }
0x6f: {  	s6 =	sand.u32 $0xFF, s6  }
0x70: {  	s8 =	sor.u32 $0x4, s6;
	s6 =	sshll.u32 s6, $0x7  }
0x71: {  	[tilespmem:s6], [sflag:s8] =	stream.linear.gather [hbm4b:s18+s3], $0x50, $0x38;
	[tilespmem:$0x1FC00] =	vst v63  }
0x72: {  	s6 =	sor.u32 $0x200, s6  }
0x73: {  	[tilespmem:s6], [sflag:s8] =	stream.linear.gather [hbm4b:s17+s3], $0x50, $0x38;
	[tilespmem:$0x1FC00] =	vst v63  }
.LBB2_7:
0x74: {  	s6 =	sadd.s32 $0x2, s26  }
0x75: {  	s7 =	sand.u32 $0xFF, s6  }
0x76: {  	s7 =	smul.u32 $0xAB, s7;
	_ =	sdelay $0x1  }
0x77: {  	s7 =	sshrl.u32 s7, $0x9  }
0x78: {  	s7 =	smul.u32 $0x3, s7;
	_ =	sdelay $0x1  }
0x79: {  	s6 =	ssub.s32 s6, s7  }
0x7a: {  	s6 =	sand.u32 $0xFF, s6  }
0x7b: {  	s8 =	sor.u32 $0x4, s6  }
0x7c: {  	_ =	swait.ge [sflag:s8], $0x50  }
0x7d: {  	[sflag:s8] =	ssyncset.done $0x0  }
0x7e: {  	[sflag:s8] =	ssyncadd.s32 $0xFFFFFFB0  }
0x7f: {  	_ =	swait.ge [sflag:s8], $0x50  }
0x80: {  	p0 =	seq.s32 s26, $0x0;
	[sflag:s8] =	ssyncset.done $0x0  }
0x81: {  	s7 =	sadd.s32 @!p0 $0x7, s6;
	[sflag:s8] =	ssyncadd.s32 $0xFFFFFFB0  }
0x82: {  	s8 =	smul.u32 $0xA000, s6;
	_ =	swait.ge @!p0 [sflag:s7], $0x2800  }
0x83: {  	[sflag:s7] =	ssyncset.done @!p0 $0x0  }
0x84: {  	[sflag:s7] =	ssyncadd.s32 @!p0 $0xFFFFD800;
	s7 =	sshrl.u32 s8, $0x2  }
0x85: {  	s8 =	sshll.u32 s6, $0x7;
	s6 =	sadd.s32 $0x1, s6;
	s7 =	sor.u32 $0x400, s7  }
0x86: {  	[tilespmem:s7], [sflag:s6] =	stream.indirect.gather [hbm4b:s1+s29], $0x80, s8, s29, $0xb8;
	[tilespmem:$0x1FC00] =	vst v63  }
.LBB2_8:
0x87: {  	s26 =	sadd.s32 $0x1, s26  }
0x88: {  	p0 =	sne.s32 s26, $0x7D  }
.Ltmp4:
0x89: {  	_ = 	snop;
	(pc) =	sbr.rel @!p0 .LBB2_9-.Ltmp4, $2  }
0x8a: {  	_ =	sdelay $0x2  }
0x8b: {  	s17 =	sadd.s32 $0xA, s17;
	s18 =	sadd.s32 $0xA, s18  }
.LBB2_4:
0x8c: {  	s6 =	smul.u32 $0xAB, s26;
	_ =	sdelay $0x1  }
0x8d: {  	s6 =	sshrl.u32 s6, $0x9  }
0x8e: {  	s6 =	sand.u32 $0x7F, s6  }
0x8f: {  	s6 =	smul.u32 $0x3, s6;
	_ =	sdelay $0x1  }
0x90: {  	s6 =	ssub.s32 s26, s6  }
0x91: {  	s6 =	sand.u32 $0xFF, s6  }
0x92: {  	p0 =	sgt.u32 s26, $0x79;
	s7 =	sadd.s32 $0x1, s6;
	s8 =	smul.u32 $0xA000, s6  }
.Ltmp5:
0x93: {  	_ =	swait.ge [sflag:s7], $0x2800;
	(pc) =	sbr.rel @!p0 .LBB2_5-.Ltmp5, $4  }
0x94: {  	[sflag:s7] =	ssyncset.done $0x0  }
0x95: {  	s8 =	sshrl.u32 s8, $0x2;
	[sflag:s7] =	ssyncadd.s32 $0xFFFFD800;
	s7 =	sshll.u32 s6, $0x7  }
0x96: {  	s8 =	sor.u32 $0x400, s8;
	s6 =	sadd.s32 $0x7, s6;
	s7 =	sor.u32 $0x200, s7  }
0x97: {  	[spmem:s2] =	stream.indirect.scatter.add.f32 [tilespmem:s8], [sflag:s6], $0x80, s7, s29, $0xb8;
	[tilespmem:$0x1FC00] =	vst v63  }
0x98: {  	p0 =	sne.s32 s26, $0x7A  }
.Ltmp6:
0x99: {  	_ = 	snop;
	(pc) =	sbr.rel @p0 .LBB2_8-.Ltmp6, $4  }
.Ltmp7:
0x9a: {  	_ = 	snop;
	(pc) =	sbr.rel @!p0 .LBB2_7-.Ltmp7, $4  }
0x9b: {  	_ = 	snop  }
0x9c: {  	_ = 	snop  }
0x9d: {  	_ = 	snop  }
0x9e: {  	_ = 	snop  }
.LBB2_10:
0x9f: {  	_ =	sfence.sel $0x180000  }
0xa0: {  	[bflag:$0x0] =	sbarrier.arrive $0xFFFF  }
0xa1: {  	_ =	strace $0x90000047  }
0xa2: {  	s0 =	stileid.u32;
	[bflag:$0x2] =	sbarrier.arrive $0xFFFF  }
0xa3: {  	p0 =	sne.s32 s0, $0x0;
	s0 =	rddreg [dreg:$0x3]  }
0xa4: {  	s0 =	sadd.s32 @!p0 $0x100000, s0  }
0xa5: {  	[sflag:s0] =	ssyncadd.tile.s32 @!p0 $0x1;
	_ =	shalt  }
.Lfunc_end2:
_tile_overlayer_lowered:
.L_overlay_start_2:
0xa6: {  	(tag) =	ssettag $0x2  }
0xa7: {  	s0 =	rddreg [dreg:$0x0];
	s2 =	stileid.u32  }
0xa8: {  	s1 =	rddreg [dreg:$0x1];
	p0 =	sne.s32 s2, $0x0  }
0xa9: {  	s3 =	rddreg [dreg:$0x2];
	[bflag:$0x3] =	sbarrier.arrive $0xFFFF;
	s2 =	simm.s32 @!p0 $0x1C0A  }
0xaa: {  	[timem:s3], [sflag:s2] =	dma.local @!p0 [hbm:s0], s1  }
0xab: {  	s0 =	simm.s32 @!p0 $0xA  }
0xac: {  	_ =	swait.ge @!p0 [sflag:s0], s1  }
0xad: {  	s1 =	ssub.s32 @!p0 $0x0, s1;
	[sflag:s0] =	ssyncset.done @!p0 $0x0  }
0xae: {  	[sflag:s0] =	ssyncadd.s32 @!p0 s1  }
0xaf: {  	[bflag:$0x3] =	sbarrier.arrive $0xFFFF  }
0xb0: {  	_ =	shalt  }

// kernel: kernel.14.cloned.1.call-start
scs
__scs_entry_jumppad:
0x0: {  	(pc) =	sbr.rel $0x88, $3  }
0x1: {  	(tag) =	ssettag $0x0;
	lr =	simm.s32 $0x1  }
0x2: {  	[smem:$0x3F93] =	sst lr;
	_ =	strace $0xD0000000  }
0x3: {  	_ = 	snop  }
0x4: {  	_ = 	snop  }
0x5: {  	_ = 	snop  }
0x6: {  	_ = 	snop  }
0x7: {  	_ = 	snop  }
__scs_overlays_trampoline_lowered:
0x8: {  	[smem:$0x3FA2] =	sst s0  }
0x9: {  	[smem:$0x3FA3] =	sst s1  }
0xa: {  	[smem:$0x3FA4] =	sst s2  }
0xb: {  	[smem:$0x3FA5] =	sst s3  }
0xc: {  	[smem:$0x3FA6] =	sst s4  }
0xd: {  	[smem:$0x3FA7] =	sst s5  }
0xe: {  	[smem:$0x3FA8] =	sst s6  }
0xf: {  	[smem:$0x3FA9] =	sst s7  }
0x10: {  	[smem:$0x3FAA] =	sst s8  }
0x11: {  	[smem:$0x3FAB] =	sst s9;
	s0 =	simm.s32 @!p0 $0x0  }
0x12: {  	s1 =	sld [smem:$0x3F91];
	s0 =	simm.s32 @p0 $0x1  }
0x13: {  	[smem:$0x3FAC] =	sst s0;
	s0 =	simm.s32 @!p1 $0x0  }
0x14: {  	s2 =	sld [smem:$0x3F90];
	s0 =	simm.s32 @p1 $0x1  }
0x15: {  	[smem:$0x3FAD] =	sst s0;
	s0 =	simm.s32 @!p2 $0x0  }
0x16: {  	s3 =	sld [smem:$0x3FDB];
	s0 =	simm.s32 @p2 $0x1  }
0x17: {  	s4 =	simm.s32 $0x1BF5;
	[smem:$0x3FAF] =	sst s0  }
0x18: {  	s0 =	sld [smem:$0x3F92];
	_ =	swait.ge [sflag:s4], $0x0  }
0x19: {  	s7 =	sld [smem:$0x3F93]  }
0x1a: {  	s8 =	sadd.s32 $0xFFFFE003, lr  }
0x1b: {  	s9 =	sadd.s32 $0xFFFFFEF7, lr;
	s5 =	simm.s32 $0xFFFFFFFF;
	p2 =	slt.u32 s8, $0xFFFFF086  }
0x1c: {  	p1 =	slt.u32 s9, $0xF7A;
	s5 =	simm.s32 @!p2 $0x0  }
0x1d: {  	s5 =	simm.s32 @p1 $0x1;
	p0 =	seq.s32 s7, s2  }
0x1e: {  	s7 =	smul.u32 @!p0 $0xF7A, s2;
	p2 =	seq.s32 @!p0 s5, $0x0  }
0x1f: {  	s9 =	smul.u32 $0xF7A, s1;
	s8 =	simm.s32 @!p0 $0x1BF5;
	p2 =	por !p2, p0  }
0x20: {  	[sflag:s8] =	ssyncset.s32 @!p0 $0xFFFFF086;
	s6 =	sadd.s32 @!p0 s3, s7;
	s7 =	simm.s32 @!p0 $0x108  }
0x21: {  	s3 =	sadd.s32 s3, s9;
	s6 =	sadd.s32 @!p0 $0x88, s6;
	s7 =	simm.s32 @p2 $0x1082  }
0x22: {  	[simem:s7], [sflag:s8] =	dma.local @!p0 [hbm:s6], $0xF7A  }
0x23: {  	s9 =	sor.u32 $0xD0000000, s2;
	s6 =	simm.s32 $0x108;
	_ =	swait.ge @!p0 [sflag:s8], $0x0  }
0x24: {  	s3 =	sadd.s32 $0x88, s3;
	s6 =	simm.s32 @!p1 $0x1082;
	[sflag:s4] =	ssyncset.s32 $0xFFFFF086  }
0x25: {  	[simem:s6], [sflag:s4] =	dma.local [hbm:s3], $0xF7A  }
0x26: {  	[smem:$0x3F93] =	sst s1;
	(tag) =	ssettag s2;
	_ =	strace s9  }
0x27: {  	s1 =	sld [smem:$0x3FA3]  }
0x28: {  	s2 =	sld [smem:$0x3FA4]  }
0x29: {  	s4 =	sld [smem:$0x3FA6]  }
0x2a: {  	p0 =	seq.s32 s5, $0x0;
	s5 =	sld [smem:$0x3FA7]  }
0x2b: {  	s6 =	sld [smem:$0x3FA8]  }
0x2c: {  	s7 =	sld [smem:$0x3FA9]  }
0x2d: {  	s3 =	simm.s32 $0x108;
	s8 =	sld [smem:$0x3FAA]  }
0x2e: {  	s3 =	simm.s32 @!p0 $0x1082;
	s9 =	sld [smem:$0x3FAB]  }
0x2f: {  	lr =	sadd.s32 s0, s3;
	s0 =	sld [smem:$0x3FA2]  }
0x30: {  	s3 =	sld [smem:$0x3FA5]  }
0x31: {  	[smem:$0x3FAE] =	sst s10  }
0x32: {  	s10 =	sld [smem:$0x3FAC];
	_ =	sdelay $0x3  }
0x33: {  	p0 =	seq.s32 s10, $0x1;
	s10 =	sld [smem:$0x3FAE];
	_ =	sdelay $0x3  }
0x34: {  	[smem:$0x3FAE] =	sst s10  }
0x35: {  	s10 =	sld [smem:$0x3FAD];
	_ =	sdelay $0x3  }
0x36: {  	p1 =	seq.s32 s10, $0x1;
	s10 =	sld [smem:$0x3FAE];
	_ =	sdelay $0x3  }
0x37: {  	[smem:$0x3FAE] =	sst s10  }
0x38: {  	s10 =	sld [smem:$0x3FAF]  }
0x39: {  	_ = 	snop;
	(pc) =	sbr.ind lr, $3  }
0x3a: {  	_ = 	snop  }
0x3b: {  	_ = 	snop  }
0x3c: {  	p2 =	seq.s32 s10, $0x1;
	s10 =	sld [smem:$0x3FAE]  }
0x3d: {  	_ =	shalt  }
0x3e: {  	_ =	shalt  }
0x3f: {  	_ =	shalt  }
0x40: {  	_ =	shalt  }
0x41: {  	_ =	shalt  }
0x42: {  	_ =	shalt  }
0x43: {  	_ =	shalt  }
0x44: {  	_ =	shalt  }
0x45: {  	_ =	shalt  }
0x46: {  	_ =	shalt  }
0x47: {  	_ =	shalt  }
0x48: {  	_ =	shalt  }
0x49: {  	_ =	shalt  }
0x4a: {  	_ =	shalt  }
0x4b: {  	_ =	shalt  }
0x4c: {  	_ =	shalt  }
0x4d: {  	_ =	shalt  }
0x4e: {  	_ =	shalt  }
0x4f: {  	_ =	shalt  }
0x50: {  	_ =	shalt  }
0x51: {  	_ =	shalt  }
0x52: {  	_ =	shalt  }
0x53: {  	_ =	shalt  }
0x54: {  	_ =	shalt  }
0x55: {  	_ =	shalt  }
0x56: {  	_ =	shalt  }
0x57: {  	_ =	shalt  }
0x58: {  	_ =	shalt  }
0x59: {  	_ =	shalt  }
0x5a: {  	_ =	shalt  }
0x5b: {  	_ =	shalt  }
0x5c: {  	_ =	shalt  }
0x5d: {  	_ =	shalt  }
0x5e: {  	_ =	shalt  }
0x5f: {  	_ =	shalt  }
0x60: {  	_ =	shalt  }
0x61: {  	_ =	shalt  }
0x62: {  	_ =	shalt  }
0x63: {  	_ =	shalt  }
0x64: {  	_ =	shalt  }
0x65: {  	_ =	shalt  }
0x66: {  	_ =	shalt  }
0x67: {  	_ =	shalt  }
0x68: {  	_ =	shalt  }
0x69: {  	_ =	shalt  }
0x6a: {  	_ =	shalt  }
0x6b: {  	_ =	shalt  }
0x6c: {  	_ =	shalt  }
0x6d: {  	_ =	shalt  }
0x6e: {  	_ =	shalt  }
0x6f: {  	_ =	shalt  }
0x70: {  	_ =	shalt  }
0x71: {  	_ =	shalt  }
0x72: {  	_ =	shalt  }
0x73: {  	_ =	shalt  }
0x74: {  	_ =	shalt  }
0x75: {  	_ =	shalt  }
0x76: {  	_ =	shalt  }
0x77: {  	_ =	shalt  }
0x78: {  	_ =	shalt  }
0x79: {  	_ =	shalt  }
0x7a: {  	_ =	shalt  }
0x7b: {  	_ =	shalt  }
0x7c: {  	_ =	shalt  }
0x7d: {  	_ =	shalt  }
0x7e: {  	_ =	shalt  }
0x7f: {  	_ =	shalt  }
0x80: {  	_ =	shalt  }
0x81: {  	_ =	shalt  }
0x82: {  	_ =	shalt  }
0x83: {  	_ =	shalt  }
0x84: {  	_ =	shalt  }
0x85: {  	_ =	shalt  }
0x86: {  	_ =	shalt  }
0x87: {  	_ =	shalt  }
.Lfunc_end0:
.L_simem_size_0:
called_computation.2_lowered:
.L_overlay_start_0:
0x88: {  	s2 =	sld [smem:$0x3FD9]  }
0x89: {  	s3 =	sld [smem:$0x3FFE];
	_ =	sdelay $0x1  }
0x8a: {  	s1 =	srdreg.scid  }
0x8b: {  	s0 =	sand.u32 $0x1, s1  }
0x8c: {  	s14 =	sshll.u32 s0, $0xA;
	s2 =	sadd.s32 s3, s2  }
0x8d: {  	s2 =	sadd.s32 s2, s14  }
0x8e: {  	[smem:$0x3FBA] =	sst s2  }
0x8f: {  	_ = 	snop  }
0x90: {  	s2 =	sld [smem:$0x3FD0];
	_ =	sdelay $0x2  }
0x91: {  	s15 =	simm.s32 $0xB;
	s4 =	simm.s32 $0x10  }
0x92: {  	[smem:s4], [sflag:s15] =	dma.local [hbm:s2], $0x1  }
0x93: {  	_ =	swait.eq [sflag:s15], $0x1  }
0x94: {  	[sflag:s15] =	ssyncset.done $0x0  }
0x95: {  	[sflag:s15] =	ssyncadd.s32 $0xFFFFFFFF  }
0x96: {  	s16 =	sld [smem:$0x10];
	(tm) =	ssettm $0x1  }
0x97: {  	s17 =	sld [smem:$0x3FFB];
	_ =	sdelay $0x3  }
0x98: {  	_ =	strace s17  }
0x99: {  	s3 =	sld [smem:$0x3FFC];
	_ =	sdelay $0x3  }
0x9a: {  	_ =	strace s3  }
0x9b: {  	s3 =	sld [smem:$0x3FFD];
	_ =	sdelay $0x3  }
0x9c: {  	_ =	strace s3  }
0x9d: {  	_ =	strace $0x8FFFFFFF  }
0x9e: {  	s18 =	sld [smem:$0x3FDB];
	_ =	sdelay $0x1  }
0x9f: {  	s19 =	simm.s32 $_scs_section_size  }
0xa0: {  	s5 =	simm.s32 $_size__tile_overlayer_lowered;
	s6 =	simm.s32 $_tile_overlayer_lowered  }
0xa1: {  	s22 =	simm.s32 $0x1BFF;
	s21 =	sshll.u32 s6, $0x1;
	s3 =	sadd.s32 s19, s18  }
0xa2: {  	s7 =	simm.s32 $0x0;
	s20 =	sshll.u32 s5, $0x1;
	s5 =	sadd.s32 s21, s3  }
0xa3: {  	[timem:s7], [sflag:s22] =	dma.local [hbm:s5], s20  }
0xa4: {  	_ =	swait.ge [sflag:s22], s20  }
0xa5: {  	s4 =	ssub.s32 $0x0, s20;
	[sflag:s22] =	ssyncset.done $0x0  }
0xa6: {  	[sflag:s22] =	ssyncadd.s32 s4;
	_ =	sdelay $0x1  }
0xa7: {  	s23 =	simm.s32 $0x1B8B  }
0xa8: {  	_ =	swait.ge [sflag:s23], $0x1  }
0xa9: {  	[sflag:s23] =	ssyncset.done $0x0  }
0xaa: {  	s25 =	simm.s32 $0x1B8E;
	s24 =	sld [smem:$0x3FFE];
	[sflag:s23] =	ssyncadd.s32 $0xFFFFFFFF  }
0xab: {  	s26 =	simm.s32 $execute0_lowered;
	[smem:$0x3FD2] =	sst s25  }
0xac: {  	s5 =	sshll.u32 s26, $0x1;
	_ =	strace $0x8000004C;
	[dreg:$0x1] =	wrdreg $0xFFFFFFFF  }
0xad: {  	s28 =	simm.s32 $_size_execute0_lowered;
	s3 =	sadd.s32 s3, s5;
	[dreg:$0x0] =	wrdreg $0x0  }
0xae: {  	s5 =	sshll.u32 s28, $0x1;
	[dreg:$0x2] =	wrdreg s3  }
0xaf: {  	[dreg:$0x3] =	wrdreg s5  }
0xb0: {  	[dreg:$0x4] =	wrdreg $0xC0  }
0xb1: {  	_ =	task [dreg:s7], $0x5FFFF  }
0xb2: {  	[dreg:$0x1] =	wrdreg $0xFFFFFFFF  }
0xb3: {  	[dreg:$0x0] =	wrdreg $0x60  }
0xb4: {  	[dreg:$0x2] =	wrdreg s16  }
0xb5: {  	[dreg:$0x3] =	wrdreg s24  }
0xb6: {  	[dreg:$0x4] =	wrdreg $0xBC000  }
0xb7: {  	[dreg:$0x5] =	wrdreg $0x9  }
0xb8: {  	_ =	task.clear_ibuf [dreg:s7], $0x6FFFF;
	_ =	strace $0x9000004C  }
0xb9: {  	s29 =	simm.s32 $0x9;
	_ =	strace $0x8000004E  }
0xba: {  	_ =	swait.ge [sflag:s29], $0x1  }
0xbb: {  	[sflag:s29] =	ssyncadd.s32 $0xFFFFFFFF  }
0xbc: {  	_ =	strace $0x9000004E  }
0xbd: {  	_ =	sfence  }
0xbe: {  	s30 =	sld [smem:$0x0];
	_ =	sdelay $0x2  }
0xbf: {  	s31 =	sshll.u32 s1, $0xD;
	s1 =	sshrl.u32 s1, $0x2  }
0xc0: {  	s3 =	sand.u32 $0x4000, s31;
	s1 =	sadd.s32 s1, s30  }
0xc1: {  	s0 =	sor.u32 s3, s0;
	s1 =	sshll.u32 s1, $0x11  }
0xc2: {  	s0 =	sor.u32 s1, s0  }
0xc3: {  	s0 =	sadd.s32 $0x8F2B, s0  }
0xc4: {  	[sflag:s0] =	ssyncadd.remote.s32 $0x1  }
0xc5: {  	_ =	sfence.sel $0xFFFF  }
0xc6: {  	[dreg:$0x0] =	wrdreg $0xFFFFFFFF;
	(pc) =	sbr.abs _section_cstart, $3  }
0xc7: {  	[dreg:$0x1] =	wrdreg $0xFFFFFFFF  }
0xc8: {  	_ =	task.clear_ibuf [dreg:s7], $0x2FFFF;
	_ =	strace $0x9FFFFFFF  }
0xc9: {  	(tm) =	ssettm $0x7FFFFFFF  }
tec
execute0_lowered:
.L_overlay_start_1:
0x0: {  	(tag) =	ssettag $0x1  }
0x1: {  	s1 =	rddreg [dreg:$0x0]  }
0x2: {  	s0 =	rddreg [dreg:$0x1]  }
0x3: {  	s2 =	rddreg [dreg:$0x2]  }
0x4: {  	s3 =	simm.s32 $0x0;
	s4 =	srdreg.scid;
	s9 =	stileid.u32  }
0x5: {  	s28 =	simm.s32 $0x4;
	s29 =	simm.s32 $0x50;
	s7 =	smul.u32 $0x50000, s9  }
0x6: {  	s31 =	simm.s32 $0x5;
	[smem:$0x7FF] =	sst s3;
	s21 =	smul.u32 $0x2800, s9  }
0x7: {  	s4 =	sand.u32 $0x1, s4;
	s17 =	sadd.s32 $0xD200, s0;
	s25 =	smul.u32 $0x2710, s9  }
0x8: {  	s18 =	sadd.s32 $0x3400, s0;
	_ =	strace $0x8000004D;
	s5 =	smul.u32 $0x28000, s4  }
0x9: {  	s6 =	sshll.u32 s4, $0x4;
	s15 =	ssub.s32 $0x2, s4;
	s20 =	smul.u32 $0x27100, s4  }
0xa: {  	s4 =	simm.s32 $0x9;
	s6 =	sor.u32 s9, s6;
	s8 =	sshrl.u32 s15, $0x1  }
0xb: {  	s7 =	sshrl.u32 s7, $0x2;
	s0 =	sadd.s32 s5, s0;
	s11 =	smul.u32 $0x2710, s6  }
0xc: {  	s16 =	ssub.s32 s15, s8;
	s5 =	sadd.s32 s7, s2;
	s23 =	sadd.s32 $0x17000, s0  }
0xd: {  	s19 =	smax.u32 s16, $0x1;
	s22 =	sadd.s32 $0x4000, s5;
	s24 =	sadd.s32 $0x8000, s5  }
0xe: {  	s9 =	sadd.s32 $0xC000, s5;
	s10 =	sadd.s32 $0x10000, s5;
	[dreg:$0x4] =	wrdreg s19  }
0xf: {  	s0 =	sadd.s32 s25, s20;
	s20 =	simm.s32 $0xA;
	[dreg:$0x5] =	wrdreg s22  }
0x10: {  	s25 =	simm.s32 $0x0;
	[dreg:$0x6] =	wrdreg s24;
	s15 =	sshrl.u32 s11, $0x3  }
0x11: {  	s0 =	sadd.s32 $0xF0, s0;
	s22 =	simm.s32 $0x80;
	s24 =	sadd.s32 s21, s23  }
.Ltmp0:
0x12: {  	s21 =	simm.s32 $0x7;
	s23 =	simm.s32 $0x8;
	(pc) =	sbr.rel .LBB2_1-.Ltmp0, $4  }
0x13: {  	s11 =	sadd.s32 s17, s15;
	s14 =	sadd.s32 $0xA, s15;
	s12 =	sadd.s32 s18, s15  }
0x14: {  	s26 =	sadd.s32 $0x14, s15;
	s19 =	sshrl.u32 s0, $0x3;
	s13 =	sadd.s32 s17, s14  }
0x15: {  	s14 =	sadd.s32 s18, s14;
	s15 =	sadd.s32 s17, s26;
	s16 =	sadd.s32 s18, s26  }
0x16: {  	v0 =	vimm.f32 $0.0e+00;
	s0 =	sadd.s32 s19, s18;
	s30 =	sadd.s32 s19, s17;
	s19 =	simm.s32 $0x7C00  }
.LBB2_9:
0x17: {  	_ =	swait.ge [sflag:s4], $0x2800  }
0x18: {  	[sflag:s4] =	ssyncset.done $0x0  }
0x19: {  	[sflag:s4] =	ssyncadd.s32 $0xFFFFD800  }
0x1a: {  	_ =	swait.ge [sflag:s21], $0x2800  }
0x1b: {  	[sflag:s21] =	ssyncset.done $0x0  }
0x1c: {  	[sflag:s21] =	ssyncadd.s32 $0xFFFFD800  }
0x1d: {  	_ =	swait.ge [sflag:s23], $0x2800  }
0x1e: {  	s6 =	stileid.u32;
	[sflag:s23] =	ssyncset.done $0x0  }
0x1f: {  	s6 =	sshll.u32 s6, $0x6;
	[sflag:s23] =	ssyncadd.s32 $0xFFFFD800  }
0x20: {  	s7 =	sshrl.u32 s5, $0x3;
	s6 =	sor.u32 $0x1C0A, s6;
	[bflag:$0x0] =	sbarrier.arrive $0xFFFF  }
0x21: {  	[hbm:s24], [sflag:s6] =	dma.local [spmem:s7], $0x2800  }
0x22: {  	_ =	swait.ge [sflag:s20], $0x2800  }
0x23: {  	s25 =	sadd.s32 $0x1, s25;
	s26 =	rddreg [dreg:$0x4]  }
0x24: {  	p0 =	sne.s32 s25, s26  }
.Ltmp1:
0x25: {  	_ = 	snop;
	(pc) =	sbr.rel @!p0 .LBB2_10-.Ltmp1, $3  }
0x26: {  	_ =	sdelay $0x1  }
0x27: {  	[sflag:s20] =	ssyncset.done $0x0  }
0x28: {  	[sflag:s20] =	ssyncadd.s32 $0xFFFFD800  }
.LBB2_1:
0x29: {  	s17 =	simm.s32 $0x0;
	s18 =	simm.s32 $0x200  }
.LBB2_2:
0x2a: {  	p0 =	sne.s32 s18, $0xFE00;
	[tilespmem:s17+$0x7C70] =	vst v0  }
0x2b: {  	[tilespmem:s17+$0x7C00] =	vst v0  }
0x2c: {  	[tilespmem:s17+$0x7C10] =	vst v0  }
.Ltmp2:
0x2d: {  	[tilespmem:s17+$0x7C20] =	vst v0;
	(pc) =	sbr.rel @p0 .LBB2_2-.Ltmp2, $4  }
0x2e: {  	[tilespmem:s17+$0x7C30] =	vst v0  }
0x2f: {  	[tilespmem:s17+$0x7C40] =	vst v0  }
0x30: {  	[tilespmem:s17+$0x7C50] =	vst v0  }
0x31: {  	[tilespmem:s17+$0x7C60] =	vst v0;
	s17 =	sshra.s32 s18, $0x2;
	s18 =	sadd.s32 $0x200, s18  }
0x32: {  	[tilespmem:s17+$0x7C70] =	vst v0  }
0x33: {  	[tilespmem:s17+$0x7C00] =	vst v0  }
0x34: {  	[tilespmem:s17+$0x7C10] =	vst v0  }
0x35: {  	[tilespmem:s17+$0x7C20] =	vst v0  }
0x36: {  	[tilespmem:s17+$0x7C30] =	vst v0  }
0x37: {  	[tilespmem:s17+$0x7C40] =	vst v0  }
0x38: {  	[tilespmem:s17+$0x7C50] =	vst v0  }
0x39: {  	[tilespmem:s17+$0x7C60] =	vst v0  }
0x3a: {  	[spmem:s5] =	stream.linear.scatter [tilespmem:s19], [sflag:$0xA], $0x4000, $0x38;
	[tilespmem:$0x1FC00] =	vst v63  }
0x3b: {  	_ =	swait.ge [sflag:s20], $0x4000  }
0x3c: {  	[sflag:s20] =	ssyncset.done $0x0  }
0x3d: {  	s6 =	rddreg [dreg:$0x5];
	[sflag:s20] =	ssyncadd.s32 $0xFFFFC000  }
0x3e: {  	[spmem:s6] =	stream.linear.scatter [tilespmem:s19], [sflag:$0xA], $0x4000, $0x38;
	[tilespmem:$0x1FC00] =	vst v63  }
0x3f: {  	_ =	swait.ge [sflag:s20], $0x4000  }
0x40: {  	[sflag:s20] =	ssyncset.done $0x0  }
0x41: {  	s8 =	rddreg [dreg:$0x6];
	[sflag:s20] =	ssyncadd.s32 $0xFFFFC000  }
0x42: {  	[spmem:s8] =	stream.linear.scatter [tilespmem:s19], [sflag:$0xA], $0x4000, $0x38;
	[tilespmem:$0x1FC00] =	vst v63  }
0x43: {  	_ =	swait.ge [sflag:s20], $0x4000  }
0x44: {  	[sflag:s20] =	ssyncset.done $0x0  }
0x45: {  	[sflag:s20] =	ssyncadd.s32 $0xFFFFC000  }
0x46: {  	[spmem:s9] =	stream.linear.scatter [tilespmem:s19], [sflag:$0xA], $0x4000, $0x38;
	[tilespmem:$0x1FC00] =	vst v63  }
0x47: {  	_ =	swait.ge [sflag:s20], $0x4000  }
0x48: {  	[sflag:s20] =	ssyncset.done $0x0  }
0x49: {  	[sflag:s20] =	ssyncadd.s32 $0xFFFFC000  }
0x4a: {  	[spmem:s10] =	stream.linear.scatter [tilespmem:s19], [sflag:$0xA], $0x4000, $0x38;
	[tilespmem:$0x1FC00] =	vst v63  }
0x4b: {  	_ =	swait.ge [sflag:s20], $0x4000  }
0x4c: {  	[sflag:s20] =	ssyncset.done $0x0  }
0x4d: {  	[sflag:s20] =	ssyncadd.s32 $0xFFFFC000  }
0x4e: {  	s26 =	simm.s32 $0x0;
	[bflag:$0x0] =	sbarrier.arrive $0xFFFF  }
0x4f: {  	[tilespmem:s26], [sflag:$0x4] =	stream.linear.gather [hbm4b:s11+s26], $0x50, $0x38;
	[tilespmem:$0x1FC00] =	vst v63  }
0x50: {  	s17 =	simm.s32 $0x200  }
0x51: {  	[tilespmem:s17], [sflag:$0x4] =	stream.linear.gather [hbm4b:s12+s26], $0x50, $0x38;
	[tilespmem:$0x1FC00] =	vst v63  }
0x52: {  	_ = 	snop  }
0x53: {  	[tilespmem:s22], [sflag:$0x5] =	stream.linear.gather [hbm4b:s13+s26], $0x50, $0x38;
	[tilespmem:$0x1FC00] =	vst v63  }
0x54: {  	s18 =	simm.s32 $0x280  }
0x55: {  	[tilespmem:s18], [sflag:$0x5] =	stream.linear.gather [hbm4b:s14+s26], $0x50, $0x38;
	[tilespmem:$0x1FC00] =	vst v63  }
0x56: {  	s7 =	simm.s32 $0x100  }
0x57: {  	[tilespmem:s7], [sflag:$0x6] =	stream.linear.gather [hbm4b:s15+s26], $0x50, $0x38;
	[tilespmem:$0x1FC00] =	vst v63  }
0x58: {  	s8 =	simm.s32 $0x300  }
0x59: {  	[tilespmem:s8], [sflag:$0x6] =	stream.linear.gather [hbm4b:s16+s26], $0x50, $0x38;
	[tilespmem:$0x1FC00] =	vst v63  }
0x5a: {  	_ =	swait.ge [sflag:s28], $0x50  }
0x5b: {  	[sflag:s28] =	ssyncset.done $0x0  }
0x5c: {  	[sflag:s28] =	ssyncadd.s32 $0xFFFFFFB0  }
0x5d: {  	_ =	swait.ge [sflag:s28], $0x50  }
0x5e: {  	[sflag:s28] =	ssyncset.done $0x0  }
0x5f: {  	s17 =	simm.s32 $0x400;
	[sflag:s28] =	ssyncadd.s32 $0xFFFFFFB0  }
0x60: {  	[tilespmem:s17], [sflag:$0x1] =	stream.indirect.gather [hbm4b:s1+s29], $0x80, s26, s29, $0xb8;
	[tilespmem:$0x1FC00] =	vst v63  }
0x61: {  	_ =	swait.ge [sflag:s31], $0x50  }
0x62: {  	[sflag:s31] =	ssyncset.done $0x0  }
0x63: {  	[sflag:s31] =	ssyncadd.s32 $0xFFFFFFB0  }
.Ltmp3:
0x64: {  	_ =	swait.ge [sflag:s31], $0x50;
	(pc) =	sbr.rel .LBB2_4-.Ltmp3, $4  }
0x65: {  	[sflag:s31] =	ssyncset.done $0x0  }
0x66: {  	s18 =	simm.s32 $0x2C00;
	[sflag:s31] =	ssyncadd.s32 $0xFFFFFFB0  }
0x67: {  	[tilespmem:s18], [sflag:$0x2] =	stream.indirect.gather [hbm4b:s1+s29], $0x80, s22, s29, $0xb8;
	[tilespmem:$0x1FC00] =	vst v63  }
0x68: {  	s17 =	smov.u32 s0;
	s18 =	smov.u32 s30  }
.LBB2_5:
0x69: {  	s6 =	sadd.s32 $0x3, s26  }
0x6a: {  	s7 =	smul.u32 $0xAB, s6;
	_ =	sdelay $0x1  }
0x6b: {  	s7 =	sshrl.u32 s7, $0x9  }
0x6c: {  	s7 =	sand.u32 $0x7F, s7  }
0x6d: {  	s7 =	smul.u32 $0x3, s7;
	_ =	sdelay $0x1  }
0x6e: {  	s6 =	ssub.s32 s6, s7  }
0x6f: {  	s6 =	sand.u32 $0xFF, s6  }
0x70: {  	s8 =	sor.u32 $0x4, s6;
	s6 =	sshll.u32 s6, $0x7  }
0x71: {  	[tilespmem:s6], [sflag:s8] =	stream.linear.gather [hbm4b:s18+s3], $0x50, $0x38;
	[tilespmem:$0x1FC00] =	vst v63  }
0x72: {  	s6 =	sor.u32 $0x200, s6  }
0x73: {  	[tilespmem:s6], [sflag:s8] =	stream.linear.gather [hbm4b:s17+s3], $0x50, $0x38;
	[tilespmem:$0x1FC00] =	vst v63  }
.LBB2_7:
0x74: {  	s6 =	sadd.s32 $0x2, s26  }
0x75: {  	s7 =	sand.u32 $0xFF, s6  }
0x76: {  	s7 =	smul.u32 $0xAB, s7;
	_ =	sdelay $0x1  }
0x77: {  	s7 =	sshrl.u32 s7, $0x9  }
0x78: {  	s7 =	smul.u32 $0x3, s7;
	_ =	sdelay $0x1  }
0x79: {  	s6 =	ssub.s32 s6, s7  }
0x7a: {  	s6 =	sand.u32 $0xFF, s6  }
0x7b: {  	s8 =	sor.u32 $0x4, s6  }
0x7c: {  	_ =	swait.ge [sflag:s8], $0x50  }
0x7d: {  	[sflag:s8] =	ssyncset.done $0x0  }
0x7e: {  	[sflag:s8] =	ssyncadd.s32 $0xFFFFFFB0  }
0x7f: {  	_ =	swait.ge [sflag:s8], $0x50  }
0x80: {  	p0 =	seq.s32 s26, $0x0;
	[sflag:s8] =	ssyncset.done $0x0  }
0x81: {  	s7 =	sadd.s32 @!p0 $0x7, s6;
	[sflag:s8] =	ssyncadd.s32 $0xFFFFFFB0  }
0x82: {  	s8 =	smul.u32 $0xA000, s6;
	_ =	swait.ge @!p0 [sflag:s7], $0x2800  }
0x83: {  	[sflag:s7] =	ssyncset.done @!p0 $0x0  }
0x84: {  	[sflag:s7] =	ssyncadd.s32 @!p0 $0xFFFFD800;
	s7 =	sshrl.u32 s8, $0x2  }
0x85: {  	s8 =	sshll.u32 s6, $0x7;
	s6 =	sadd.s32 $0x1, s6;
	s7 =	sor.u32 $0x400, s7  }
0x86: {  	[tilespmem:s7], [sflag:s6] =	stream.indirect.gather [hbm4b:s1+s29], $0x80, s8, s29, $0xb8;
	[tilespmem:$0x1FC00] =	vst v63  }
.LBB2_8:
0x87: {  	s26 =	sadd.s32 $0x1, s26  }
0x88: {  	p0 =	sne.s32 s26, $0x7D  }
.Ltmp4:
0x89: {  	_ = 	snop;
	(pc) =	sbr.rel @!p0 .LBB2_9-.Ltmp4, $2  }
0x8a: {  	_ =	sdelay $0x2  }
0x8b: {  	s17 =	sadd.s32 $0xA, s17;
	s18 =	sadd.s32 $0xA, s18  }
.LBB2_4:
0x8c: {  	s6 =	smul.u32 $0xAB, s26;
	_ =	sdelay $0x1  }
0x8d: {  	s6 =	sshrl.u32 s6, $0x9  }
0x8e: {  	s6 =	sand.u32 $0x7F, s6  }
0x8f: {  	s6 =	smul.u32 $0x3, s6;
	_ =	sdelay $0x1  }
0x90: {  	s6 =	ssub.s32 s26, s6  }
0x91: {  	s6 =	sand.u32 $0xFF, s6  }
0x92: {  	p0 =	sgt.u32 s26, $0x79;
	s7 =	sadd.s32 $0x1, s6;
	s8 =	smul.u32 $0xA000, s6  }
.Ltmp5:
0x93: {  	_ =	swait.ge [sflag:s7], $0x2800;
	(pc) =	sbr.rel @!p0 .LBB2_5-.Ltmp5, $4  }
0x94: {  	[sflag:s7] =	ssyncset.done $0x0  }
0x95: {  	s8 =	sshrl.u32 s8, $0x2;
	[sflag:s7] =	ssyncadd.s32 $0xFFFFD800;
	s7 =	sshll.u32 s6, $0x7  }
0x96: {  	s8 =	sor.u32 $0x400, s8;
	s6 =	sadd.s32 $0x7, s6;
	s7 =	sor.u32 $0x200, s7  }
0x97: {  	[spmem:s2] =	stream.indirect.scatter.add.f32 [tilespmem:s8], [sflag:s6], $0x80, s7, s29, $0xb8;
	[tilespmem:$0x1FC00] =	vst v63  }
0x98: {  	p0 =	sne.s32 s26, $0x7A  }
.Ltmp6:
0x99: {  	_ = 	snop;
	(pc) =	sbr.rel @p0 .LBB2_8-.Ltmp6, $4  }
.Ltmp7:
0x9a: {  	_ = 	snop;
	(pc) =	sbr.rel @!p0 .LBB2_7-.Ltmp7, $4  }
0x9b: {  	_ = 	snop  }
0x9c: {  	_ = 	snop  }
0x9d: {  	_ = 	snop  }
0x9e: {  	_ = 	snop  }
.LBB2_10:
0x9f: {  	_ =	sfence.sel $0x180000  }
0xa0: {  	[bflag:$0x0] =	sbarrier.arrive $0xFFFF  }
0xa1: {  	_ =	strace $0x9000004D  }
0xa2: {  	s0 =	stileid.u32;
	[bflag:$0x2] =	sbarrier.arrive $0xFFFF  }
0xa3: {  	p0 =	sne.s32 s0, $0x0;
	s0 =	rddreg [dreg:$0x3]  }
0xa4: {  	s0 =	sadd.s32 @!p0 $0x100000, s0  }
0xa5: {  	[sflag:s0] =	ssyncadd.tile.s32 @!p0 $0x1;
	_ =	shalt  }
.Lfunc_end2:
_tile_overlayer_lowered:
.L_overlay_start_2:
0xa6: {  	(tag) =	ssettag $0x2  }
0xa7: {  	s0 =	rddreg [dreg:$0x0];
	s2 =	stileid.u32  }
0xa8: {  	s1 =	rddreg [dreg:$0x1];
	p0 =	sne.s32 s2, $0x0  }
0xa9: {  	s3 =	rddreg [dreg:$0x2];
	[bflag:$0x3] =	sbarrier.arrive $0xFFFF;
	s2 =	simm.s32 @!p0 $0x1C0A  }
0xaa: {  	[timem:s3], [sflag:s2] =	dma.local @!p0 [hbm:s0], s1  }
0xab: {  	s0 =	simm.s32 @!p0 $0xA  }
0xac: {  	_ =	swait.ge @!p0 [sflag:s0], s1  }
0xad: {  	s1 =	ssub.s32 @!p0 $0x0, s1;
	[sflag:s0] =	ssyncset.done @!p0 $0x0  }
0xae: {  	[sflag:s0] =	ssyncadd.s32 @!p0 s1  }
0xaf: {  	[bflag:$0x3] =	sbarrier.arrive $0xFFFF  }
0xb0: {  	_ =	shalt  }

// kernel: kernel.8.cloned.1.call-start
scs
__scs_entry_jumppad:
0x0: {  	(pc) =	sbr.rel $0x88, $3  }
0x1: {  	(tag) =	ssettag $0x0;
	lr =	simm.s32 $0x1  }
0x2: {  	[smem:$0x3F93] =	sst lr;
	_ =	strace $0xD0000000  }
0x3: {  	_ = 	snop  }
0x4: {  	_ = 	snop  }
0x5: {  	_ = 	snop  }
0x6: {  	_ = 	snop  }
0x7: {  	_ = 	snop  }
__scs_overlays_trampoline_lowered:
0x8: {  	[smem:$0x3FA2] =	sst s0  }
0x9: {  	[smem:$0x3FA3] =	sst s1  }
0xa: {  	[smem:$0x3FA4] =	sst s2  }
0xb: {  	[smem:$0x3FA5] =	sst s3  }
0xc: {  	[smem:$0x3FA6] =	sst s4  }
0xd: {  	[smem:$0x3FA7] =	sst s5  }
0xe: {  	[smem:$0x3FA8] =	sst s6  }
0xf: {  	[smem:$0x3FA9] =	sst s7  }
0x10: {  	[smem:$0x3FAA] =	sst s8  }
0x11: {  	[smem:$0x3FAB] =	sst s9;
	s0 =	simm.s32 @!p0 $0x0  }
0x12: {  	s1 =	sld [smem:$0x3F91];
	s0 =	simm.s32 @p0 $0x1  }
0x13: {  	[smem:$0x3FAC] =	sst s0;
	s0 =	simm.s32 @!p1 $0x0  }
0x14: {  	s2 =	sld [smem:$0x3F90];
	s0 =	simm.s32 @p1 $0x1  }
0x15: {  	[smem:$0x3FAD] =	sst s0;
	s0 =	simm.s32 @!p2 $0x0  }
0x16: {  	s3 =	sld [smem:$0x3FDB];
	s0 =	simm.s32 @p2 $0x1  }
0x17: {  	s4 =	simm.s32 $0x1BF5;
	[smem:$0x3FAF] =	sst s0  }
0x18: {  	s0 =	sld [smem:$0x3F92];
	_ =	swait.ge [sflag:s4], $0x0  }
0x19: {  	s7 =	sld [smem:$0x3F93]  }
0x1a: {  	s8 =	sadd.s32 $0xFFFFE003, lr  }
0x1b: {  	s9 =	sadd.s32 $0xFFFFFEF7, lr;
	s5 =	simm.s32 $0xFFFFFFFF;
	p2 =	slt.u32 s8, $0xFFFFF086  }
0x1c: {  	p1 =	slt.u32 s9, $0xF7A;
	s5 =	simm.s32 @!p2 $0x0  }
0x1d: {  	s5 =	simm.s32 @p1 $0x1;
	p0 =	seq.s32 s7, s2  }
0x1e: {  	s7 =	smul.u32 @!p0 $0xF7A, s2;
	p2 =	seq.s32 @!p0 s5, $0x0  }
0x1f: {  	s9 =	smul.u32 $0xF7A, s1;
	s8 =	simm.s32 @!p0 $0x1BF5;
	p2 =	por !p2, p0  }
0x20: {  	[sflag:s8] =	ssyncset.s32 @!p0 $0xFFFFF086;
	s6 =	sadd.s32 @!p0 s3, s7;
	s7 =	simm.s32 @!p0 $0x108  }
0x21: {  	s3 =	sadd.s32 s3, s9;
	s6 =	sadd.s32 @!p0 $0x88, s6;
	s7 =	simm.s32 @p2 $0x1082  }
0x22: {  	[simem:s7], [sflag:s8] =	dma.local @!p0 [hbm:s6], $0xF7A  }
0x23: {  	s9 =	sor.u32 $0xD0000000, s2;
	s6 =	simm.s32 $0x108;
	_ =	swait.ge @!p0 [sflag:s8], $0x0  }
0x24: {  	s3 =	sadd.s32 $0x88, s3;
	s6 =	simm.s32 @!p1 $0x1082;
	[sflag:s4] =	ssyncset.s32 $0xFFFFF086  }
0x25: {  	[simem:s6], [sflag:s4] =	dma.local [hbm:s3], $0xF7A  }
0x26: {  	[smem:$0x3F93] =	sst s1;
	(tag) =	ssettag s2;
	_ =	strace s9  }
0x27: {  	s1 =	sld [smem:$0x3FA3]  }
0x28: {  	s2 =	sld [smem:$0x3FA4]  }
0x29: {  	s4 =	sld [smem:$0x3FA6]  }
0x2a: {  	p0 =	seq.s32 s5, $0x0;
	s5 =	sld [smem:$0x3FA7]  }
0x2b: {  	s6 =	sld [smem:$0x3FA8]  }
0x2c: {  	s7 =	sld [smem:$0x3FA9]  }
0x2d: {  	s3 =	simm.s32 $0x108;
	s8 =	sld [smem:$0x3FAA]  }
0x2e: {  	s3 =	simm.s32 @!p0 $0x1082;
	s9 =	sld [smem:$0x3FAB]  }
0x2f: {  	lr =	sadd.s32 s0, s3;
	s0 =	sld [smem:$0x3FA2]  }
0x30: {  	s3 =	sld [smem:$0x3FA5]  }
0x31: {  	[smem:$0x3FAE] =	sst s10  }
0x32: {  	s10 =	sld [smem:$0x3FAC];
	_ =	sdelay $0x3  }
0x33: {  	p0 =	seq.s32 s10, $0x1;
	s10 =	sld [smem:$0x3FAE];
	_ =	sdelay $0x3  }
0x34: {  	[smem:$0x3FAE] =	sst s10  }
0x35: {  	s10 =	sld [smem:$0x3FAD];
	_ =	sdelay $0x3  }
0x36: {  	p1 =	seq.s32 s10, $0x1;
	s10 =	sld [smem:$0x3FAE];
	_ =	sdelay $0x3  }
0x37: {  	[smem:$0x3FAE] =	sst s10  }
0x38: {  	s10 =	sld [smem:$0x3FAF]  }
0x39: {  	_ = 	snop;
	(pc) =	sbr.ind lr, $3  }
0x3a: {  	_ = 	snop  }
0x3b: {  	_ = 	snop  }
0x3c: {  	p2 =	seq.s32 s10, $0x1;
	s10 =	sld [smem:$0x3FAE]  }
0x3d: {  	_ =	shalt  }
0x3e: {  	_ =	shalt  }
0x3f: {  	_ =	shalt  }
0x40: {  	_ =	shalt  }
0x41: {  	_ =	shalt  }
0x42: {  	_ =	shalt  }
0x43: {  	_ =	shalt  }
0x44: {  	_ =	shalt  }
0x45: {  	_ =	shalt  }
0x46: {  	_ =	shalt  }
0x47: {  	_ =	shalt  }
0x48: {  	_ =	shalt  }
0x49: {  	_ =	shalt  }
0x4a: {  	_ =	shalt  }
0x4b: {  	_ =	shalt  }
0x4c: {  	_ =	shalt  }
0x4d: {  	_ =	shalt  }
0x4e: {  	_ =	shalt  }
0x4f: {  	_ =	shalt  }
0x50: {  	_ =	shalt  }
0x51: {  	_ =	shalt  }
0x52: {  	_ =	shalt  }
0x53: {  	_ =	shalt  }
0x54: {  	_ =	shalt  }
0x55: {  	_ =	shalt  }
0x56: {  	_ =	shalt  }
0x57: {  	_ =	shalt  }
0x58: {  	_ =	shalt  }
0x59: {  	_ =	shalt  }
0x5a: {  	_ =	shalt  }
0x5b: {  	_ =	shalt  }
0x5c: {  	_ =	shalt  }
0x5d: {  	_ =	shalt  }
0x5e: {  	_ =	shalt  }
0x5f: {  	_ =	shalt  }
0x60: {  	_ =	shalt  }
0x61: {  	_ =	shalt  }
0x62: {  	_ =	shalt  }
0x63: {  	_ =	shalt  }
0x64: {  	_ =	shalt  }
0x65: {  	_ =	shalt  }
0x66: {  	_ =	shalt  }
0x67: {  	_ =	shalt  }
0x68: {  	_ =	shalt  }
0x69: {  	_ =	shalt  }
0x6a: {  	_ =	shalt  }
0x6b: {  	_ =	shalt  }
0x6c: {  	_ =	shalt  }
0x6d: {  	_ =	shalt  }
0x6e: {  	_ =	shalt  }
0x6f: {  	_ =	shalt  }
0x70: {  	_ =	shalt  }
0x71: {  	_ =	shalt  }
0x72: {  	_ =	shalt  }
0x73: {  	_ =	shalt  }
0x74: {  	_ =	shalt  }
0x75: {  	_ =	shalt  }
0x76: {  	_ =	shalt  }
0x77: {  	_ =	shalt  }
0x78: {  	_ =	shalt  }
0x79: {  	_ =	shalt  }
0x7a: {  	_ =	shalt  }
0x7b: {  	_ =	shalt  }
0x7c: {  	_ =	shalt  }
0x7d: {  	_ =	shalt  }
0x7e: {  	_ =	shalt  }
0x7f: {  	_ =	shalt  }
0x80: {  	_ =	shalt  }
0x81: {  	_ =	shalt  }
0x82: {  	_ =	shalt  }
0x83: {  	_ =	shalt  }
0x84: {  	_ =	shalt  }
0x85: {  	_ =	shalt  }
0x86: {  	_ =	shalt  }
0x87: {  	_ =	shalt  }
.Lfunc_end0:
.L_simem_size_0:
called_computation_lowered:
.L_overlay_start_0:
0x88: {  	s2 =	sld [smem:$0x3FD9]  }
0x89: {  	s3 =	sld [smem:$0x3FFE];
	_ =	sdelay $0x1  }
0x8a: {  	s1 =	srdreg.scid  }
0x8b: {  	s0 =	sand.u32 $0x1, s1  }
0x8c: {  	s17 =	sshll.u32 s0, $0xA;
	s2 =	sadd.s32 s3, s2  }
0x8d: {  	s2 =	sadd.s32 s2, s17  }
0x8e: {  	[smem:$0x3FBA] =	sst s2  }
0x8f: {  	_ = 	snop  }
0x90: {  	(tm) =	ssettm $0x1  }
0x91: {  	s18 =	sld [smem:$0x3FFB];
	_ =	sdelay $0x3  }
0x92: {  	_ =	strace s18  }
0x93: {  	s2 =	sld [smem:$0x3FFC];
	_ =	sdelay $0x3  }
0x94: {  	_ =	strace s2  }
0x95: {  	s2 =	sld [smem:$0x3FFD];
	_ =	sdelay $0x3  }
0x96: {  	_ =	strace s2  }
0x97: {  	_ =	strace $0x8FFFFFFF  }
0x98: {  	s19 =	sld [smem:$0x3FDB];
	_ =	sdelay $0x1  }
0x99: {  	s20 =	simm.s32 $_scs_section_size  }
0x9a: {  	s4 =	simm.s32 $_size__tile_overlayer_lowered;
	s5 =	simm.s32 $_tile_overlayer_lowered  }
0x9b: {  	s6 =	simm.s32 $0x1BFF;
	s21 =	sshll.u32 s5, $0x1;
	s3 =	sadd.s32 s20, s19  }
0x9c: {  	s22 =	simm.s32 $0x0;
	s4 =	sshll.u32 s4, $0x1;
	s5 =	sadd.s32 s21, s3  }
0x9d: {  	[timem:s22], [sflag:s6] =	dma.local [hbm:s5], s4  }
0x9e: {  	_ =	swait.ge [sflag:s6], s4  }
0x9f: {  	s4 =	ssub.s32 $0x0, s4;
	[sflag:s6] =	ssyncset.done $0x0  }
0xa0: {  	[sflag:s6] =	ssyncadd.s32 s4;
	_ =	sdelay $0x1  }
0xa1: {  	s23 =	simm.s32 $0x1B8B  }
0xa2: {  	_ =	swait.ge [sflag:s23], $0x1  }
0xa3: {  	[sflag:s23] =	ssyncset.done $0x0  }
0xa4: {  	[sflag:s23] =	ssyncadd.s32 $0xFFFFFFFF  }
0xa5: {  	s4 =	sld [smem:$0x0]  }
0xa6: {  	s5 =	sand.u32 $0xFFFFFFFE, s1  }
0xa7: {  	p0 =	sne.s32 s1, s5  }
0xa8: {  	s5 =	sshll.u32 @p0 s5, $0xE  }
0xa9: {  	s5 =	sadd.s32 @p0 $0x11B8D, s5;
	s6 =	sshll.u32 @p0 s4, $0x11  }
0xaa: {  	s5 =	sor.u32 @p0 s6, s5  }
0xab: {  	[sflag:s5] =	ssyncadd.remote.s32 @p0 $0x1;
	_ =	sdelay $0x1  }
0xac: {  	s5 =	simm.s32 @p0 $0x1B8D  }
0xad: {  	_ =	swait.eq @p0 [sflag:s5], $0x1  }
0xae: {  	[sflag:s5] =	ssyncadd.s32 @p0 $0xFFFFFFFF  }
0xaf: {  	s6 =	sshll.u32 @!p0 s1, $0xE  }
0xb0: {  	s6 =	sor.u32 @!p0 $0x4000, s6;
	s5 =	simm.s32 @!p0 $0x1B8D  }
0xb1: {  	s4 =	sshll.u32 @!p0 s4, $0x11;
	s6 =	sadd.s32 @!p0 $0x11B8D, s6;
	_ =	swait.eq @!p0 [sflag:s5], $0x1  }
0xb2: {  	s4 =	sor.u32 @!p0 s4, s6;
	[sflag:s5] =	ssyncadd.s32 @!p0 $0xFFFFFFFF  }
0xb3: {  	s25 =	simm.s32 $0x1B8E;
	s24 =	sld [smem:$0x3FFE];
	[sflag:s4] =	ssyncadd.remote.s32 @!p0 $0x1  }
0xb4: {  	s26 =	simm.s32 $execute0_lowered;
	[smem:$0x3FD2] =	sst s25  }
0xb5: {  	s5 =	sshll.u32 s26, $0x1;
	_ =	strace $0x80000049;
	[dreg:$0x1] =	wrdreg $0xFFFFFFFF  }
0xb6: {  	s28 =	simm.s32 $_size_execute0_lowered;
	s3 =	sadd.s32 s3, s5;
	[dreg:$0x0] =	wrdreg $0x0  }
0xb7: {  	s5 =	sshll.u32 s28, $0x1;
	[dreg:$0x2] =	wrdreg s3  }
0xb8: {  	[dreg:$0x3] =	wrdreg s5  }
0xb9: {  	[dreg:$0x4] =	wrdreg $0xC0  }
0xba: {  	_ =	task [dreg:s22], $0x5FFFF  }
0xbb: {  	[dreg:$0x1] =	wrdreg $0xFFFFFFFF  }
0xbc: {  	[dreg:$0x0] =	wrdreg $0x60  }
0xbd: {  	[dreg:$0x2] =	wrdreg s24  }
0xbe: {  	[dreg:$0x3] =	wrdreg $0x6A000  }
0xbf: {  	[dreg:$0x4] =	wrdreg $0x9  }
0xc0: {  	_ =	task.clear_ibuf [dreg:s22], $0x5FFFF;
	_ =	strace $0x90000049  }
0xc1: {  	s29 =	simm.s32 $0x9;
	_ =	strace $0x8000004B  }
0xc2: {  	_ =	swait.ge [sflag:s29], $0x1  }
0xc3: {  	[sflag:s29] =	ssyncadd.s32 $0xFFFFFFFF  }
0xc4: {  	_ =	strace $0x9000004B  }
0xc5: {  	_ =	sfence  }
0xc6: {  	s30 =	sld [smem:$0x0];
	_ =	sdelay $0x2  }
0xc7: {  	s31 =	sshll.u32 s1, $0xD;
	s1 =	sshrl.u32 s1, $0x2  }
0xc8: {  	s4 =	sand.u32 $0x4000, s31;
	s1 =	sadd.s32 s1, s30  }
0xc9: {  	s0 =	sor.u32 s4, s0;
	s1 =	sshll.u32 s1, $0x11  }
0xca: {  	s0 =	sor.u32 s1, s0  }
0xcb: {  	s0 =	sadd.s32 $0x8F2B, s0  }
0xcc: {  	[sflag:s0] =	ssyncadd.remote.s32 $0x1  }
0xcd: {  	_ =	sfence.sel $0xFFFF  }
0xce: {  	[dreg:$0x0] =	wrdreg $0xFFFFFFFF;
	(pc) =	sbr.abs _section_cstart, $3  }
0xcf: {  	[dreg:$0x1] =	wrdreg $0xFFFFFFFF  }
0xd0: {  	_ =	task.clear_ibuf [dreg:s22], $0x2FFFF;
	_ =	strace $0x9FFFFFFF  }
0xd1: {  	(tm) =	ssettm $0x7FFFFFFF  }
tec
execute0_lowered:
.L_overlay_start_1:
0x0: {  	(tag) =	ssettag $0x1  }
0x1: {  	s4 =	rddreg [dreg:$0x0]  }
0x2: {  	s1 =	rddreg [dreg:$0x1];
	s2 =	simm.s32 $0x0;
	s3 =	srdreg.scid  }
0x3: {  	s0 =	stileid.u32;
	s15 =	simm.s32 $0x7;
	s18 =	simm.s32 $0x50  }
0x4: {  	s19 =	simm.s32 $0x200;
	s20 =	simm.s32 $0x6;
	s8 =	smul.u32 $0x50000, s0  }
0x5: {  	s21 =	simm.s32 $0x4;
	s22 =	simm.s32 $0x5;
	s23 =	smul.u32 $0x2800, s0  }
0x6: {  	[smem:$0x7FF] =	sst s2;
	s5 =	sand.u32 $0x1, s3;
	s11 =	smul.u32 $0x2710, s0  }
0x7: {  	s13 =	sadd.s32 $0x3400, s4;
	s6 =	smul.u32 $0x28000, s5;
	s7 =	sshll.u32 s5, $0x4  }
0x8: {  	_ =	strace $0x8000004A;
	s9 =	ssub.s32 $0x2, s5;
	s31 =	smul.u32 $0x27100, s5  }
0x9: {  	s7 =	sor.u32 s0, s7;
	s28 =	sshrl.u32 s9, $0x1;
	s30 =	sshrl.u32 s8, $0x2  }
0xa: {  	s10 =	smul.u32 $0x2710, s7;
	s6 =	sadd.s32 s6, s4;
	s29 =	ssub.s32 s9, s28  }
0xb: {  	s4 =	sadd.s32 s30, s1;
	s11 =	sadd.s32 s11, s31;
	s24 =	sadd.s32 $0x67000, s6  }
0xc: {  	s5 =	smax.u32 s29, $0x1;
	s6 =	sadd.s32 $0x4000, s4;
	s7 =	sadd.s32 $0x8000, s4  }
0xd: {  	s8 =	sadd.s32 $0xC000, s4;
	s9 =	sadd.s32 $0x10000, s4;
	s14 =	sadd.s32 $0xA0, s11  }
0xe: {  	s10 =	sshrl.u32 s10, $0x3;
	s14 =	sshrl.u32 s14, $0x3;
	s23 =	sadd.s32 s23, s24  }
0xf: {  	s24 =	simm.s32 $0x0;
	s10 =	sadd.s32 s13, s10;
	s13 =	sadd.s32 s14, s13  }
0x10: {  	v0 =	vimm.f32 $0.0e+00;
	v1 =	vimm.f32 $1.000000000e+00;
	s14 =	simm.s32 $0x2A00;
	s11 =	sadd.s32 $0xA, s10;
	s12 =	sadd.s32 $0x14, s10  }
.LBB2_1:
0x11: {  	s25 =	simm.s32 $0x0;
	s26 =	simm.s32 $0x200  }
.LBB2_2:
0x12: {  	p0 =	sne.s32 s26, $0xFE00;
	[tilespmem:s25+$0x2A70] =	vst v0  }
0x13: {  	[tilespmem:s25+$0x2A00] =	vst v0  }
0x14: {  	[tilespmem:s25+$0x2A10] =	vst v0  }
.Ltmp0:
0x15: {  	[tilespmem:s25+$0x2A20] =	vst v0;
	(pc) =	sbr.rel @p0 .LBB2_2-.Ltmp0, $4  }
0x16: {  	[tilespmem:s25+$0x2A30] =	vst v0  }
0x17: {  	[tilespmem:s25+$0x2A40] =	vst v0  }
0x18: {  	[tilespmem:s25+$0x2A50] =	vst v0  }
0x19: {  	[tilespmem:s25+$0x2A60] =	vst v0;
	s25 =	sshra.s32 s26, $0x2;
	s26 =	sadd.s32 $0x200, s26  }
0x1a: {  	[tilespmem:s25+$0x2A70] =	vst v0  }
0x1b: {  	[tilespmem:s25+$0x2A00] =	vst v0  }
0x1c: {  	[tilespmem:s25+$0x2A10] =	vst v0  }
0x1d: {  	[tilespmem:s25+$0x2A20] =	vst v0  }
0x1e: {  	[tilespmem:s25+$0x2A30] =	vst v0  }
0x1f: {  	[tilespmem:s25+$0x2A40] =	vst v0  }
0x20: {  	[tilespmem:s25+$0x2A50] =	vst v0  }
0x21: {  	[tilespmem:s25+$0x2A60] =	vst v0;
	s25 =	simm.s32 $0x70;
	s26 =	simm.s32 $0x3C0  }
.LBB2_4:
0x22: {  	p0 =	sne.s32 s26, $0x9FC0;
	[tilespmem:s25+$0x200] =	vst v1  }
0x23: {  	[tilespmem:s25+$0x190] =	vst v1  }
0x24: {  	[tilespmem:s25+$0x1A0] =	vst v1  }
.Ltmp1:
0x25: {  	[tilespmem:s25+$0x1B0] =	vst v1;
	(pc) =	sbr.rel @p0 .LBB2_4-.Ltmp1, $4  }
0x26: {  	[tilespmem:s25+$0x1C0] =	vst v1  }
0x27: {  	[tilespmem:s25+$0x1D0] =	vst v1  }
0x28: {  	[tilespmem:s25+$0x1E0] =	vst v1  }
0x29: {  	[tilespmem:s25+$0x1F0] =	vst v1;
	s25 =	sshra.s32 s26, $0x2;
	s26 =	sadd.s32 $0x200, s26  }
0x2a: {  	[tilespmem:s25+$0x200] =	vst v1  }
0x2b: {  	[tilespmem:s25+$0x190] =	vst v1  }
0x2c: {  	[tilespmem:s25+$0x1A0] =	vst v1  }
0x2d: {  	[tilespmem:s25+$0x1B0] =	vst v1  }
0x2e: {  	[tilespmem:s25+$0x1C0] =	vst v1  }
0x2f: {  	[tilespmem:s25+$0x1D0] =	vst v1  }
0x30: {  	[tilespmem:s25+$0x1E0] =	vst v1  }
0x31: {  	[tilespmem:s25+$0x1F0] =	vst v1  }
0x32: {  	[spmem:s4] =	stream.linear.scatter [tilespmem:s14], [sflag:$0x7], $0x4000, $0x38;
	[tilespmem:$0x1AA00] =	vst v63  }
0x33: {  	_ =	swait.ge [sflag:s15], $0x4000  }
0x34: {  	[sflag:s15] =	ssyncset.done $0x0  }
0x35: {  	[sflag:s15] =	ssyncadd.s32 $0xFFFFC000  }
0x36: {  	[spmem:s6] =	stream.linear.scatter [tilespmem:s14], [sflag:$0x7], $0x4000, $0x38;
	[tilespmem:$0x1AA00] =	vst v63  }
0x37: {  	_ =	swait.ge [sflag:s15], $0x4000  }
0x38: {  	[sflag:s15] =	ssyncset.done $0x0  }
0x39: {  	[sflag:s15] =	ssyncadd.s32 $0xFFFFC000  }
0x3a: {  	[spmem:s7] =	stream.linear.scatter [tilespmem:s14], [sflag:$0x7], $0x4000, $0x38;
	[tilespmem:$0x1AA00] =	vst v63  }
0x3b: {  	_ =	swait.ge [sflag:s15], $0x4000  }
0x3c: {  	s25 =	simm.s32 $0x0;
	s28 =	simm.s32 $0xFFFFFFFF;
	[sflag:s15] =	ssyncset.done $0x0  }
0x3d: {  	p0 =	por $0x1, $0x1;
	s26 =	smul.u32 $0xAB, s25;
	[sflag:s15] =	ssyncadd.s32 $0xFFFFC000  }
0x3e: {  	[spmem:s8] =	stream.linear.scatter [tilespmem:s14], [sflag:$0x7], $0x4000, $0x38;
	[tilespmem:$0x1AA00] =	vst v63  }
0x3f: {  	s28 =	smul.u32 @!p0 $0xAB, s28;
	_ =	swait.ge [sflag:s15], $0x4000  }
0x40: {  	s26 =	sshrl.u32 s26, $0x9;
	[sflag:s15] =	ssyncset.done $0x0  }
0x41: {  	s28 =	sshrl.u32 @!p0 s28, $0x9;
	s26 =	sand.u32 $0x7F, s26;
	[sflag:s15] =	ssyncadd.s32 $0xFFFFC000  }
0x42: {  	[spmem:s9] =	stream.linear.scatter [tilespmem:s14], [sflag:$0x7], $0x4000, $0x38;
	[tilespmem:$0x1AA00] =	vst v63  }
0x43: {  	s28 =	sand.u32 @!p0 $0x7F, s28;
	s26 =	smul.u32 $0x3, s26;
	_ =	swait.ge [sflag:s15], $0x4000  }
0x44: {  	s0 =	simm.s32 $0x80;
	s28 =	smul.u32 @!p0 $0x3, s28;
	[sflag:s15] =	ssyncset.done $0x0  }
0x45: {  	s16 =	simm.s32 $0x100;
	p1 =	por p0, p0;
	[sflag:s15] =	ssyncadd.s32 $0xFFFFC000  }
0x46: {  	s26 =	ssub.s32 $0x0, s26;
	s28 =	ssub.s32 @!p0 $0xFFFFFFFF, s28;
	[bflag:$0x0] =	sbarrier.arrive $0xFFFF  }
0x47: {  	[tilespmem:s2], [sflag:$0x1] =	stream.linear.gather [hbm4b:s10+s2], $0x50, $0x38;
	[tilespmem:$0x1AA00] =	vst v63  }
0x48: {  	p0 =	por $0x0, $0x0;
	s29 =	sand.u32 $0xFF, s26;
	s26 =	simm.s32 $0x1  }
0x49: {  	[tilespmem:s0], [sflag:$0x2] =	stream.linear.gather [hbm4b:s11+s2], $0x50, $0x38;
	[tilespmem:$0x1AA00] =	vst v63  }
0x4a: {  	s28 =	sand.u32 @!p1 $0xFF, s28;
	s30 =	sadd.s32 $0x1, s29;
	s31 =	smul.u32 $0xAB, s26  }
0x4b: {  	[tilespmem:s16], [sflag:$0x3] =	stream.linear.gather [hbm4b:s12+s2], $0x50, $0x38;
	[tilespmem:$0x1AA00] =	vst v63  }
0x4c: {  	s17 =	sshll.u32 s29, $0x7;
	s31 =	sshrl.u32 s31, $0x9;
	_ =	swait.ge [sflag:s30], $0x50  }
0x4d: {  	s29 =	sor.u32 $0x4, s29;
	s31 =	sand.u32 $0x7F, s31;
	[sflag:s30] =	ssyncset.done $0x0  }
0x4e: {  	s31 =	smul.u32 $0x3, s31;
	s16 =	sor.u32 @!p1 $0x4, s28;
	[sflag:s30] =	ssyncadd.s32 $0xFFFFFFB0  }
0x4f: {  	[spmem:s1] =	stream.indirect.scatter.add.f32 [tilespmem:s19], [sflag:s29], $0x80, s17, s18, $0xb8;
	[tilespmem:$0x1AA00] =	vst v63  }
0x50: {  	s29 =	smul.u32 @!p0 $0xAB, s25;
	_ =	swait.ge @!p1 [sflag:s16], $0x2800  }
0x51: {  	s0 =	sshll.u32 @!p1 s28, $0x7;
	s28 =	sadd.s32 @!p1 $0x1, s28;
	[sflag:s16] =	ssyncset.done @!p1 $0x0  }
0x52: {  	s29 =	sshrl.u32 @!p0 s29, $0x9;
	[sflag:s16] =	ssyncadd.s32 @!p1 $0xFFFFD800;
	s16 =	simm.s32 @!p1 $0x0  }
0x53: {  	[tilespmem:s0], [sflag:s28] =	stream.linear.gather @!p1 [hbm4b:s13+s16], $0x50, $0x38;
	[tilespmem:$0x1AA00] =	vst v63  }
0x54: {  	s30 =	ssub.s32 $0x1, s31;
	s0 =	sand.u32 @!p0 $0x7F, s29  }
0x55: {  	s30 =	sand.u32 $0xFF, s30;
	s31 =	smul.u32 @!p0 $0x3, s0  }
0x56: {  	s29 =	sadd.s32 $0x1, s30;
	s28 =	smov.u32 s13  }
.LBB2_6:
0x57: {  	s0 =	ssub.s32 @!p0 s25, s31;
	s28 =	sadd.s32 $0xA, s28  }
0x58: {  	s25 =	smov.u32 s26;
	s26 =	sadd.s32 $0x1, s26;
	p1 =	por p0, p0  }
0x59: {  	s31 =	sshll.u32 s30, $0x7;
	s16 =	smul.u32 $0xAB, s26;
	p2 =	sne.s32 s26, $0x7C  }
0x5a: {  	s30 =	sor.u32 $0x4, s30;
	s0 =	sand.u32 @!p1 $0xFF, s0;
	p0 =	sgt.u32 s25, $0x79  }
0x5b: {  	s17 =	sshll.u32 @!p1 s0, $0x7;
	s16 =	sshrl.u32 s16, $0x9;
	_ =	swait.ge [sflag:s29], $0x50  }
0x5c: {  	s3 =	sor.u32 @!p1 $0x4, s0;
	s16 =	sand.u32 $0x7F, s16;
	[sflag:s29] =	ssyncset.done $0x0  }
0x5d: {  	s0 =	sadd.s32 @!p1 $0x1, s0;
	s16 =	smul.u32 $0x3, s16;
	[sflag:s29] =	ssyncadd.s32 $0xFFFFFFB0  }
0x5e: {  	[spmem:s1] =	stream.indirect.scatter.add.f32 [tilespmem:s19], [sflag:s30], $0x80, s31, s18, $0xb8;
	[tilespmem:$0x1AA00] =	vst v63  }
0x5f: {  	s31 =	smul.u32 @!p0 $0xAB, s25;
	s16 =	ssub.s32 s26, s16;
	_ =	swait.ge @!p1 [sflag:s3], $0x2800  }
.Ltmp2:
0x60: {  	s30 =	sand.u32 $0xFF, s16;
	[sflag:s3] =	ssyncset.done @!p1 $0x0;
	(pc) =	sbr.rel @p2 .LBB2_6-.Ltmp2, $4  }
0x61: {  	s16 =	sshrl.u32 @!p0 s31, $0x9;
	s29 =	sadd.s32 $0x1, s30;
	[sflag:s3] =	ssyncadd.s32 @!p1 $0xFFFFD800  }
0x62: {  	s3 =	sand.u32 @!p0 $0x7F, s16;
	s16 =	simm.s32 @!p1 $0x0  }
0x63: {  	s31 =	smul.u32 @!p0 $0x3, s3  }
0x64: {  	[tilespmem:s17], [sflag:s0] =	stream.linear.gather @!p1 [hbm4b:s28+s16], $0x50, $0x38;
	[tilespmem:$0x1AA00] =	vst v63  }
0x65: {  	s0 =	ssub.s32 @!p0 s25, s31;
	p0 =	por p0, p0;
	_ =	swait.ge [sflag:s29], $0x50  }
0x66: {  	s3 =	sshll.u32 s30, $0x7;
	s0 =	sand.u32 @!p0 $0xFF, s0;
	[sflag:s29] =	ssyncset.done $0x0  }
0x67: {  	s16 =	sor.u32 $0x4, s30;
	s17 =	sor.u32 @!p0 $0x4, s0;
	[sflag:s29] =	ssyncadd.s32 $0xFFFFFFB0  }
0x68: {  	[spmem:s1] =	stream.indirect.scatter.add.f32 [tilespmem:s19], [sflag:s16], $0x80, s3, s18, $0xb8;
	[tilespmem:$0x1AA00] =	vst v63  }
0x69: {  	_ =	swait.ge @!p0 [sflag:s17], $0x2800  }
0x6a: {  	s3 =	sadd.s32 $0xA, s28;
	s16 =	sshll.u32 @!p0 s0, $0x7;
	[sflag:s17] =	ssyncset.done @!p0 $0x0  }
0x6b: {  	s0 =	sadd.s32 @!p0 $0x1, s0;
	[sflag:s17] =	ssyncadd.s32 @!p0 $0xFFFFD800;
	s17 =	simm.s32 @!p0 $0x0  }
0x6c: {  	[tilespmem:s16], [sflag:s0] =	stream.linear.gather @!p0 [hbm4b:s3+s17], $0x50, $0x38;
	[tilespmem:$0x1AA00] =	vst v63  }
0x6d: {  	_ =	swait.ge [sflag:s20], $0x2800  }
0x6e: {  	[sflag:s20] =	ssyncset.done $0x0  }
0x6f: {  	[sflag:s20] =	ssyncadd.s32 $0xFFFFD800  }
0x70: {  	_ =	swait.ge [sflag:s21], $0x2800  }
0x71: {  	[sflag:s21] =	ssyncset.done $0x0  }
0x72: {  	[sflag:s21] =	ssyncadd.s32 $0xFFFFD800  }
0x73: {  	s30 =	stileid.u32;
	_ =	swait.ge [sflag:s22], $0x2800  }
0x74: {  	s31 =	sshrl.u32 s4, $0x3;
	s24 =	sadd.s32 $0x1, s24;
	[sflag:s22] =	ssyncset.done $0x0  }
0x75: {  	s0 =	sshll.u32 s30, $0x6;
	p0 =	sne.s32 s24, s5;
	[sflag:s22] =	ssyncadd.s32 $0xFFFFD800  }
.Ltmp3:
0x76: {  	s0 =	sor.u32 $0x1C07, s0;
	[bflag:$0x0] =	sbarrier.arrive $0xFFFF;
	(pc) =	sbr.rel @p0 .LBB2_1-.Ltmp3, $4  }
0x77: {  	[hbm:s23], [sflag:s0] =	dma.local [spmem:s31], $0x2800  }
0x78: {  	_ =	swait.ge [sflag:s15], $0x2800  }
0x79: {  	[sflag:s15] =	ssyncset.done $0x0  }
0x7a: {  	[sflag:s15] =	ssyncadd.s32 $0xFFFFD800  }
0x7b: {  	_ =	sfence.sel $0x180000  }
0x7c: {  	[bflag:$0x0] =	sbarrier.arrive $0xFFFF  }
0x7d: {  	_ =	strace $0x9000004A  }
0x7e: {  	s0 =	stileid.u32;
	[bflag:$0x2] =	sbarrier.arrive $0xFFFF  }
0x7f: {  	p0 =	sne.s32 s0, $0x0;
	s0 =	rddreg [dreg:$0x2]  }
0x80: {  	s0 =	sadd.s32 @!p0 $0x100000, s0  }
0x81: {  	[sflag:s0] =	ssyncadd.tile.s32 @!p0 $0x1;
	_ =	shalt  }
.Lfunc_end2:
_tile_overlayer_lowered:
.L_overlay_start_2:
0x82: {  	(tag) =	ssettag $0x2  }
0x83: {  	s0 =	rddreg [dreg:$0x0];
	s2 =	stileid.u32  }
0x84: {  	s1 =	rddreg [dreg:$0x1];
	p0 =	sne.s32 s2, $0x0  }
0x85: {  	s3 =	rddreg [dreg:$0x2];
	[bflag:$0x3] =	sbarrier.arrive $0xFFFF;
	s2 =	simm.s32 @!p0 $0x1C07  }
0x86: {  	[timem:s3], [sflag:s2] =	dma.local @!p0 [hbm:s0], s1  }
0x87: {  	s0 =	simm.s32 @!p0 $0x7  }
0x88: {  	_ =	swait.ge @!p0 [sflag:s0], s1  }
0x89: {  	s1 =	ssub.s32 @!p0 $0x0, s1;
	[sflag:s0] =	ssyncset.done @!p0 $0x0  }
0x8a: {  	[sflag:s0] =	ssyncadd.s32 @!p0 s1  }
0x8b: {  	[bflag:$0x3] =	sbarrier.arrive $0xFFFF  }
0x8c: {  	_ =	shalt  }

</sc_bundles>
